<compile_context>
chip_gen: v7x
topology: tpu7x:2x2x1
jax: 0.10.2.dev20260603
libtpu: 0.0.44.dev20260713+nightly
codegen_flags: <defaults>
</compile_context>

<pallas_src>
import functools

import jax
import jax.numpy as jnp
from jax import lax
from jax.experimental import pallas as pl
from jax.experimental.pallas import tpu as pltpu
from jax.experimental.pallas import tpu_sc as plsc

N = 10000
E = 320000
D = 128
G = 64
DOUT = 10

NBLK = 256
N_PAD = 10240
DUMP = N
NT = 32
CHUNK = 128
NCHUNK = 80
E_PAD = NT * CHUNK * NCHUNK
IP = 2
NCH_P = NCHUNK // IP
STRIPE = N_PAD // 16
TOTC = E_PAD // CHUNK
K0 = 154
K1 = (TOTC // 16) - K0


def _sc_mesh():
    return plsc.VectorSubcoreMesh(core_axis_name="c", subcore_axis_name="s")



def _deg_partials(dst2, ones_rows, zrow):
    @functools.partial(
        pl.kernel,
        out_type=jax.ShapeDtypeStruct((2, N_PAD, D), jnp.float32),
        mesh=_sc_mesh(),
        scratch_types=[
            pltpu.VMEM((NCH_P, CHUNK), jnp.int32),
            pltpu.VMEM((CHUNK, D), jnp.float32),
            pltpu.VMEM_SHARED((N_PAD, D), jnp.float32),
        ],
    )
    def k(dst_hbm, ones_hbm, z_hbm, out_hbm, dstv, onesv, acc):
        c = lax.axis_index("c")
        s = lax.axis_index("s")
        wid = c * 16 + s
        pltpu.sync_copy(z_hbm, acc.at[pl.ds(s * STRIPE, STRIPE)])
        pltpu.sync_copy(ones_hbm, onesv)
        plsc.subcore_barrier()

        for p in range(IP):
            st = wid * NCHUNK + p * NCH_P
            pltpu.sync_copy(dst_hbm.at[pl.ds(st, NCH_P)], dstv)

            @pl.loop(0, NCH_P)
            def _(j):
                pltpu.sync_copy(onesv, acc.at[dstv.at[j]], add=True)

        plsc.subcore_barrier()
        pltpu.sync_copy(acc.at[pl.ds(s * STRIPE, STRIPE)],
                        out_hbm.at[c, pl.ds(s * STRIPE, STRIPE)])

    return k(dst2, ones_rows, zrow)



def _agg_partials(g, chunks, zrow):
    @functools.partial(
        pl.kernel,
        out_type=jax.ShapeDtypeStruct((2, N_PAD, D), jnp.float32),
        mesh=_sc_mesh(),
        scratch_types=[
            pltpu.VMEM((2, CHUNK), jnp.int32),
            pltpu.VMEM((2, CHUNK), jnp.int32),
            pltpu.VMEM((CHUNK, D), jnp.float32),
            pltpu.VMEM((CHUNK, D), jnp.float32),
            pltpu.VMEM_SHARED((N_PAD, D), jnp.float32),
            pltpu.SemaphoreType.DMA,
            pltpu.SemaphoreType.DMA,
            pltpu.SemaphoreType.DMA,
            pltpu.SemaphoreType.DMA,
        ],
    )
    def k(g_hbm, idx_hbm, z_hbm, out_hbm,
          ib0, ib1, bufa, bufb, acc, sema, semb, semi0, semi1):
        c = lax.axis_index("c")
        s = lax.axis_index("s")
        start = jnp.where(c == 0, s * K0, 16 * K0 + s * K1)
        npairs = jnp.where(c == 0, K0 // 2, K1 // 2)
        pltpu.sync_copy(z_hbm, acc.at[pl.ds(s * STRIPE, STRIPE)])
        plsc.subcore_barrier()

        pltpu.sync_copy(idx_hbm.at[start], ib0)
        pltpu.async_copy(g_hbm.at[ib0.at[0]], bufa, sema)
        pltpu.async_copy(idx_hbm.at[start + 1], ib1, semi1)

        def pair(p, _):
            j = start + 2 * p
            not_last = p + 1 < npairs
            pltpu.make_async_copy(idx_hbm.at[j + 1], ib1, semi1).wait()
            pltpu.async_copy(g_hbm.at[ib1.at[0]], bufb, semb)
            pltpu.make_async_copy(g_hbm.at[ib0.at[0]], bufa, sema).wait()
            pltpu.sync_copy(bufa, acc.at[ib0.at[1]], add=True)

            @pl.when(not_last)
            def _():
                pltpu.async_copy(idx_hbm.at[j + 2], ib0, semi0)

            pltpu.make_async_copy(g_hbm.at[ib1.at[0]], bufb, semb).wait()
            pltpu.sync_copy(bufb, acc.at[ib1.at[1]], add=True)

            @pl.when(not_last)
            def _():
                pltpu.make_async_copy(idx_hbm.at[j + 2], ib0, semi0).wait()
                pltpu.async_copy(g_hbm.at[ib0.at[0]], bufa, sema)
                pltpu.async_copy(idx_hbm.at[j + 3], ib1, semi1)

            return 0

        lax.fori_loop(0, npairs, pair, 0)

        plsc.subcore_barrier()
        pltpu.sync_copy(acc.at[pl.ds(s * STRIPE, STRIPE)],
                        out_hbm.at[c, pl.ds(s * STRIPE, STRIPE)])

    return k(g, chunks, zrow)



def _dinv_block(d_ref):
    deg = d_ref[0, :, 0:1] + d_ref[1, :, 0:1] + 1.0
    return lax.rsqrt(deg)


def _tc_matmul(x_p, W0):
    def body(x_ref, w_ref, u_ref):
        u_ref[...] = jnp.dot(x_ref[...], w_ref[...],
                             preferred_element_type=jnp.float32)

    return pl.pallas_call(
        body,
        grid=(N_PAD // NBLK,),
        in_specs=[
            pl.BlockSpec((NBLK, D), lambda i: (i, 0)),
            pl.BlockSpec((D, D), lambda i: (0, 0)),
        ],
        out_specs=pl.BlockSpec((NBLK, D), lambda i: (i, 0)),
        out_shape=jax.ShapeDtypeStruct((N_PAD, D), jnp.float32),
    )(x_p, W0)


def _tc_scale(u, degp):
    def body(u_ref, d_ref, g_ref):
        g_ref[...] = _dinv_block(d_ref) * u_ref[...]

    return pl.pallas_call(
        body,
        grid=(N_PAD // NBLK,),
        in_specs=[
            pl.BlockSpec((NBLK, D), lambda i: (i, 0)),
            pl.BlockSpec((2, NBLK, D), lambda i: (0, i, 0)),
        ],
        out_specs=pl.BlockSpec((NBLK, D), lambda i: (i, 0)),
        out_shape=jax.ShapeDtypeStruct((N_PAD, D), jnp.float32),
    )(u, degp)


def _tc_layer(aggp, g_prev, degp, bias, W_next):
    def body(a_ref, g_ref, d_ref, b_ref, w_ref, o_ref):
        dinv = _dinv_block(d_ref)
        h = dinv * (a_ref[0] + a_ref[1] + g_ref[...]) + b_ref[...]
        h = jnp.maximum(h, 0.0)
        o_ref[...] = dinv * jnp.dot(h, w_ref[...],
                                    preferred_element_type=jnp.float32)

    return pl.pallas_call(
        body,
        grid=(N_PAD // NBLK,),
        in_specs=[
            pl.BlockSpec((2, NBLK, D), lambda i: (0, i, 0)),
            pl.BlockSpec((NBLK, D), lambda i: (i, 0)),
            pl.BlockSpec((2, NBLK, D), lambda i: (0, i, 0)),
            pl.BlockSpec((1, D), lambda i: (0, 0)),
            pl.BlockSpec((D, D), lambda i: (0, 0)),
        ],
        out_specs=pl.BlockSpec((NBLK, D), lambda i: (i, 0)),
        out_shape=jax.ShapeDtypeStruct((N_PAD, D), jnp.float32),
    )(aggp, g_prev, degp, bias, W_next)


def _tc_final(aggp, g_prev, degp, bias, batch3, Wlin, blin):
    nsteps = N_PAD // NBLK

    def body(a_ref, g_ref, d_ref, b_ref, bt_ref, wl_ref, bl_ref,
             o_ref, pooled, counts):
        i = pl.program_id(0)

        @pl.when(i == 0)
        def _():
            pooled[...] = jnp.zeros_like(pooled)
            counts[...] = jnp.zeros_like(counts)

        dinv = _dinv_block(d_ref)
        h = dinv * (a_ref[0] + a_ref[1] + g_ref[...]) + b_ref[...]
        h = jnp.maximum(h, 0.0)

        bvals = bt_ref[0]
        gids = lax.broadcasted_iota(jnp.int32, (G, 1), 0)
        onehot = (gids == bvals).astype(jnp.float32)
        pooled[...] += jnp.dot(onehot, h, preferred_element_type=jnp.float32)
        counts[...] += jnp.sum(onehot, axis=1, keepdims=True)

        @pl.when(i == nsteps - 1)
        def _():
            mean = pooled[...] / jnp.maximum(counts[:, 0:1], 1.0)
            o_ref[...] = jnp.dot(mean, wl_ref[...],
                                 preferred_element_type=jnp.float32) + bl_ref[...]

    return pl.pallas_call(
        body,
        grid=(nsteps,),
        in_specs=[
            pl.BlockSpec((2, NBLK, D), lambda i: (0, i, 0)),
            pl.BlockSpec((NBLK, D), lambda i: (i, 0)),
            pl.BlockSpec((2, NBLK, D), lambda i: (0, i, 0)),
            pl.BlockSpec((1, D), lambda i: (0, 0)),
            pl.BlockSpec((1, 1, NBLK), lambda i: (i, 0, 0)),
            pl.BlockSpec((D, DOUT), lambda i: (0, 0)),
            pl.BlockSpec((1, DOUT), lambda i: (0, 0)),
        ],
        out_specs=pl.BlockSpec((G, DOUT), lambda i: (0, 0)),
        out_shape=jax.ShapeDtypeStruct((G, DOUT), jnp.float32),
        scratch_shapes=[
            pltpu.VMEM((G, D), jnp.float32),
            pltpu.VMEM((G, 1), jnp.float32),
        ],
    )(aggp, g_prev, degp, bias, batch3, Wlin, blin)



def kernel(x, edge_index, batch, W0, b0, W, b, Wlin, blin):
    f32 = jnp.float32
    x_p = jnp.zeros((N_PAD, D), f32).at[:N].set(x)

    src = edge_index[0].astype(jnp.int32)
    dst = edge_index[1].astype(jnp.int32)
    padlen = E_PAD - E
    pad_src = jnp.full((padlen,), DUMP, jnp.int32)
    pad_dst = DUMP + (jnp.arange(padlen, dtype=jnp.int32) % (N_PAD - N))
    src_p = jnp.concatenate([src, pad_src])
    dst_p = jnp.concatenate([dst, pad_dst])
    dst2 = dst_p.reshape(TOTC, CHUNK)
    chunks = jnp.stack([src_p.reshape(TOTC, CHUNK), dst2], axis=1)

    batch_p = jnp.full((N_PAD,), G, jnp.int32).at[:N].set(batch.astype(jnp.int32))
    batch3 = batch_p.reshape(N_PAD // NBLK, 1, NBLK)

    ones_rows = jnp.ones((CHUNK, D), f32)
    zrow = jnp.zeros((STRIPE, D), f32)
    b0_2d = b0.reshape(1, D).astype(f32)
    b_2d = b.reshape(1, D).astype(f32)
    blin_2d = blin.reshape(1, DOUT).astype(f32)

    degp = _deg_partials(dst2, ones_rows, zrow)
    u1 = _tc_matmul(x_p, W0.astype(f32))

    g1 = _tc_scale(u1, degp)
    agg1 = _agg_partials(g1, chunks, zrow)
    g2 = _tc_layer(agg1, g1, degp, b0_2d, W.astype(f32))
    agg2 = _agg_partials(g2, chunks, zrow)
    g3 = _tc_layer(agg2, g2, degp, b_2d, W.astype(f32))
    agg3 = _agg_partials(g3, chunks, zrow)

    return _tc_final(agg3, g3, degp, b_2d, batch3, Wlin.astype(f32), blin_2d)

# --- scband reference (transcript-rebuilt; emitter-appended) ---
"""Pipeline reference for scband-gcn-32779190403559 (READ-ONLY COPY).

The authoritative reference and input builder live on the scoring server;
editing this copy changes nothing except your own understanding.
"""

import jax, jax.numpy as jnp
import numpy as np

N_NODES = 10000
N_EDGES = 320000
D_IN = 128
D_HID = 128
D_OUT = 10
NUM_GRAPHS = 64


def gcn_conv(x, edge_index, W, b, num_nodes):
    # PyG-style GCNConv: add self-loops, symmetric normalization, linear, scatter-add, bias
    src = edge_index[0]
    dst = edge_index[1]
    loop = jnp.arange(num_nodes, dtype=src.dtype)
    src = jnp.concatenate([src, loop])
    dst = jnp.concatenate([dst, loop])
    deg = jnp.zeros((num_nodes,), dtype=x.dtype).at[dst].add(1.0)
    dinv = jnp.where(deg > 0, deg ** -0.5, 0.0)
    norm = dinv[src] * dinv[dst]
    h = x @ W
    msgs = h[src] * norm[:, None]
    out = jax.ops.segment_sum(msgs, dst, num_segments=num_nodes)
    return out + b


def setup_inputs(seed: int = 0) -> dict:
    key = jax.random.key(seed)
    k1, k2, k3, k4, k5, k6, k7, k8, k9 = jax.random.split(key, 9)
    x = jax.random.normal(k1, (N_NODES, D_IN), dtype=jnp.float32)
    edge_index = jax.random.randint(k2, (2, N_EDGES), 0, N_NODES, dtype=jnp.int64)
    batch = jnp.sort(jax.random.randint(k3, (N_NODES,), 0, NUM_GRAPHS, dtype=jnp.int64))
    W0 = jax.random.normal(k4, (D_IN, D_HID), dtype=jnp.float32) * (1.0 / np.sqrt(D_IN))
    b0 = jnp.zeros((D_HID,), dtype=jnp.float32)
    W = jax.random.normal(k5, (D_HID, D_HID), dtype=jnp.float32) * (1.0 / np.sqrt(D_HID))
    b = jnp.zeros((D_HID,), dtype=jnp.float32)
    Wlin = jax.random.normal(k6, (D_HID, D_OUT), dtype=jnp.float32) * (1.0 / np.sqrt(D_HID))
    blin = jnp.zeros((D_OUT,), dtype=jnp.float32)
    return {"x": x, "edge_index": edge_index, "batch": batch,
            "W0": W0, "b0": b0, "W": W, "b": b, "Wlin": Wlin, "blin": blin}


def reference(x, edge_index, batch, W0, b0, W, b, Wlin, blin):
    # conv0 + relu (dropout is identity in eval mode)
    h = gcn_conv(x, edge_index, W0, b0, N_NODES)
    h = jax.nn.relu(h)
    # num_layers=3 -> 2 hidden blocks sharing conv weights
    for _ in range(2):
        h = gcn_conv(h, edge_index, W, b, N_NODES)
        h = jax.nn.relu(h)
    # global_mean_pool over batch assignment
    sums = jax.ops.segment_sum(h, batch, num_segments=NUM_GRAPHS)
    counts = jax.ops.segment_sum(jnp.ones((N_NODES,), dtype=h.dtype), batch, num_segments=NUM_GRAPHS)
    pooled = sums / jnp.clip(counts, 1.0, None)[:, None]
    # final linear (final_dropout is identity in eval mode)
    out = pooled @ Wlin + blin
    return out

if __name__ == "__main__":
    import jax
    _d = setup_inputs()
    print(jax.jit(kernel)(*tuple(_d.values())))

</pallas_src>

<mosaic_0001>
#map = affine_map<(d0, d1) -> (0, 0)>
#map1 = affine_map<(d0, d1) -> (0, 0, 0)>
module attributes {stable_mosaic.version = 14 : i64} {
  func.func @k(%arg0: i32, %arg1: i32, %arg2: memref<10240x128xf32, #tpu.memory_space<hbm>>, %arg3: memref<2560x2x128xi32, #tpu.memory_space<hbm>>, %arg4: memref<640x128xf32, #tpu.memory_space<hbm>>, %arg5: memref<2x10240x128xf32, #tpu.memory_space<hbm>>, %arg6: memref<2x128xi32, #tpu.memory_space<vmem>>, %arg7: memref<2x128xi32, #tpu.memory_space<vmem>>, %arg8: memref<128x128xf32, #tpu.memory_space<vmem>>, %arg9: memref<128x128xf32, #tpu.memory_space<vmem>>, %arg10: memref<10240x128xf32, #tpu.memory_space<vmem_shared>>, %arg11: memref<!tpu.dma_semaphore, #tpu.memory_space<semaphore_mem>>, %arg12: memref<!tpu.dma_semaphore, #tpu.memory_space<semaphore_mem>>, %arg13: memref<!tpu.dma_semaphore, #tpu.memory_space<semaphore_mem>>, %arg14: memref<!tpu.dma_semaphore, #tpu.memory_space<semaphore_mem>>) attributes {dimension_semantics = [#tpu.dimension_semantics<core_parallel>, #tpu.dimension_semantics<subcore_parallel>], iteration_bounds = array<i64: 2, 16>, scalar_prefetch = 0 : i64, scratch_operands = 9 : i64, tpu.core_type = #tpu.core_type<sc_vector_subcore>, window_params = [{transform_indices = #map}, {transform_indices = #map1}, {transform_indices = #map}, {transform_indices = #map1}]} {
    %eq3A = arith.constant 0 : i32
    %eq3A_0 = arith.cmpi eq, %arg0, %eq3A : i32
    %mul3A = arith.constant 154 : i32
    %mul3A_1 = arith.muli %arg1, %mul3A : i32
    %mul3A_2 = arith.constant 6 : i32
    %mul3A_3 = arith.muli %arg1, %mul3A_2 : i32
    %add3A = arith.constant 2464 : i32
    %add3A_4 = arith.addi %add3A, %mul3A_3 : i32
    %select_n3A = arith.select %eq3A_0, %mul3A_1, %add3A_4 : i32
    %eq3A_5 = arith.constant 0 : i32
    %eq3A_6 = arith.cmpi eq, %arg0, %eq3A_5 : i32
    %jit3A = arith.constant 77 : i32
    %jit3A_7 = arith.constant 3 : i32
    %select_n3A_8 = arith.select %eq3A_6, %jit3A, %jit3A_7 : i32
    %mul3A_9 = arith.constant 640 : i32
    %mul3A_10 = arith.muli %arg1, %mul3A_9 : i32
    "tpu.region"() ({
      %run_scoped3A = tpu.sem_alloc : memref<!tpu.dma_semaphore, #tpu.memory_space<semaphore_mem>>
      %dma_start3A_43 = arith.constant 0 : i32
      %dma_start3A_44 = tpu.memref_slice %arg10[%mul3A_10, %dma_start3A_43] : memref<10240x128xf32, #tpu.memory_space<vmem_shared>> -> memref<640x128xf32, #tpu.memory_space<vmem_shared>>
      tpu.enqueue_dma source(%arg4 : memref<640x128xf32, #tpu.memory_space<hbm>>) target(%dma_start3A_44 : memref<640x128xf32, #tpu.memory_space<vmem_shared>>) target_semaphore(%run_scoped3A : memref<!tpu.dma_semaphore, #tpu.memory_space<semaphore_mem>>)
      %dma_wait3A = arith.constant 0 : i32
      %dma_wait3A_45 = tpu.memref_slice %arg10[%mul3A_10, %dma_wait3A] : memref<10240x128xf32, #tpu.memory_space<vmem_shared>> -> memref<640x128xf32, #tpu.memory_space<vmem_shared>>
      tpu.wait_dma2 semaphore(%run_scoped3A : memref<!tpu.dma_semaphore, #tpu.memory_space<semaphore_mem>>) src(%arg4 : memref<640x128xf32, #tpu.memory_space<hbm>>) dst(%dma_wait3A_45 : memref<640x128xf32, #tpu.memory_space<vmem_shared>>)
      tpu.yield
    }) : () -> ()
    %barrier3A = arith.constant 0 : index
    tpu.barrier barrier_id(%barrier3A)
    "tpu.region"() ({
      %run_scoped3A = tpu.sem_alloc : memref<!tpu.dma_semaphore, #tpu.memory_space<semaphore_mem>>
      %dma_start3A_43 = arith.constant 0 : i32
      %dma_start3A_44 = arith.constant 0 : i32
      %dma_start3A_45 = tpu.memref_slice %arg3[%select_n3A, %dma_start3A_43, %dma_start3A_44] : memref<2560x2x128xi32, #tpu.memory_space<hbm>> -> memref<1x2x128xi32, #tpu.memory_space<hbm>>
      %dma_start3A_46 = tpu.memref_squeeze %dma_start3A_45 : memref<1x2x128xi32, #tpu.memory_space<hbm>> -> memref<2x128xi32, #tpu.memory_space<hbm>>
      %dma_start3A_47 = arith.constant 0 : i32
      %dma_start3A_48 = arith.constant 0 : i32
      %dma_start3A_49 = tpu.memref_slice %arg3[%select_n3A, %dma_start3A_47, %dma_start3A_48] : memref<2560x2x128xi32, #tpu.memory_space<hbm>> -> memref<1x2x128xi32, #tpu.memory_space<hbm>>
      %dma_start3A_50 = tpu.memref_squeeze %dma_start3A_49 : memref<1x2x128xi32, #tpu.memory_space<hbm>> -> memref<2x128xi32, #tpu.memory_space<hbm>>
      tpu.enqueue_dma source(%dma_start3A_50 : memref<2x128xi32, #tpu.memory_space<hbm>>) target(%arg6 : memref<2x128xi32, #tpu.memory_space<vmem>>) target_semaphore(%run_scoped3A : memref<!tpu.dma_semaphore, #tpu.memory_space<semaphore_mem>>)
      %dma_wait3A = arith.constant 0 : i32
      %dma_wait3A_51 = arith.constant 0 : i32
      %dma_wait3A_52 = tpu.memref_slice %arg3[%select_n3A, %dma_wait3A, %dma_wait3A_51] : memref<2560x2x128xi32, #tpu.memory_space<hbm>> -> memref<1x2x128xi32, #tpu.memory_space<hbm>>
      %dma_wait3A_53 = tpu.memref_squeeze %dma_wait3A_52 : memref<1x2x128xi32, #tpu.memory_space<hbm>> -> memref<2x128xi32, #tpu.memory_space<hbm>>
      %dma_wait3A_54 = arith.constant 0 : i32
      %dma_wait3A_55 = arith.constant 0 : i32
      %dma_wait3A_56 = tpu.memref_slice %arg3[%select_n3A, %dma_wait3A_54, %dma_wait3A_55] : memref<2560x2x128xi32, #tpu.memory_space<hbm>> -> memref<1x2x128xi32, #tpu.memory_space<hbm>>
      %dma_wait3A_57 = tpu.memref_squeeze %dma_wait3A_56 : memref<1x2x128xi32, #tpu.memory_space<hbm>> -> memref<2x128xi32, #tpu.memory_space<hbm>>
      tpu.wait_dma2 semaphore(%run_scoped3A : memref<!tpu.dma_semaphore, #tpu.memory_space<semaphore_mem>>) src(%dma_wait3A_57 : memref<2x128xi32, #tpu.memory_space<hbm>>) dst(%arg6 : memref<2x128xi32, #tpu.memory_space<vmem>>)
      tpu.yield
    }) : () -> ()
    %dma_start3A = arith.constant 0 : i32
    %dma_start3A_11 = arith.constant 0 : i32
    %dma_start3A_12 = tpu.memref_slice %arg6[%dma_start3A, %dma_start3A_11] : memref<2x128xi32, #tpu.memory_space<vmem>> -> memref<1x128xi32, #tpu.memory_space<vmem>>
    %dma_start3A_13 = tpu.memref_squeeze %dma_start3A_12 : memref<1x128xi32, #tpu.memory_space<vmem>> -> memref<128xi32, #tpu.memory_space<vmem>>
    %dma_start3A_14 = arith.constant 0 : i32
    %dma_start3A_15 = arith.constant 0 : i32
    %dma_start3A_16 = tpu.memref_slice %arg2[%dma_start3A_14, %dma_start3A_15] : memref<10240x128xf32, #tpu.memory_space<hbm>> -> memref<10240x128xf32, #tpu.memory_space<hbm>>
    tpu.enqueue_indirect_dma source(%dma_start3A_16 : memref<10240x128xf32, #tpu.memory_space<hbm>>) target(%arg8 : memref<128x128xf32, #tpu.memory_space<vmem>>) offsets(%dma_start3A_13 : memref<128xi32, #tpu.memory_space<vmem>>) semaphore(%arg11 : memref<!tpu.dma_semaphore, #tpu.memory_space<semaphore_mem>>)
    %add3A_17 = arith.constant 1 : i32
    %add3A_18 = arith.addi %select_n3A, %add3A_17 : i32
    %dma_start3A_19 = arith.constant 0 : i32
    %dma_start3A_20 = arith.constant 0 : i32
    %dma_start3A_21 = tpu.memref_slice %arg3[%add3A_18, %dma_start3A_19, %dma_start3A_20] : memref<2560x2x128xi32, #tpu.memory_space<hbm>> -> memref<1x2x128xi32, #tpu.memory_space<hbm>>
    %dma_start3A_22 = tpu.memref_squeeze %dma_start3A_21 : memref<1x2x128xi32, #tpu.memory_space<hbm>> -> memref<2x128xi32, #tpu.memory_space<hbm>>
    %dma_start3A_23 = arith.constant 0 : i32
    %dma_start3A_24 = arith.constant 0 : i32
    %dma_start3A_25 = tpu.memref_slice %arg3[%add3A_18, %dma_start3A_23, %dma_start3A_24] : memref<2560x2x128xi32, #tpu.memory_space<hbm>> -> memref<1x2x128xi32, #tpu.memory_space<hbm>>
    %dma_start3A_26 = tpu.memref_squeeze %dma_start3A_25 : memref<1x2x128xi32, #tpu.memory_space<hbm>> -> memref<2x128xi32, #tpu.memory_space<hbm>>
    tpu.enqueue_dma source(%dma_start3A_26 : memref<2x128xi32, #tpu.memory_space<hbm>>) target(%arg7 : memref<2x128xi32, #tpu.memory_space<vmem>>) target_semaphore(%arg14 : memref<!tpu.dma_semaphore, #tpu.memory_space<semaphore_mem>>)
    %while3A = arith.constant 0 : i32
    %while3A_27 = arith.constant 0 : i32
    %while3A_28 = arith.subi %select_n3A_8, %while3A : i32
    %while3A_29 = arith.addi %while3A, %while3A_28 : i32
    %while3A_30 = arith.constant 1 : i32
    %while3A_31 = arith.divsi %while3A_28, %while3A_30 : i32
    %while3A_32 = arith.muli %while3A_31, %while3A_30 : i32
    %while3A_33 = arith.addi %while3A, %while3A_32 : i32
    %while3A_34 = arith.constant 1 : i32
    %while3A_35 = scf.for %while3A_43 = %while3A to %while3A_33 step %while3A_34 iter_args(%while3A_44 = %while3A_27) -> (i32)  : i32 {
      %mul3A_45 = arith.constant 2 : i32
      %mul3A_46 = arith.muli %mul3A_45, %while3A_43 : i32
      %add3A_47 = arith.addi %select_n3A, %mul3A_46 : i32
      %add3A_48 = arith.constant 1 : i32
      %add3A_49 = arith.addi %while3A_43, %add3A_48 : i32
      %lt3A = arith.cmpi slt, %add3A_49, %select_n3A_8 : i32
      %add3A_50 = arith.constant 1 : i32
      %add3A_51 = arith.addi %add3A_47, %add3A_50 : i32
      %dma_wait3A = arith.constant 0 : i32
      %dma_wait3A_52 = arith.constant 0 : i32
      %dma_wait3A_53 = tpu.memref_slice %arg3[%add3A_51, %dma_wait3A, %dma_wait3A_52] : memref<2560x2x128xi32, #tpu.memory_space<hbm>> -> memref<1x2x128xi32, #tpu.memory_space<hbm>>
      %dma_wait3A_54 = tpu.memref_squeeze %dma_wait3A_53 : memref<1x2x128xi32, #tpu.memory_space<hbm>> -> memref<2x128xi32, #tpu.memory_space<hbm>>
      %dma_wait3A_55 = arith.constant 0 : i32
      %dma_wait3A_56 = arith.constant 0 : i32
      %dma_wait3A_57 = tpu.memref_slice %arg3[%add3A_51, %dma_wait3A_55, %dma_wait3A_56] : memref<2560x2x128xi32, #tpu.memory_space<hbm>> -> memref<1x2x128xi32, #tpu.memory_space<hbm>>
      %dma_wait3A_58 = tpu.memref_squeeze %dma_wait3A_57 : memref<1x2x128xi32, #tpu.memory_space<hbm>> -> memref<2x128xi32, #tpu.memory_space<hbm>>
      tpu.wait_dma2 semaphore(%arg14 : memref<!tpu.dma_semaphore, #tpu.memory_space<semaphore_mem>>) src(%dma_wait3A_58 : memref<2x128xi32, #tpu.memory_space<hbm>>) dst(%arg7 : memref<2x128xi32, #tpu.memory_space<vmem>>)
      %dma_start3A_59 = arith.constant 0 : i32
      %dma_start3A_60 = arith.constant 0 : i32
      %dma_start3A_61 = tpu.memref_slice %arg7[%dma_start3A_59, %dma_start3A_60] : memref<2x128xi32, #tpu.memory_space<vmem>> -> memref<1x128xi32, #tpu.memory_space<vmem>>
      %dma_start3A_62 = tpu.memref_squeeze %dma_start3A_61 : memref<1x128xi32, #tpu.memory_space<vmem>> -> memref<128xi32, #tpu.memory_space<vmem>>
      %dma_start3A_63 = arith.constant 0 : i32
      %dma_start3A_64 = arith.constant 0 : i32
      %dma_start3A_65 = tpu.memref_slice %arg2[%dma_start3A_63, %dma_start3A_64] : memref<10240x128xf32, #tpu.memory_space<hbm>> -> memref<10240x128xf32, #tpu.memory_space<hbm>>
      tpu.enqueue_indirect_dma source(%dma_start3A_65 : memref<10240x128xf32, #tpu.memory_space<hbm>>) target(%arg9 : memref<128x128xf32, #tpu.memory_space<vmem>>) offsets(%dma_start3A_62 : memref<128xi32, #tpu.memory_space<vmem>>) semaphore(%arg12 : memref<!tpu.dma_semaphore, #tpu.memory_space<semaphore_mem>>)
      %dma_wait3A_66 = arith.constant 0 : i32
      %dma_wait3A_67 = arith.constant 0 : i32
      %dma_wait3A_68 = tpu.memref_slice %arg6[%dma_wait3A_66, %dma_wait3A_67] : memref<2x128xi32, #tpu.memory_space<vmem>> -> memref<1x128xi32, #tpu.memory_space<vmem>>
      %dma_wait3A_69 = tpu.memref_squeeze %dma_wait3A_68 : memref<1x128xi32, #tpu.memory_space<vmem>> -> memref<128xi32, #tpu.memory_space<vmem>>
      %dma_wait3A_70 = arith.constant 0 : i32
      %dma_wait3A_71 = arith.constant 0 : i32
      %dma_wait3A_72 = tpu.memref_slice %arg2[%dma_wait3A_70, %dma_wait3A_71] : memref<10240x128xf32, #tpu.memory_space<hbm>> -> memref<10240x128xf32, #tpu.memory_space<hbm>>
      tpu.wait_indirect_dma semaphore(%arg11 : memref<!tpu.dma_semaphore, #tpu.memory_space<semaphore_mem>>) src(%dma_wait3A_72 : memref<10240x128xf32, #tpu.memory_space<hbm>>) dst(%arg8 : memref<128x128xf32, #tpu.memory_space<vmem>>)
      %run_scoped3A = arith.constant 1 : i32
      "tpu.region"() ({
        %run_scoped3A_86 = tpu.sem_alloc : memref<!tpu.dma_semaphore, #tpu.memory_space<semaphore_mem>>
        %dma_start3A_87 = arith.constant 0 : i32
        %dma_start3A_88 = tpu.memref_slice %arg6[%run_scoped3A, %dma_start3A_87] : memref<2x128xi32, #tpu.memory_space<vmem>> -> memref<1x128xi32, #tpu.memory_space<vmem>>
        %dma_start3A_89 = tpu.memref_squeeze %dma_start3A_88 : memref<1x128xi32, #tpu.memory_space<vmem>> -> memref<128xi32, #tpu.memory_space<vmem>>
        %dma_start3A_90 = arith.constant 0 : i32
        %dma_start3A_91 = arith.constant 0 : i32
        %dma_start3A_92 = tpu.memref_slice %arg10[%dma_start3A_90, %dma_start3A_91] : memref<10240x128xf32, #tpu.memory_space<vmem_shared>> -> memref<10240x128xf32, #tpu.memory_space<vmem_shared>>
        tpu.enqueue_indirect_dma source(%arg8 : memref<128x128xf32, #tpu.memory_space<vmem>>) target(%dma_start3A_92 : memref<10240x128xf32, #tpu.memory_space<vmem_shared>>) offsets(%dma_start3A_89 : memref<128xi32, #tpu.memory_space<vmem>>) semaphore(%run_scoped3A_86 : memref<!tpu.dma_semaphore, #tpu.memory_space<semaphore_mem>>) {add = true}
        %dma_wait3A_93 = arith.constant 0 : i32
        %dma_wait3A_94 = tpu.memref_slice %arg6[%run_scoped3A, %dma_wait3A_93] : memref<2x128xi32, #tpu.memory_space<vmem>> -> memref<1x128xi32, #tpu.memory_space<vmem>>
        %dma_wait3A_95 = tpu.memref_squeeze %dma_wait3A_94 : memref<1x128xi32, #tpu.memory_space<vmem>> -> memref<128xi32, #tpu.memory_space<vmem>>
        %dma_wait3A_96 = arith.constant 0 : i32
        %dma_wait3A_97 = arith.constant 0 : i32
        %dma_wait3A_98 = tpu.memref_slice %arg10[%dma_wait3A_96, %dma_wait3A_97] : memref<10240x128xf32, #tpu.memory_space<vmem_shared>> -> memref<10240x128xf32, #tpu.memory_space<vmem_shared>>
        tpu.wait_indirect_dma semaphore(%run_scoped3A_86 : memref<!tpu.dma_semaphore, #tpu.memory_space<semaphore_mem>>) src(%arg8 : memref<128x128xf32, #tpu.memory_space<vmem>>) dst(%dma_wait3A_98 : memref<10240x128xf32, #tpu.memory_space<vmem_shared>>)
        tpu.yield
      }) : () -> ()
      %convert_element_type3A = arith.extui %lt3A : i1 to i32
      %cond3A = arith.constant 0 : i32
      %cond3A_73 = arith.cmpi ne, %convert_element_type3A, %cond3A : i32
      scf.if %cond3A_73 {
        %add3A_86 = arith.constant 2 : i32
        %add3A_87 = arith.addi %add3A_47, %add3A_86 : i32
        %dma_start3A_88 = arith.constant 0 : i32
        %dma_start3A_89 = arith.constant 0 : i32
        %dma_start3A_90 = tpu.memref_slice %arg3[%add3A_87, %dma_start3A_88, %dma_start3A_89] : memref<2560x2x128xi32, #tpu.memory_space<hbm>> -> memref<1x2x128xi32, #tpu.memory_space<hbm>>
        %dma_start3A_91 = tpu.memref_squeeze %dma_start3A_90 : memref<1x2x128xi32, #tpu.memory_space<hbm>> -> memref<2x128xi32, #tpu.memory_space<hbm>>
        %dma_start3A_92 = arith.constant 0 : i32
        %dma_start3A_93 = arith.constant 0 : i32
        %dma_start3A_94 = tpu.memref_slice %arg3[%add3A_87, %dma_start3A_92, %dma_start3A_93] : memref<2560x2x128xi32, #tpu.memory_space<hbm>> -> memref<1x2x128xi32, #tpu.memory_space<hbm>>
        %dma_start3A_95 = tpu.memref_squeeze %dma_start3A_94 : memref<1x2x128xi32, #tpu.memory_space<hbm>> -> memref<2x128xi32, #tpu.memory_space<hbm>>
        tpu.enqueue_dma source(%dma_start3A_95 : memref<2x128xi32, #tpu.memory_space<hbm>>) target(%arg6 : memref<2x128xi32, #tpu.memory_space<vmem>>) target_semaphore(%arg13 : memref<!tpu.dma_semaphore, #tpu.memory_space<semaphore_mem>>)
      } else {
      }
      %dma_wait3A_74 = arith.constant 0 : i32
      %dma_wait3A_75 = arith.constant 0 : i32
      %dma_wait3A_76 = tpu.memref_slice %arg7[%dma_wait3A_74, %dma_wait3A_75] : memref<2x128xi32, #tpu.memory_space<vmem>> -> memref<1x128xi32, #tpu.memory_space<vmem>>
      %dma_wait3A_77 = tpu.memref_squeeze %dma_wait3A_76 : memref<1x128xi32, #tpu.memory_space<vmem>> -> memref<128xi32, #tpu.memory_space<vmem>>
      %dma_wait3A_78 = arith.constant 0 : i32
      %dma_wait3A_79 = arith.constant 0 : i32
      %dma_wait3A_80 = tpu.memref_slice %arg2[%dma_wait3A_78, %dma_wait3A_79] : memref<10240x128xf32, #tpu.memory_space<hbm>> -> memref<10240x128xf32, #tpu.memory_space<hbm>>
      tpu.wait_indirect_dma semaphore(%arg12 : memref<!tpu.dma_semaphore, #tpu.memory_space<semaphore_mem>>) src(%dma_wait3A_80 : memref<10240x128xf32, #tpu.memory_space<hbm>>) dst(%arg9 : memref<128x128xf32, #tpu.memory_space<vmem>>)
      %run_scoped3A_81 = arith.constant 1 : i32
      "tpu.region"() ({
        %run_scoped3A_86 = tpu.sem_alloc : memref<!tpu.dma_semaphore, #tpu.memory_space<semaphore_mem>>
        %dma_start3A_87 = arith.constant 0 : i32
        %dma_start3A_88 = tpu.memref_slice %arg7[%run_scoped3A_81, %dma_start3A_87] : memref<2x128xi32, #tpu.memory_space<vmem>> -> memref<1x128xi32, #tpu.memory_space<vmem>>
        %dma_start3A_89 = tpu.memref_squeeze %dma_start3A_88 : memref<1x128xi32, #tpu.memory_space<vmem>> -> memref<128xi32, #tpu.memory_space<vmem>>
        %dma_start3A_90 = arith.constant 0 : i32
        %dma_start3A_91 = arith.constant 0 : i32
        %dma_start3A_92 = tpu.memref_slice %arg10[%dma_start3A_90, %dma_start3A_91] : memref<10240x128xf32, #tpu.memory_space<vmem_shared>> -> memref<10240x128xf32, #tpu.memory_space<vmem_shared>>
        tpu.enqueue_indirect_dma source(%arg9 : memref<128x128xf32, #tpu.memory_space<vmem>>) target(%dma_start3A_92 : memref<10240x128xf32, #tpu.memory_space<vmem_shared>>) offsets(%dma_start3A_89 : memref<128xi32, #tpu.memory_space<vmem>>) semaphore(%run_scoped3A_86 : memref<!tpu.dma_semaphore, #tpu.memory_space<semaphore_mem>>) {add = true}
        %dma_wait3A_93 = arith.constant 0 : i32
        %dma_wait3A_94 = tpu.memref_slice %arg7[%run_scoped3A_81, %dma_wait3A_93] : memref<2x128xi32, #tpu.memory_space<vmem>> -> memref<1x128xi32, #tpu.memory_space<vmem>>
        %dma_wait3A_95 = tpu.memref_squeeze %dma_wait3A_94 : memref<1x128xi32, #tpu.memory_space<vmem>> -> memref<128xi32, #tpu.memory_space<vmem>>
        %dma_wait3A_96 = arith.constant 0 : i32
        %dma_wait3A_97 = arith.constant 0 : i32
        %dma_wait3A_98 = tpu.memref_slice %arg10[%dma_wait3A_96, %dma_wait3A_97] : memref<10240x128xf32, #tpu.memory_space<vmem_shared>> -> memref<10240x128xf32, #tpu.memory_space<vmem_shared>>
        tpu.wait_indirect_dma semaphore(%run_scoped3A_86 : memref<!tpu.dma_semaphore, #tpu.memory_space<semaphore_mem>>) src(%arg9 : memref<128x128xf32, #tpu.memory_space<vmem>>) dst(%dma_wait3A_98 : memref<10240x128xf32, #tpu.memory_space<vmem_shared>>)
        tpu.yield
      }) : () -> ()
      %convert_element_type3A_82 = arith.extui %lt3A : i1 to i32
      %cond3A_83 = arith.constant 0 : i32
      %cond3A_84 = arith.cmpi ne, %convert_element_type3A_82, %cond3A_83 : i32
      scf.if %cond3A_84 {
        %add3A_86 = arith.constant 2 : i32
        %add3A_87 = arith.addi %add3A_47, %add3A_86 : i32
        %dma_wait3A_88 = arith.constant 0 : i32
        %dma_wait3A_89 = arith.constant 0 : i32
        %dma_wait3A_90 = tpu.memref_slice %arg3[%add3A_87, %dma_wait3A_88, %dma_wait3A_89] : memref<2560x2x128xi32, #tpu.memory_space<hbm>> -> memref<1x2x128xi32, #tpu.memory_space<hbm>>
        %dma_wait3A_91 = tpu.memref_squeeze %dma_wait3A_90 : memref<1x2x128xi32, #tpu.memory_space<hbm>> -> memref<2x128xi32, #tpu.memory_space<hbm>>
        %dma_wait3A_92 = arith.constant 0 : i32
        %dma_wait3A_93 = arith.constant 0 : i32
        %dma_wait3A_94 = tpu.memref_slice %arg3[%add3A_87, %dma_wait3A_92, %dma_wait3A_93] : memref<2560x2x128xi32, #tpu.memory_space<hbm>> -> memref<1x2x128xi32, #tpu.memory_space<hbm>>
        %dma_wait3A_95 = tpu.memref_squeeze %dma_wait3A_94 : memref<1x2x128xi32, #tpu.memory_space<hbm>> -> memref<2x128xi32, #tpu.memory_space<hbm>>
        tpu.wait_dma2 semaphore(%arg13 : memref<!tpu.dma_semaphore, #tpu.memory_space<semaphore_mem>>) src(%dma_wait3A_95 : memref<2x128xi32, #tpu.memory_space<hbm>>) dst(%arg6 : memref<2x128xi32, #tpu.memory_space<vmem>>)
        %dma_start3A_96 = arith.constant 0 : i32
        %dma_start3A_97 = arith.constant 0 : i32
        %dma_start3A_98 = tpu.memref_slice %arg6[%dma_start3A_96, %dma_start3A_97] : memref<2x128xi32, #tpu.memory_space<vmem>> -> memref<1x128xi32, #tpu.memory_space<vmem>>
        %dma_start3A_99 = tpu.memref_squeeze %dma_start3A_98 : memref<1x128xi32, #tpu.memory_space<vmem>> -> memref<128xi32, #tpu.memory_space<vmem>>
        %dma_start3A_100 = arith.constant 0 : i32
        %dma_start3A_101 = arith.constant 0 : i32
        %dma_start3A_102 = tpu.memref_slice %arg2[%dma_start3A_100, %dma_start3A_101] : memref<10240x128xf32, #tpu.memory_space<hbm>> -> memref<10240x128xf32, #tpu.memory_space<hbm>>
        tpu.enqueue_indirect_dma source(%dma_start3A_102 : memref<10240x128xf32, #tpu.memory_space<hbm>>) target(%arg8 : memref<128x128xf32, #tpu.memory_space<vmem>>) offsets(%dma_start3A_99 : memref<128xi32, #tpu.memory_space<vmem>>) semaphore(%arg11 : memref<!tpu.dma_semaphore, #tpu.memory_space<semaphore_mem>>)
        %add3A_103 = arith.constant 3 : i32
        %add3A_104 = arith.addi %add3A_47, %add3A_103 : i32
        %dma_start3A_105 = arith.constant 0 : i32
        %dma_start3A_106 = arith.constant 0 : i32
        %dma_start3A_107 = tpu.memref_slice %arg3[%add3A_104, %dma_start3A_105, %dma_start3A_106] : memref<2560x2x128xi32, #tpu.memory_space<hbm>> -> memref<1x2x128xi32, #tpu.memory_space<hbm>>
        %dma_start3A_108 = tpu.memref_squeeze %dma_start3A_107 : memref<1x2x128xi32, #tpu.memory_space<hbm>> -> memref<2x128xi32, #tpu.memory_space<hbm>>
        %dma_start3A_109 = arith.constant 0 : i32
        %dma_start3A_110 = arith.constant 0 : i32
        %dma_start3A_111 = tpu.memref_slice %arg3[%add3A_104, %dma_start3A_109, %dma_start3A_110] : memref<2560x2x128xi32, #tpu.memory_space<hbm>> -> memref<1x2x128xi32, #tpu.memory_space<hbm>>
        %dma_start3A_112 = tpu.memref_squeeze %dma_start3A_111 : memref<1x2x128xi32, #tpu.memory_space<hbm>> -> memref<2x128xi32, #tpu.memory_space<hbm>>
        tpu.enqueue_dma source(%dma_start3A_112 : memref<2x128xi32, #tpu.memory_space<hbm>>) target(%arg7 : memref<2x128xi32, #tpu.memory_space<vmem>>) target_semaphore(%arg14 : memref<!tpu.dma_semaphore, #tpu.memory_space<semaphore_mem>>)
      } else {
      }
      %while3A_85 = arith.constant 0 : i32
      scf.yield %while3A_85 : i32
    }
    %while3A_36 = arith.constant 1 : i32
    %while3A_37 = scf.for %while3A_43 = %while3A_33 to %while3A_29 step %while3A_36 iter_args(%while3A_44 = %while3A_35) -> (i32)  : i32 {
      %mul3A_45 = arith.constant 2 : i32
      %mul3A_46 = arith.muli %mul3A_45, %while3A_43 : i32
      %add3A_47 = arith.addi %select_n3A, %mul3A_46 : i32
      %add3A_48 = arith.constant 1 : i32
      %add3A_49 = arith.addi %while3A_43, %add3A_48 : i32
      %lt3A = arith.cmpi slt, %add3A_49, %select_n3A_8 : i32
      %add3A_50 = arith.constant 1 : i32
      %add3A_51 = arith.addi %add3A_47, %add3A_50 : i32
      %dma_wait3A = arith.constant 0 : i32
      %dma_wait3A_52 = arith.constant 0 : i32
      %dma_wait3A_53 = tpu.memref_slice %arg3[%add3A_51, %dma_wait3A, %dma_wait3A_52] : memref<2560x2x128xi32, #tpu.memory_space<hbm>> -> memref<1x2x128xi32, #tpu.memory_space<hbm>>
      %dma_wait3A_54 = tpu.memref_squeeze %dma_wait3A_53 : memref<1x2x128xi32, #tpu.memory_space<hbm>> -> memref<2x128xi32, #tpu.memory_space<hbm>>
      %dma_wait3A_55 = arith.constant 0 : i32
      %dma_wait3A_56 = arith.constant 0 : i32
      %dma_wait3A_57 = tpu.memref_slice %arg3[%add3A_51, %dma_wait3A_55, %dma_wait3A_56] : memref<2560x2x128xi32, #tpu.memory_space<hbm>> -> memref<1x2x128xi32, #tpu.memory_space<hbm>>
      %dma_wait3A_58 = tpu.memref_squeeze %dma_wait3A_57 : memref<1x2x128xi32, #tpu.memory_space<hbm>> -> memref<2x128xi32, #tpu.memory_space<hbm>>
      tpu.wait_dma2 semaphore(%arg14 : memref<!tpu.dma_semaphore, #tpu.memory_space<semaphore_mem>>) src(%dma_wait3A_58 : memref<2x128xi32, #tpu.memory_space<hbm>>) dst(%arg7 : memref<2x128xi32, #tpu.memory_space<vmem>>)
      %dma_start3A_59 = arith.constant 0 : i32
      %dma_start3A_60 = arith.constant 0 : i32
      %dma_start3A_61 = tpu.memref_slice %arg7[%dma_start3A_59, %dma_start3A_60] : memref<2x128xi32, #tpu.memory_space<vmem>> -> memref<1x128xi32, #tpu.memory_space<vmem>>
      %dma_start3A_62 = tpu.memref_squeeze %dma_start3A_61 : memref<1x128xi32, #tpu.memory_space<vmem>> -> memref<128xi32, #tpu.memory_space<vmem>>
      %dma_start3A_63 = arith.constant 0 : i32
      %dma_start3A_64 = arith.constant 0 : i32
      %dma_start3A_65 = tpu.memref_slice %arg2[%dma_start3A_63, %dma_start3A_64] : memref<10240x128xf32, #tpu.memory_space<hbm>> -> memref<10240x128xf32, #tpu.memory_space<hbm>>
      tpu.enqueue_indirect_dma source(%dma_start3A_65 : memref<10240x128xf32, #tpu.memory_space<hbm>>) target(%arg9 : memref<128x128xf32, #tpu.memory_space<vmem>>) offsets(%dma_start3A_62 : memref<128xi32, #tpu.memory_space<vmem>>) semaphore(%arg12 : memref<!tpu.dma_semaphore, #tpu.memory_space<semaphore_mem>>)
      %dma_wait3A_66 = arith.constant 0 : i32
      %dma_wait3A_67 = arith.constant 0 : i32
      %dma_wait3A_68 = tpu.memref_slice %arg6[%dma_wait3A_66, %dma_wait3A_67] : memref<2x128xi32, #tpu.memory_space<vmem>> -> memref<1x128xi32, #tpu.memory_space<vmem>>
      %dma_wait3A_69 = tpu.memref_squeeze %dma_wait3A_68 : memref<1x128xi32, #tpu.memory_space<vmem>> -> memref<128xi32, #tpu.memory_space<vmem>>
      %dma_wait3A_70 = arith.constant 0 : i32
      %dma_wait3A_71 = arith.constant 0 : i32
      %dma_wait3A_72 = tpu.memref_slice %arg2[%dma_wait3A_70, %dma_wait3A_71] : memref<10240x128xf32, #tpu.memory_space<hbm>> -> memref<10240x128xf32, #tpu.memory_space<hbm>>
      tpu.wait_indirect_dma semaphore(%arg11 : memref<!tpu.dma_semaphore, #tpu.memory_space<semaphore_mem>>) src(%dma_wait3A_72 : memref<10240x128xf32, #tpu.memory_space<hbm>>) dst(%arg8 : memref<128x128xf32, #tpu.memory_space<vmem>>)
      %run_scoped3A = arith.constant 1 : i32
      "tpu.region"() ({
        %run_scoped3A_86 = tpu.sem_alloc : memref<!tpu.dma_semaphore, #tpu.memory_space<semaphore_mem>>
        %dma_start3A_87 = arith.constant 0 : i32
        %dma_start3A_88 = tpu.memref_slice %arg6[%run_scoped3A, %dma_start3A_87] : memref<2x128xi32, #tpu.memory_space<vmem>> -> memref<1x128xi32, #tpu.memory_space<vmem>>
        %dma_start3A_89 = tpu.memref_squeeze %dma_start3A_88 : memref<1x128xi32, #tpu.memory_space<vmem>> -> memref<128xi32, #tpu.memory_space<vmem>>
        %dma_start3A_90 = arith.constant 0 : i32
        %dma_start3A_91 = arith.constant 0 : i32
        %dma_start3A_92 = tpu.memref_slice %arg10[%dma_start3A_90, %dma_start3A_91] : memref<10240x128xf32, #tpu.memory_space<vmem_shared>> -> memref<10240x128xf32, #tpu.memory_space<vmem_shared>>
        tpu.enqueue_indirect_dma source(%arg8 : memref<128x128xf32, #tpu.memory_space<vmem>>) target(%dma_start3A_92 : memref<10240x128xf32, #tpu.memory_space<vmem_shared>>) offsets(%dma_start3A_89 : memref<128xi32, #tpu.memory_space<vmem>>) semaphore(%run_scoped3A_86 : memref<!tpu.dma_semaphore, #tpu.memory_space<semaphore_mem>>) {add = true}
        %dma_wait3A_93 = arith.constant 0 : i32
        %dma_wait3A_94 = tpu.memref_slice %arg6[%run_scoped3A, %dma_wait3A_93] : memref<2x128xi32, #tpu.memory_space<vmem>> -> memref<1x128xi32, #tpu.memory_space<vmem>>
        %dma_wait3A_95 = tpu.memref_squeeze %dma_wait3A_94 : memref<1x128xi32, #tpu.memory_space<vmem>> -> memref<128xi32, #tpu.memory_space<vmem>>
        %dma_wait3A_96 = arith.constant 0 : i32
        %dma_wait3A_97 = arith.constant 0 : i32
        %dma_wait3A_98 = tpu.memref_slice %arg10[%dma_wait3A_96, %dma_wait3A_97] : memref<10240x128xf32, #tpu.memory_space<vmem_shared>> -> memref<10240x128xf32, #tpu.memory_space<vmem_shared>>
        tpu.wait_indirect_dma semaphore(%run_scoped3A_86 : memref<!tpu.dma_semaphore, #tpu.memory_space<semaphore_mem>>) src(%arg8 : memref<128x128xf32, #tpu.memory_space<vmem>>) dst(%dma_wait3A_98 : memref<10240x128xf32, #tpu.memory_space<vmem_shared>>)
        tpu.yield
      }) : () -> ()
      %convert_element_type3A = arith.extui %lt3A : i1 to i32
      %cond3A = arith.constant 0 : i32
      %cond3A_73 = arith.cmpi ne, %convert_element_type3A, %cond3A : i32
      scf.if %cond3A_73 {
        %add3A_86 = arith.constant 2 : i32
        %add3A_87 = arith.addi %add3A_47, %add3A_86 : i32
        %dma_start3A_88 = arith.constant 0 : i32
        %dma_start3A_89 = arith.constant 0 : i32
        %dma_start3A_90 = tpu.memref_slice %arg3[%add3A_87, %dma_start3A_88, %dma_start3A_89] : memref<2560x2x128xi32, #tpu.memory_space<hbm>> -> memref<1x2x128xi32, #tpu.memory_space<hbm>>
        %dma_start3A_91 = tpu.memref_squeeze %dma_start3A_90 : memref<1x2x128xi32, #tpu.memory_space<hbm>> -> memref<2x128xi32, #tpu.memory_space<hbm>>
        %dma_start3A_92 = arith.constant 0 : i32
        %dma_start3A_93 = arith.constant 0 : i32
        %dma_start3A_94 = tpu.memref_slice %arg3[%add3A_87, %dma_start3A_92, %dma_start3A_93] : memref<2560x2x128xi32, #tpu.memory_space<hbm>> -> memref<1x2x128xi32, #tpu.memory_space<hbm>>
        %dma_start3A_95 = tpu.memref_squeeze %dma_start3A_94 : memref<1x2x128xi32, #tpu.memory_space<hbm>> -> memref<2x128xi32, #tpu.memory_space<hbm>>
        tpu.enqueue_dma source(%dma_start3A_95 : memref<2x128xi32, #tpu.memory_space<hbm>>) target(%arg6 : memref<2x128xi32, #tpu.memory_space<vmem>>) target_semaphore(%arg13 : memref<!tpu.dma_semaphore, #tpu.memory_space<semaphore_mem>>)
      } else {
      }
      %dma_wait3A_74 = arith.constant 0 : i32
      %dma_wait3A_75 = arith.constant 0 : i32
      %dma_wait3A_76 = tpu.memref_slice %arg7[%dma_wait3A_74, %dma_wait3A_75] : memref<2x128xi32, #tpu.memory_space<vmem>> -> memref<1x128xi32, #tpu.memory_space<vmem>>
      %dma_wait3A_77 = tpu.memref_squeeze %dma_wait3A_76 : memref<1x128xi32, #tpu.memory_space<vmem>> -> memref<128xi32, #tpu.memory_space<vmem>>
      %dma_wait3A_78 = arith.constant 0 : i32
      %dma_wait3A_79 = arith.constant 0 : i32
      %dma_wait3A_80 = tpu.memref_slice %arg2[%dma_wait3A_78, %dma_wait3A_79] : memref<10240x128xf32, #tpu.memory_space<hbm>> -> memref<10240x128xf32, #tpu.memory_space<hbm>>
      tpu.wait_indirect_dma semaphore(%arg12 : memref<!tpu.dma_semaphore, #tpu.memory_space<semaphore_mem>>) src(%dma_wait3A_80 : memref<10240x128xf32, #tpu.memory_space<hbm>>) dst(%arg9 : memref<128x128xf32, #tpu.memory_space<vmem>>)
      %run_scoped3A_81 = arith.constant 1 : i32
      "tpu.region"() ({
        %run_scoped3A_86 = tpu.sem_alloc : memref<!tpu.dma_semaphore, #tpu.memory_space<semaphore_mem>>
        %dma_start3A_87 = arith.constant 0 : i32
        %dma_start3A_88 = tpu.memref_slice %arg7[%run_scoped3A_81, %dma_start3A_87] : memref<2x128xi32, #tpu.memory_space<vmem>> -> memref<1x128xi32, #tpu.memory_space<vmem>>
        %dma_start3A_89 = tpu.memref_squeeze %dma_start3A_88 : memref<1x128xi32, #tpu.memory_space<vmem>> -> memref<128xi32, #tpu.memory_space<vmem>>
        %dma_start3A_90 = arith.constant 0 : i32
        %dma_start3A_91 = arith.constant 0 : i32
        %dma_start3A_92 = tpu.memref_slice %arg10[%dma_start3A_90, %dma_start3A_91] : memref<10240x128xf32, #tpu.memory_space<vmem_shared>> -> memref<10240x128xf32, #tpu.memory_space<vmem_shared>>
        tpu.enqueue_indirect_dma source(%arg9 : memref<128x128xf32, #tpu.memory_space<vmem>>) target(%dma_start3A_92 : memref<10240x128xf32, #tpu.memory_space<vmem_shared>>) offsets(%dma_start3A_89 : memref<128xi32, #tpu.memory_space<vmem>>) semaphore(%run_scoped3A_86 : memref<!tpu.dma_semaphore, #tpu.memory_space<semaphore_mem>>) {add = true}
        %dma_wait3A_93 = arith.constant 0 : i32
        %dma_wait3A_94 = tpu.memref_slice %arg7[%run_scoped3A_81, %dma_wait3A_93] : memref<2x128xi32, #tpu.memory_space<vmem>> -> memref<1x128xi32, #tpu.memory_space<vmem>>
        %dma_wait3A_95 = tpu.memref_squeeze %dma_wait3A_94 : memref<1x128xi32, #tpu.memory_space<vmem>> -> memref<128xi32, #tpu.memory_space<vmem>>
        %dma_wait3A_96 = arith.constant 0 : i32
        %dma_wait3A_97 = arith.constant 0 : i32
        %dma_wait3A_98 = tpu.memref_slice %arg10[%dma_wait3A_96, %dma_wait3A_97] : memref<10240x128xf32, #tpu.memory_space<vmem_shared>> -> memref<10240x128xf32, #tpu.memory_space<vmem_shared>>
        tpu.wait_indirect_dma semaphore(%run_scoped3A_86 : memref<!tpu.dma_semaphore, #tpu.memory_space<semaphore_mem>>) src(%arg9 : memref<128x128xf32, #tpu.memory_space<vmem>>) dst(%dma_wait3A_98 : memref<10240x128xf32, #tpu.memory_space<vmem_shared>>)
        tpu.yield
      }) : () -> ()
      %convert_element_type3A_82 = arith.extui %lt3A : i1 to i32
      %cond3A_83 = arith.constant 0 : i32
      %cond3A_84 = arith.cmpi ne, %convert_element_type3A_82, %cond3A_83 : i32
      scf.if %cond3A_84 {
        %add3A_86 = arith.constant 2 : i32
        %add3A_87 = arith.addi %add3A_47, %add3A_86 : i32
        %dma_wait3A_88 = arith.constant 0 : i32
        %dma_wait3A_89 = arith.constant 0 : i32
        %dma_wait3A_90 = tpu.memref_slice %arg3[%add3A_87, %dma_wait3A_88, %dma_wait3A_89] : memref<2560x2x128xi32, #tpu.memory_space<hbm>> -> memref<1x2x128xi32, #tpu.memory_space<hbm>>
        %dma_wait3A_91 = tpu.memref_squeeze %dma_wait3A_90 : memref<1x2x128xi32, #tpu.memory_space<hbm>> -> memref<2x128xi32, #tpu.memory_space<hbm>>
        %dma_wait3A_92 = arith.constant 0 : i32
        %dma_wait3A_93 = arith.constant 0 : i32
        %dma_wait3A_94 = tpu.memref_slice %arg3[%add3A_87, %dma_wait3A_92, %dma_wait3A_93] : memref<2560x2x128xi32, #tpu.memory_space<hbm>> -> memref<1x2x128xi32, #tpu.memory_space<hbm>>
        %dma_wait3A_95 = tpu.memref_squeeze %dma_wait3A_94 : memref<1x2x128xi32, #tpu.memory_space<hbm>> -> memref<2x128xi32, #tpu.memory_space<hbm>>
        tpu.wait_dma2 semaphore(%arg13 : memref<!tpu.dma_semaphore, #tpu.memory_space<semaphore_mem>>) src(%dma_wait3A_95 : memref<2x128xi32, #tpu.memory_space<hbm>>) dst(%arg6 : memref<2x128xi32, #tpu.memory_space<vmem>>)
        %dma_start3A_96 = arith.constant 0 : i32
        %dma_start3A_97 = arith.constant 0 : i32
        %dma_start3A_98 = tpu.memref_slice %arg6[%dma_start3A_96, %dma_start3A_97] : memref<2x128xi32, #tpu.memory_space<vmem>> -> memref<1x128xi32, #tpu.memory_space<vmem>>
        %dma_start3A_99 = tpu.memref_squeeze %dma_start3A_98 : memref<1x128xi32, #tpu.memory_space<vmem>> -> memref<128xi32, #tpu.memory_space<vmem>>
        %dma_start3A_100 = arith.constant 0 : i32
        %dma_start3A_101 = arith.constant 0 : i32
        %dma_start3A_102 = tpu.memref_slice %arg2[%dma_start3A_100, %dma_start3A_101] : memref<10240x128xf32, #tpu.memory_space<hbm>> -> memref<10240x128xf32, #tpu.memory_space<hbm>>
        tpu.enqueue_indirect_dma source(%dma_start3A_102 : memref<10240x128xf32, #tpu.memory_space<hbm>>) target(%arg8 : memref<128x128xf32, #tpu.memory_space<vmem>>) offsets(%dma_start3A_99 : memref<128xi32, #tpu.memory_space<vmem>>) semaphore(%arg11 : memref<!tpu.dma_semaphore, #tpu.memory_space<semaphore_mem>>)
        %add3A_103 = arith.constant 3 : i32
        %add3A_104 = arith.addi %add3A_47, %add3A_103 : i32
        %dma_start3A_105 = arith.constant 0 : i32
        %dma_start3A_106 = arith.constant 0 : i32
        %dma_start3A_107 = tpu.memref_slice %arg3[%add3A_104, %dma_start3A_105, %dma_start3A_106] : memref<2560x2x128xi32, #tpu.memory_space<hbm>> -> memref<1x2x128xi32, #tpu.memory_space<hbm>>
        %dma_start3A_108 = tpu.memref_squeeze %dma_start3A_107 : memref<1x2x128xi32, #tpu.memory_space<hbm>> -> memref<2x128xi32, #tpu.memory_space<hbm>>
        %dma_start3A_109 = arith.constant 0 : i32
        %dma_start3A_110 = arith.constant 0 : i32
        %dma_start3A_111 = tpu.memref_slice %arg3[%add3A_104, %dma_start3A_109, %dma_start3A_110] : memref<2560x2x128xi32, #tpu.memory_space<hbm>> -> memref<1x2x128xi32, #tpu.memory_space<hbm>>
        %dma_start3A_112 = tpu.memref_squeeze %dma_start3A_111 : memref<1x2x128xi32, #tpu.memory_space<hbm>> -> memref<2x128xi32, #tpu.memory_space<hbm>>
        tpu.enqueue_dma source(%dma_start3A_112 : memref<2x128xi32, #tpu.memory_space<hbm>>) target(%arg7 : memref<2x128xi32, #tpu.memory_space<vmem>>) target_semaphore(%arg14 : memref<!tpu.dma_semaphore, #tpu.memory_space<semaphore_mem>>)
      } else {
      }
      %while3A_85 = arith.constant 0 : i32
      scf.yield %while3A_85 : i32
    }
    %barrier3A_38 = arith.constant 0 : index
    tpu.barrier barrier_id(%barrier3A_38)
    %mul3A_39 = arith.constant 640 : i32
    %mul3A_40 = arith.muli %arg1, %mul3A_39 : i32
    %mul3A_41 = arith.constant 640 : i32
    %mul3A_42 = arith.muli %arg1, %mul3A_41 : i32
    "tpu.region"() ({
      %run_scoped3A = tpu.sem_alloc : memref<!tpu.dma_semaphore, #tpu.memory_space<semaphore_mem>>
      %dma_start3A_43 = arith.constant 0 : i32
      %dma_start3A_44 = tpu.memref_slice %arg5[%arg0, %mul3A_42, %dma_start3A_43] : memref<2x10240x128xf32, #tpu.memory_space<hbm>> -> memref<1x640x128xf32, #tpu.memory_space<hbm>>
      %dma_start3A_45 = tpu.memref_squeeze %dma_start3A_44 : memref<1x640x128xf32, #tpu.memory_space<hbm>> -> memref<640x128xf32, #tpu.memory_space<hbm>>
      %dma_start3A_46 = arith.constant 0 : i32
      %dma_start3A_47 = tpu.memref_slice %arg10[%mul3A_40, %dma_start3A_46] : memref<10240x128xf32, #tpu.memory_space<vmem_shared>> -> memref<640x128xf32, #tpu.memory_space<vmem_shared>>
      tpu.enqueue_dma source(%dma_start3A_47 : memref<640x128xf32, #tpu.memory_space<vmem_shared>>) target(%dma_start3A_45 : memref<640x128xf32, #tpu.memory_space<hbm>>) target_semaphore(%run_scoped3A : memref<!tpu.dma_semaphore, #tpu.memory_space<semaphore_mem>>)
      %dma_wait3A = arith.constant 0 : i32
      %dma_wait3A_48 = tpu.memref_slice %arg5[%arg0, %mul3A_42, %dma_wait3A] : memref<2x10240x128xf32, #tpu.memory_space<hbm>> -> memref<1x640x128xf32, #tpu.memory_space<hbm>>
      %dma_wait3A_49 = tpu.memref_squeeze %dma_wait3A_48 : memref<1x640x128xf32, #tpu.memory_space<hbm>> -> memref<640x128xf32, #tpu.memory_space<hbm>>
      %dma_wait3A_50 = arith.constant 0 : i32
      %dma_wait3A_51 = tpu.memref_slice %arg10[%mul3A_40, %dma_wait3A_50] : memref<10240x128xf32, #tpu.memory_space<vmem_shared>> -> memref<640x128xf32, #tpu.memory_space<vmem_shared>>
      tpu.wait_dma2 semaphore(%run_scoped3A : memref<!tpu.dma_semaphore, #tpu.memory_space<semaphore_mem>>) src(%dma_wait3A_51 : memref<640x128xf32, #tpu.memory_space<vmem_shared>>) dst(%dma_wait3A_49 : memref<640x128xf32, #tpu.memory_space<hbm>>)
      tpu.yield
    }) : () -> ()
    return
  }
}

#map = affine_map<(d0, d1) -> (0, 0)>
#map1 = affine_map<(d0, d1) -> (0, 0, 0)>
module attributes {stable_mosaic.version = 14 : i64} {
  func.func @k(%arg0: i32, %arg1: i32, %arg2: memref<2560x128xi32, #tpu.memory_space<hbm>>, %arg3: memref<128x128xf32, #tpu.memory_space<hbm>>, %arg4: memref<640x128xf32, #tpu.memory_space<hbm>>, %arg5: memref<2x10240x128xf32, #tpu.memory_space<hbm>>, %arg6: memref<40x128xi32, #tpu.memory_space<vmem>>, %arg7: memref<128x128xf32, #tpu.memory_space<vmem>>, %arg8: memref<10240x128xf32, #tpu.memory_space<vmem_shared>>) attributes {dimension_semantics = [#tpu.dimension_semantics<core_parallel>, #tpu.dimension_semantics<subcore_parallel>], iteration_bounds = array<i64: 2, 16>, scalar_prefetch = 0 : i64, scratch_operands = 3 : i64, tpu.core_type = #tpu.core_type<sc_vector_subcore>, window_params = [{transform_indices = #map}, {transform_indices = #map}, {transform_indices = #map}, {transform_indices = #map1}]} {
    %mul3A = arith.constant 16 : i32
    %mul3A_0 = arith.muli %arg0, %mul3A : i32
    %add3A = arith.addi %mul3A_0, %arg1 : i32
    %mul3A_1 = arith.constant 640 : i32
    %mul3A_2 = arith.muli %arg1, %mul3A_1 : i32
    "tpu.region"() ({
      %run_scoped3A = tpu.sem_alloc : memref<!tpu.dma_semaphore, #tpu.memory_space<semaphore_mem>>
      %dma_start3A = arith.constant 0 : i32
      %dma_start3A_25 = tpu.memref_slice %arg8[%mul3A_2, %dma_start3A] : memref<10240x128xf32, #tpu.memory_space<vmem_shared>> -> memref<640x128xf32, #tpu.memory_space<vmem_shared>>
      tpu.enqueue_dma source(%arg4 : memref<640x128xf32, #tpu.memory_space<hbm>>) target(%dma_start3A_25 : memref<640x128xf32, #tpu.memory_space<vmem_shared>>) target_semaphore(%run_scoped3A : memref<!tpu.dma_semaphore, #tpu.memory_space<semaphore_mem>>)
      %dma_wait3A = arith.constant 0 : i32
      %dma_wait3A_26 = tpu.memref_slice %arg8[%mul3A_2, %dma_wait3A] : memref<10240x128xf32, #tpu.memory_space<vmem_shared>> -> memref<640x128xf32, #tpu.memory_space<vmem_shared>>
      tpu.wait_dma2 semaphore(%run_scoped3A : memref<!tpu.dma_semaphore, #tpu.memory_space<semaphore_mem>>) src(%arg4 : memref<640x128xf32, #tpu.memory_space<hbm>>) dst(%dma_wait3A_26 : memref<640x128xf32, #tpu.memory_space<vmem_shared>>)
      tpu.yield
    }) : () -> ()
    "tpu.region"() ({
      %run_scoped3A = tpu.sem_alloc : memref<!tpu.dma_semaphore, #tpu.memory_space<semaphore_mem>>
      tpu.enqueue_dma source(%arg3 : memref<128x128xf32, #tpu.memory_space<hbm>>) target(%arg7 : memref<128x128xf32, #tpu.memory_space<vmem>>) target_semaphore(%run_scoped3A : memref<!tpu.dma_semaphore, #tpu.memory_space<semaphore_mem>>)
      tpu.wait_dma2 semaphore(%run_scoped3A : memref<!tpu.dma_semaphore, #tpu.memory_space<semaphore_mem>>) src(%arg3 : memref<128x128xf32, #tpu.memory_space<hbm>>) dst(%arg7 : memref<128x128xf32, #tpu.memory_space<vmem>>)
      tpu.yield
    }) : () -> ()
    %barrier3A = arith.constant 0 : index
    tpu.barrier barrier_id(%barrier3A)
    %mul3A_3 = arith.constant 80 : i32
    %mul3A_4 = arith.muli %add3A, %mul3A_3 : i32
    %add3A_5 = arith.constant 0 : i32
    %add3A_6 = arith.addi %mul3A_4, %add3A_5 : i32
    "tpu.region"() ({
      %run_scoped3A = tpu.sem_alloc : memref<!tpu.dma_semaphore, #tpu.memory_space<semaphore_mem>>
      %dma_start3A = arith.constant 0 : i32
      %dma_start3A_25 = tpu.memref_slice %arg2[%add3A_6, %dma_start3A] : memref<2560x128xi32, #tpu.memory_space<hbm>> -> memref<40x128xi32, #tpu.memory_space<hbm>>
      %dma_start3A_26 = arith.constant 0 : i32
      %dma_start3A_27 = tpu.memref_slice %arg2[%add3A_6, %dma_start3A_26] : memref<2560x128xi32, #tpu.memory_space<hbm>> -> memref<40x128xi32, #tpu.memory_space<hbm>>
      tpu.enqueue_dma source(%dma_start3A_27 : memref<40x128xi32, #tpu.memory_space<hbm>>) target(%arg6 : memref<40x128xi32, #tpu.memory_space<vmem>>) target_semaphore(%run_scoped3A : memref<!tpu.dma_semaphore, #tpu.memory_space<semaphore_mem>>)
      %dma_wait3A = arith.constant 0 : i32
      %dma_wait3A_28 = tpu.memref_slice %arg2[%add3A_6, %dma_wait3A] : memref<2560x128xi32, #tpu.memory_space<hbm>> -> memref<40x128xi32, #tpu.memory_space<hbm>>
      %dma_wait3A_29 = arith.constant 0 : i32
      %dma_wait3A_30 = tpu.memref_slice %arg2[%add3A_6, %dma_wait3A_29] : memref<2560x128xi32, #tpu.memory_space<hbm>> -> memref<40x128xi32, #tpu.memory_space<hbm>>
      tpu.wait_dma2 semaphore(%run_scoped3A : memref<!tpu.dma_semaphore, #tpu.memory_space<semaphore_mem>>) src(%dma_wait3A_30 : memref<40x128xi32, #tpu.memory_space<hbm>>) dst(%arg6 : memref<40x128xi32, #tpu.memory_space<vmem>>)
      tpu.yield
    }) : () -> ()
    %scan3A = arith.constant 0 : i32
    %scan3A_7 = arith.constant 40 : i32
    %scan3A_8 = arith.addi %scan3A, %scan3A_7 : i32
    %scan3A_9 = arith.constant 1 : i32
    scf.for %scan3A_25 = %scan3A to %scan3A_8 step %scan3A_9  : i32 {
      %mul3A_26 = arith.constant 1 : i32
      %mul3A_27 = arith.muli %scan3A_25, %mul3A_26 : i32
      %add3A_28 = arith.constant 0 : i32
      %add3A_29 = arith.addi %add3A_28, %mul3A_27 : i32
      "tpu.region"() ({
        %run_scoped3A = tpu.sem_alloc : memref<!tpu.dma_semaphore, #tpu.memory_space<semaphore_mem>>
        %dma_start3A = arith.constant 0 : i32
        %dma_start3A_30 = tpu.memref_slice %arg6[%add3A_29, %dma_start3A] : memref<40x128xi32, #tpu.memory_space<vmem>> -> memref<1x128xi32, #tpu.memory_space<vmem>>
        %dma_start3A_31 = tpu.memref_squeeze %dma_start3A_30 : memref<1x128xi32, #tpu.memory_space<vmem>> -> memref<128xi32, #tpu.memory_space<vmem>>
        %dma_start3A_32 = arith.constant 0 : i32
        %dma_start3A_33 = arith.constant 0 : i32
        %dma_start3A_34 = tpu.memref_slice %arg8[%dma_start3A_32, %dma_start3A_33] : memref<10240x128xf32, #tpu.memory_space<vmem_shared>> -> memref<10240x128xf32, #tpu.memory_space<vmem_shared>>
        tpu.enqueue_indirect_dma source(%arg7 : memref<128x128xf32, #tpu.memory_space<vmem>>) target(%dma_start3A_34 : memref<10240x128xf32, #tpu.memory_space<vmem_shared>>) offsets(%dma_start3A_31 : memref<128xi32, #tpu.memory_space<vmem>>) semaphore(%run_scoped3A : memref<!tpu.dma_semaphore, #tpu.memory_space<semaphore_mem>>) {add = true}
        %dma_wait3A = arith.constant 0 : i32
        %dma_wait3A_35 = tpu.memref_slice %arg6[%add3A_29, %dma_wait3A] : memref<40x128xi32, #tpu.memory_space<vmem>> -> memref<1x128xi32, #tpu.memory_space<vmem>>
        %dma_wait3A_36 = tpu.memref_squeeze %dma_wait3A_35 : memref<1x128xi32, #tpu.memory_space<vmem>> -> memref<128xi32, #tpu.memory_space<vmem>>
        %dma_wait3A_37 = arith.constant 0 : i32
        %dma_wait3A_38 = arith.constant 0 : i32
        %dma_wait3A_39 = tpu.memref_slice %arg8[%dma_wait3A_37, %dma_wait3A_38] : memref<10240x128xf32, #tpu.memory_space<vmem_shared>> -> memref<10240x128xf32, #tpu.memory_space<vmem_shared>>
        tpu.wait_indirect_dma semaphore(%run_scoped3A : memref<!tpu.dma_semaphore, #tpu.memory_space<semaphore_mem>>) src(%arg7 : memref<128x128xf32, #tpu.memory_space<vmem>>) dst(%dma_wait3A_39 : memref<10240x128xf32, #tpu.memory_space<vmem_shared>>)
        tpu.yield
      }) : () -> ()
    }
    %scan3A_10 = arith.constant 40 : i32
    %mul3A_11 = arith.constant 80 : i32
    %mul3A_12 = arith.muli %add3A, %mul3A_11 : i32
    %add3A_13 = arith.constant 40 : i32
    %add3A_14 = arith.addi %mul3A_12, %add3A_13 : i32
    "tpu.region"() ({
      %run_scoped3A = tpu.sem_alloc : memref<!tpu.dma_semaphore, #tpu.memory_space<semaphore_mem>>
      %dma_start3A = arith.constant 0 : i32
      %dma_start3A_25 = tpu.memref_slice %arg2[%add3A_14, %dma_start3A] : memref<2560x128xi32, #tpu.memory_space<hbm>> -> memref<40x128xi32, #tpu.memory_space<hbm>>
      %dma_start3A_26 = arith.constant 0 : i32
      %dma_start3A_27 = tpu.memref_slice %arg2[%add3A_14, %dma_start3A_26] : memref<2560x128xi32, #tpu.memory_space<hbm>> -> memref<40x128xi32, #tpu.memory_space<hbm>>
      tpu.enqueue_dma source(%dma_start3A_27 : memref<40x128xi32, #tpu.memory_space<hbm>>) target(%arg6 : memref<40x128xi32, #tpu.memory_space<vmem>>) target_semaphore(%run_scoped3A : memref<!tpu.dma_semaphore, #tpu.memory_space<semaphore_mem>>)
      %dma_wait3A = arith.constant 0 : i32
      %dma_wait3A_28 = tpu.memref_slice %arg2[%add3A_14, %dma_wait3A] : memref<2560x128xi32, #tpu.memory_space<hbm>> -> memref<40x128xi32, #tpu.memory_space<hbm>>
      %dma_wait3A_29 = arith.constant 0 : i32
      %dma_wait3A_30 = tpu.memref_slice %arg2[%add3A_14, %dma_wait3A_29] : memref<2560x128xi32, #tpu.memory_space<hbm>> -> memref<40x128xi32, #tpu.memory_space<hbm>>
      tpu.wait_dma2 semaphore(%run_scoped3A : memref<!tpu.dma_semaphore, #tpu.memory_space<semaphore_mem>>) src(%dma_wait3A_30 : memref<40x128xi32, #tpu.memory_space<hbm>>) dst(%arg6 : memref<40x128xi32, #tpu.memory_space<vmem>>)
      tpu.yield
    }) : () -> ()
    %scan3A_15 = arith.constant 0 : i32
    %scan3A_16 = arith.constant 40 : i32
    %scan3A_17 = arith.addi %scan3A_15, %scan3A_16 : i32
    %scan3A_18 = arith.constant 1 : i32
    scf.for %scan3A_25 = %scan3A_15 to %scan3A_17 step %scan3A_18  : i32 {
      %mul3A_26 = arith.constant 1 : i32
      %mul3A_27 = arith.muli %scan3A_25, %mul3A_26 : i32
      %add3A_28 = arith.constant 0 : i32
      %add3A_29 = arith.addi %add3A_28, %mul3A_27 : i32
      "tpu.region"() ({
        %run_scoped3A = tpu.sem_alloc : memref<!tpu.dma_semaphore, #tpu.memory_space<semaphore_mem>>
        %dma_start3A = arith.constant 0 : i32
        %dma_start3A_30 = tpu.memref_slice %arg6[%add3A_29, %dma_start3A] : memref<40x128xi32, #tpu.memory_space<vmem>> -> memref<1x128xi32, #tpu.memory_space<vmem>>
        %dma_start3A_31 = tpu.memref_squeeze %dma_start3A_30 : memref<1x128xi32, #tpu.memory_space<vmem>> -> memref<128xi32, #tpu.memory_space<vmem>>
        %dma_start3A_32 = arith.constant 0 : i32
        %dma_start3A_33 = arith.constant 0 : i32
        %dma_start3A_34 = tpu.memref_slice %arg8[%dma_start3A_32, %dma_start3A_33] : memref<10240x128xf32, #tpu.memory_space<vmem_shared>> -> memref<10240x128xf32, #tpu.memory_space<vmem_shared>>
        tpu.enqueue_indirect_dma source(%arg7 : memref<128x128xf32, #tpu.memory_space<vmem>>) target(%dma_start3A_34 : memref<10240x128xf32, #tpu.memory_space<vmem_shared>>) offsets(%dma_start3A_31 : memref<128xi32, #tpu.memory_space<vmem>>) semaphore(%run_scoped3A : memref<!tpu.dma_semaphore, #tpu.memory_space<semaphore_mem>>) {add = true}
        %dma_wait3A = arith.constant 0 : i32
        %dma_wait3A_35 = tpu.memref_slice %arg6[%add3A_29, %dma_wait3A] : memref<40x128xi32, #tpu.memory_space<vmem>> -> memref<1x128xi32, #tpu.memory_space<vmem>>
        %dma_wait3A_36 = tpu.memref_squeeze %dma_wait3A_35 : memref<1x128xi32, #tpu.memory_space<vmem>> -> memref<128xi32, #tpu.memory_space<vmem>>
        %dma_wait3A_37 = arith.constant 0 : i32
        %dma_wait3A_38 = arith.constant 0 : i32
        %dma_wait3A_39 = tpu.memref_slice %arg8[%dma_wait3A_37, %dma_wait3A_38] : memref<10240x128xf32, #tpu.memory_space<vmem_shared>> -> memref<10240x128xf32, #tpu.memory_space<vmem_shared>>
        tpu.wait_indirect_dma semaphore(%run_scoped3A : memref<!tpu.dma_semaphore, #tpu.memory_space<semaphore_mem>>) src(%arg7 : memref<128x128xf32, #tpu.memory_space<vmem>>) dst(%dma_wait3A_39 : memref<10240x128xf32, #tpu.memory_space<vmem_shared>>)
        tpu.yield
      }) : () -> ()
    }
    %scan3A_19 = arith.constant 40 : i32
    %barrier3A_20 = arith.constant 0 : index
    tpu.barrier barrier_id(%barrier3A_20)
    %mul3A_21 = arith.constant 640 : i32
    %mul3A_22 = arith.muli %arg1, %mul3A_21 : i32
    %mul3A_23 = arith.constant 640 : i32
    %mul3A_24 = arith.muli %arg1, %mul3A_23 : i32
    "tpu.region"() ({
      %run_scoped3A = tpu.sem_alloc : memref<!tpu.dma_semaphore, #tpu.memory_space<semaphore_mem>>
      %dma_start3A = arith.constant 0 : i32
      %dma_start3A_25 = tpu.memref_slice %arg5[%arg0, %mul3A_24, %dma_start3A] : memref<2x10240x128xf32, #tpu.memory_space<hbm>> -> memref<1x640x128xf32, #tpu.memory_space<hbm>>
      %dma_start3A_26 = tpu.memref_squeeze %dma_start3A_25 : memref<1x640x128xf32, #tpu.memory_space<hbm>> -> memref<640x128xf32, #tpu.memory_space<hbm>>
      %dma_start3A_27 = arith.constant 0 : i32
      %dma_start3A_28 = tpu.memref_slice %arg8[%mul3A_22, %dma_start3A_27] : memref<10240x128xf32, #tpu.memory_space<vmem_shared>> -> memref<640x128xf32, #tpu.memory_space<vmem_shared>>
      tpu.enqueue_dma source(%dma_start3A_28 : memref<640x128xf32, #tpu.memory_space<vmem_shared>>) target(%dma_start3A_26 : memref<640x128xf32, #tpu.memory_space<hbm>>) target_semaphore(%run_scoped3A : memref<!tpu.dma_semaphore, #tpu.memory_space<semaphore_mem>>)
      %dma_wait3A = arith.constant 0 : i32
      %dma_wait3A_29 = tpu.memref_slice %arg5[%arg0, %mul3A_24, %dma_wait3A] : memref<2x10240x128xf32, #tpu.memory_space<hbm>> -> memref<1x640x128xf32, #tpu.memory_space<hbm>>
      %dma_wait3A_30 = tpu.memref_squeeze %dma_wait3A_29 : memref<1x640x128xf32, #tpu.memory_space<hbm>> -> memref<640x128xf32, #tpu.memory_space<hbm>>
      %dma_wait3A_31 = arith.constant 0 : i32
      %dma_wait3A_32 = tpu.memref_slice %arg8[%mul3A_22, %dma_wait3A_31] : memref<10240x128xf32, #tpu.memory_space<vmem_shared>> -> memref<640x128xf32, #tpu.memory_space<vmem_shared>>
      tpu.wait_dma2 semaphore(%run_scoped3A : memref<!tpu.dma_semaphore, #tpu.memory_space<semaphore_mem>>) src(%dma_wait3A_32 : memref<640x128xf32, #tpu.memory_space<vmem_shared>>) dst(%dma_wait3A_30 : memref<640x128xf32, #tpu.memory_space<hbm>>)
      tpu.yield
    }) : () -> ()
    return
  }
}

#map = affine_map<(d0, d1) -> (0, 0)>
#map1 = affine_map<(d0, d1) -> (0, 0, 0)>
module attributes {stable_mosaic.version = 14 : i64} {
  func.func @k(%arg0: i32, %arg1: i32, %arg2: memref<10240x128xf32, #tpu.memory_space<hbm>>, %arg3: memref<2560x2x128xi32, #tpu.memory_space<hbm>>, %arg4: memref<640x128xf32, #tpu.memory_space<hbm>>, %arg5: memref<2x10240x128xf32, #tpu.memory_space<hbm>>, %arg6: memref<2x128xi32, #tpu.memory_space<vmem>>, %arg7: memref<2x128xi32, #tpu.memory_space<vmem>>, %arg8: memref<128x128xf32, #tpu.memory_space<vmem>>, %arg9: memref<128x128xf32, #tpu.memory_space<vmem>>, %arg10: memref<10240x128xf32, #tpu.memory_space<vmem_shared>>, %arg11: memref<!tpu.dma_semaphore, #tpu.memory_space<semaphore_mem>>, %arg12: memref<!tpu.dma_semaphore, #tpu.memory_space<semaphore_mem>>, %arg13: memref<!tpu.dma_semaphore, #tpu.memory_space<semaphore_mem>>, %arg14: memref<!tpu.dma_semaphore, #tpu.memory_space<semaphore_mem>>) attributes {dimension_semantics = [#tpu.dimension_semantics<core_parallel>, #tpu.dimension_semantics<subcore_parallel>], iteration_bounds = array<i64: 2, 16>, scalar_prefetch = 0 : i64, scratch_operands = 9 : i64, tpu.core_type = #tpu.core_type<sc_vector_subcore>, window_params = [{transform_indices = #map}, {transform_indices = #map1}, {transform_indices = #map}, {transform_indices = #map1}]} {
    %eq3A = arith.constant 0 : i32
    %eq3A_0 = arith.cmpi eq, %arg0, %eq3A : i32
    %mul3A = arith.constant 154 : i32
    %mul3A_1 = arith.muli %arg1, %mul3A : i32
    %mul3A_2 = arith.constant 6 : i32
    %mul3A_3 = arith.muli %arg1, %mul3A_2 : i32
    %add3A = arith.constant 2464 : i32
    %add3A_4 = arith.addi %add3A, %mul3A_3 : i32
    %select_n3A = arith.select %eq3A_0, %mul3A_1, %add3A_4 : i32
    %eq3A_5 = arith.constant 0 : i32
    %eq3A_6 = arith.cmpi eq, %arg0, %eq3A_5 : i32
    %jit3A = arith.constant 77 : i32
    %jit3A_7 = arith.constant 3 : i32
    %select_n3A_8 = arith.select %eq3A_6, %jit3A, %jit3A_7 : i32
    %mul3A_9 = arith.constant 640 : i32
    %mul3A_10 = arith.muli %arg1, %mul3A_9 : i32
    "tpu.region"() ({
      %run_scoped3A = tpu.sem_alloc : memref<!tpu.dma_semaphore, #tpu.memory_space<semaphore_mem>>
      %dma_start3A_43 = arith.constant 0 : i32
      %dma_start3A_44 = tpu.memref_slice %arg10[%mul3A_10, %dma_start3A_43] : memref<10240x128xf32, #tpu.memory_space<vmem_shared>> -> memref<640x128xf32, #tpu.memory_space<vmem_shared>>
      tpu.enqueue_dma source(%arg4 : memref<640x128xf32, #tpu.memory_space<hbm>>) target(%dma_start3A_44 : memref<640x128xf32, #tpu.memory_space<vmem_shared>>) target_semaphore(%run_scoped3A : memref<!tpu.dma_semaphore, #tpu.memory_space<semaphore_mem>>)
      %dma_wait3A = arith.constant 0 : i32
      %dma_wait3A_45 = tpu.memref_slice %arg10[%mul3A_10, %dma_wait3A] : memref<10240x128xf32, #tpu.memory_space<vmem_shared>> -> memref<640x128xf32, #tpu.memory_space<vmem_shared>>
      tpu.wait_dma2 semaphore(%run_scoped3A : memref<!tpu.dma_semaphore, #tpu.memory_space<semaphore_mem>>) src(%arg4 : memref<640x128xf32, #tpu.memory_space<hbm>>) dst(%dma_wait3A_45 : memref<640x128xf32, #tpu.memory_space<vmem_shared>>)
      tpu.yield
    }) : () -> ()
    %barrier3A = arith.constant 0 : index
    tpu.barrier barrier_id(%barrier3A)
    "tpu.region"() ({
      %run_scoped3A = tpu.sem_alloc : memref<!tpu.dma_semaphore, #tpu.memory_space<semaphore_mem>>
      %dma_start3A_43 = arith.constant 0 : i32
      %dma_start3A_44 = arith.constant 0 : i32
      %dma_start3A_45 = tpu.memref_slice %arg3[%select_n3A, %dma_start3A_43, %dma_start3A_44] : memref<2560x2x128xi32, #tpu.memory_space<hbm>> -> memref<1x2x128xi32, #tpu.memory_space<hbm>>
      %dma_start3A_46 = tpu.memref_squeeze %dma_start3A_45 : memref<1x2x128xi32, #tpu.memory_space<hbm>> -> memref<2x128xi32, #tpu.memory_space<hbm>>
      %dma_start3A_47 = arith.constant 0 : i32
      %dma_start3A_48 = arith.constant 0 : i32
      %dma_start3A_49 = tpu.memref_slice %arg3[%select_n3A, %dma_start3A_47, %dma_start3A_48] : memref<2560x2x128xi32, #tpu.memory_space<hbm>> -> memref<1x2x128xi32, #tpu.memory_space<hbm>>
      %dma_start3A_50 = tpu.memref_squeeze %dma_start3A_49 : memref<1x2x128xi32, #tpu.memory_space<hbm>> -> memref<2x128xi32, #tpu.memory_space<hbm>>
      tpu.enqueue_dma source(%dma_start3A_50 : memref<2x128xi32, #tpu.memory_space<hbm>>) target(%arg6 : memref<2x128xi32, #tpu.memory_space<vmem>>) target_semaphore(%run_scoped3A : memref<!tpu.dma_semaphore, #tpu.memory_space<semaphore_mem>>)
      %dma_wait3A = arith.constant 0 : i32
      %dma_wait3A_51 = arith.constant 0 : i32
      %dma_wait3A_52 = tpu.memref_slice %arg3[%select_n3A, %dma_wait3A, %dma_wait3A_51] : memref<2560x2x128xi32, #tpu.memory_space<hbm>> -> memref<1x2x128xi32, #tpu.memory_space<hbm>>
      %dma_wait3A_53 = tpu.memref_squeeze %dma_wait3A_52 : memref<1x2x128xi32, #tpu.memory_space<hbm>> -> memref<2x128xi32, #tpu.memory_space<hbm>>
      %dma_wait3A_54 = arith.constant 0 : i32
      %dma_wait3A_55 = arith.constant 0 : i32
      %dma_wait3A_56 = tpu.memref_slice %arg3[%select_n3A, %dma_wait3A_54, %dma_wait3A_55] : memref<2560x2x128xi32, #tpu.memory_space<hbm>> -> memref<1x2x128xi32, #tpu.memory_space<hbm>>
      %dma_wait3A_57 = tpu.memref_squeeze %dma_wait3A_56 : memref<1x2x128xi32, #tpu.memory_space<hbm>> -> memref<2x128xi32, #tpu.memory_space<hbm>>
      tpu.wait_dma2 semaphore(%run_scoped3A : memref<!tpu.dma_semaphore, #tpu.memory_space<semaphore_mem>>) src(%dma_wait3A_57 : memref<2x128xi32, #tpu.memory_space<hbm>>) dst(%arg6 : memref<2x128xi32, #tpu.memory_space<vmem>>)
      tpu.yield
    }) : () -> ()
    %dma_start3A = arith.constant 0 : i32
    %dma_start3A_11 = arith.constant 0 : i32
    %dma_start3A_12 = tpu.memref_slice %arg6[%dma_start3A, %dma_start3A_11] : memref<2x128xi32, #tpu.memory_space<vmem>> -> memref<1x128xi32, #tpu.memory_space<vmem>>
    %dma_start3A_13 = tpu.memref_squeeze %dma_start3A_12 : memref<1x128xi32, #tpu.memory_space<vmem>> -> memref<128xi32, #tpu.memory_space<vmem>>
    %dma_start3A_14 = arith.constant 0 : i32
    %dma_start3A_15 = arith.constant 0 : i32
    %dma_start3A_16 = tpu.memref_slice %arg2[%dma_start3A_14, %dma_start3A_15] : memref<10240x128xf32, #tpu.memory_space<hbm>> -> memref<10240x128xf32, #tpu.memory_space<hbm>>
    tpu.enqueue_indirect_dma source(%dma_start3A_16 : memref<10240x128xf32, #tpu.memory_space<hbm>>) target(%arg8 : memref<128x128xf32, #tpu.memory_space<vmem>>) offsets(%dma_start3A_13 : memref<128xi32, #tpu.memory_space<vmem>>) semaphore(%arg11 : memref<!tpu.dma_semaphore, #tpu.memory_space<semaphore_mem>>)
    %add3A_17 = arith.constant 1 : i32
    %add3A_18 = arith.addi %select_n3A, %add3A_17 : i32
    %dma_start3A_19 = arith.constant 0 : i32
    %dma_start3A_20 = arith.constant 0 : i32
    %dma_start3A_21 = tpu.memref_slice %arg3[%add3A_18, %dma_start3A_19, %dma_start3A_20] : memref<2560x2x128xi32, #tpu.memory_space<hbm>> -> memref<1x2x128xi32, #tpu.memory_space<hbm>>
    %dma_start3A_22 = tpu.memref_squeeze %dma_start3A_21 : memref<1x2x128xi32, #tpu.memory_space<hbm>> -> memref<2x128xi32, #tpu.memory_space<hbm>>
    %dma_start3A_23 = arith.constant 0 : i32
    %dma_start3A_24 = arith.constant 0 : i32
    %dma_start3A_25 = tpu.memref_slice %arg3[%add3A_18, %dma_start3A_23, %dma_start3A_24] : memref<2560x2x128xi32, #tpu.memory_space<hbm>> -> memref<1x2x128xi32, #tpu.memory_space<hbm>>
    %dma_start3A_26 = tpu.memref_squeeze %dma_start3A_25 : memref<1x2x128xi32, #tpu.memory_space<hbm>> -> memref<2x128xi32, #tpu.memory_space<hbm>>
    tpu.enqueue_dma source(%dma_start3A_26 : memref<2x128xi32, #tpu.memory_space<hbm>>) target(%arg7 : memref<2x128xi32, #tpu.memory_space<vmem>>) target_semaphore(%arg14 : memref<!tpu.dma_semaphore, #tpu.memory_space<semaphore_mem>>)
    %while3A = arith.constant 0 : i32
    %while3A_27 = arith.constant 0 : i32
    %while3A_28 = arith.subi %select_n3A_8, %while3A : i32
    %while3A_29 = arith.addi %while3A, %while3A_28 : i32
    %while3A_30 = arith.constant 1 : i32
    %while3A_31 = arith.divsi %while3A_28, %while3A_30 : i32
    %while3A_32 = arith.muli %while3A_31, %while3A_30 : i32
    %while3A_33 = arith.addi %while3A, %while3A_32 : i32
    %while3A_34 = arith.constant 1 : i32
    %while3A_35 = scf.for %while3A_43 = %while3A to %while3A_33 step %while3A_34 iter_args(%while3A_44 = %while3A_27) -> (i32)  : i32 {
      %mul3A_45 = arith.constant 2 : i32
      %mul3A_46 = arith.muli %mul3A_45, %while3A_43 : i32
      %add3A_47 = arith.addi %select_n3A, %mul3A_46 : i32
      %add3A_48 = arith.constant 1 : i32
      %add3A_49 = arith.addi %while3A_43, %add3A_48 : i32
      %lt3A = arith.cmpi slt, %add3A_49, %select_n3A_8 : i32
      %add3A_50 = arith.constant 1 : i32
      %add3A_51 = arith.addi %add3A_47, %add3A_50 : i32
      %dma_wait3A = arith.constant 0 : i32
      %dma_wait3A_52 = arith.constant 0 : i32
      %dma_wait3A_53 = tpu.memref_slice %arg3[%add3A_51, %dma_wait3A, %dma_wait3A_52] : memref<2560x2x128xi32, #tpu.memory_space<hbm>> -> memref<1x2x128xi32, #tpu.memory_space<hbm>>
      %dma_wait3A_54 = tpu.memref_squeeze %dma_wait3A_53 : memref<1x2x128xi32, #tpu.memory_space<hbm>> -> memref<2x128xi32, #tpu.memory_space<hbm>>
      %dma_wait3A_55 = arith.constant 0 : i32
      %dma_wait3A_56 = arith.constant 0 : i32
      %dma_wait3A_57 = tpu.memref_slice %arg3[%add3A_51, %dma_wait3A_55, %dma_wait3A_56] : memref<2560x2x128xi32, #tpu.memory_space<hbm>> -> memref<1x2x128xi32, #tpu.memory_space<hbm>>
      %dma_wait3A_58 = tpu.memref_squeeze %dma_wait3A_57 : memref<1x2x128xi32, #tpu.memory_space<hbm>> -> memref<2x128xi32, #tpu.memory_space<hbm>>
      tpu.wait_dma2 semaphore(%arg14 : memref<!tpu.dma_semaphore, #tpu.memory_space<semaphore_mem>>) src(%dma_wait3A_58 : memref<2x128xi32, #tpu.memory_space<hbm>>) dst(%arg7 : memref<2x128xi32, #tpu.memory_space<vmem>>)
      %dma_start3A_59 = arith.constant 0 : i32
      %dma_start3A_60 = arith.constant 0 : i32
      %dma_start3A_61 = tpu.memref_slice %arg7[%dma_start3A_59, %dma_start3A_60] : memref<2x128xi32, #tpu.memory_space<vmem>> -> memref<1x128xi32, #tpu.memory_space<vmem>>
      %dma_start3A_62 = tpu.memref_squeeze %dma_start3A_61 : memref<1x128xi32, #tpu.memory_space<vmem>> -> memref<128xi32, #tpu.memory_space<vmem>>
      %dma_start3A_63 = arith.constant 0 : i32
      %dma_start3A_64 = arith.constant 0 : i32
      %dma_start3A_65 = tpu.memref_slice %arg2[%dma_start3A_63, %dma_start3A_64] : memref<10240x128xf32, #tpu.memory_space<hbm>> -> memref<10240x128xf32, #tpu.memory_space<hbm>>
      tpu.enqueue_indirect_dma source(%dma_start3A_65 : memref<10240x128xf32, #tpu.memory_space<hbm>>) target(%arg9 : memref<128x128xf32, #tpu.memory_space<vmem>>) offsets(%dma_start3A_62 : memref<128xi32, #tpu.memory_space<vmem>>) semaphore(%arg12 : memref<!tpu.dma_semaphore, #tpu.memory_space<semaphore_mem>>)
      %dma_wait3A_66 = arith.constant 0 : i32
      %dma_wait3A_67 = arith.constant 0 : i32
      %dma_wait3A_68 = tpu.memref_slice %arg6[%dma_wait3A_66, %dma_wait3A_67] : memref<2x128xi32, #tpu.memory_space<vmem>> -> memref<1x128xi32, #tpu.memory_space<vmem>>
      %dma_wait3A_69 = tpu.memref_squeeze %dma_wait3A_68 : memref<1x128xi32, #tpu.memory_space<vmem>> -> memref<128xi32, #tpu.memory_space<vmem>>
      %dma_wait3A_70 = arith.constant 0 : i32
      %dma_wait3A_71 = arith.constant 0 : i32
      %dma_wait3A_72 = tpu.memref_slice %arg2[%dma_wait3A_70, %dma_wait3A_71] : memref<10240x128xf32, #tpu.memory_space<hbm>> -> memref<10240x128xf32, #tpu.memory_space<hbm>>
      tpu.wait_indirect_dma semaphore(%arg11 : memref<!tpu.dma_semaphore, #tpu.memory_space<semaphore_mem>>) src(%dma_wait3A_72 : memref<10240x128xf32, #tpu.memory_space<hbm>>) dst(%arg8 : memref<128x128xf32, #tpu.memory_space<vmem>>)
      %run_scoped3A = arith.constant 1 : i32
      "tpu.region"() ({
        %run_scoped3A_86 = tpu.sem_alloc : memref<!tpu.dma_semaphore, #tpu.memory_space<semaphore_mem>>
        %dma_start3A_87 = arith.constant 0 : i32
        %dma_start3A_88 = tpu.memref_slice %arg6[%run_scoped3A, %dma_start3A_87] : memref<2x128xi32, #tpu.memory_space<vmem>> -> memref<1x128xi32, #tpu.memory_space<vmem>>
        %dma_start3A_89 = tpu.memref_squeeze %dma_start3A_88 : memref<1x128xi32, #tpu.memory_space<vmem>> -> memref<128xi32, #tpu.memory_space<vmem>>
        %dma_start3A_90 = arith.constant 0 : i32
        %dma_start3A_91 = arith.constant 0 : i32
        %dma_start3A_92 = tpu.memref_slice %arg10[%dma_start3A_90, %dma_start3A_91] : memref<10240x128xf32, #tpu.memory_space<vmem_shared>> -> memref<10240x128xf32, #tpu.memory_space<vmem_shared>>
        tpu.enqueue_indirect_dma source(%arg8 : memref<128x128xf32, #tpu.memory_space<vmem>>) target(%dma_start3A_92 : memref<10240x128xf32, #tpu.memory_space<vmem_shared>>) offsets(%dma_start3A_89 : memref<128xi32, #tpu.memory_space<vmem>>) semaphore(%run_scoped3A_86 : memref<!tpu.dma_semaphore, #tpu.memory_space<semaphore_mem>>) {add = true}
        %dma_wait3A_93 = arith.constant 0 : i32
        %dma_wait3A_94 = tpu.memref_slice %arg6[%run_scoped3A, %dma_wait3A_93] : memref<2x128xi32, #tpu.memory_space<vmem>> -> memref<1x128xi32, #tpu.memory_space<vmem>>
        %dma_wait3A_95 = tpu.memref_squeeze %dma_wait3A_94 : memref<1x128xi32, #tpu.memory_space<vmem>> -> memref<128xi32, #tpu.memory_space<vmem>>
        %dma_wait3A_96 = arith.constant 0 : i32
        %dma_wait3A_97 = arith.constant 0 : i32
        %dma_wait3A_98 = tpu.memref_slice %arg10[%dma_wait3A_96, %dma_wait3A_97] : memref<10240x128xf32, #tpu.memory_space<vmem_shared>> -> memref<10240x128xf32, #tpu.memory_space<vmem_shared>>
        tpu.wait_indirect_dma semaphore(%run_scoped3A_86 : memref<!tpu.dma_semaphore, #tpu.memory_space<semaphore_mem>>) src(%arg8 : memref<128x128xf32, #tpu.memory_space<vmem>>) dst(%dma_wait3A_98 : memref<10240x128xf32, #tpu.memory_space<vmem_shared>>)
        tpu.yield
      }) : () -> ()
      %convert_element_type3A = arith.extui %lt3A : i1 to i32
      %cond3A = arith.constant 0 : i32
      %cond3A_73 = arith.cmpi ne, %convert_element_type3A, %cond3A : i32
      scf.if %cond3A_73 {
        %add3A_86 = arith.constant 2 : i32
        %add3A_87 = arith.addi %add3A_47, %add3A_86 : i32
        %dma_start3A_88 = arith.constant 0 : i32
        %dma_start3A_89 = arith.constant 0 : i32
        %dma_start3A_90 = tpu.memref_slice %arg3[%add3A_87, %dma_start3A_88, %dma_start3A_89] : memref<2560x2x128xi32, #tpu.memory_space<hbm>> -> memref<1x2x128xi32, #tpu.memory_space<hbm>>
        %dma_start3A_91 = tpu.memref_squeeze %dma_start3A_90 : memref<1x2x128xi32, #tpu.memory_space<hbm>> -> memref<2x128xi32, #tpu.memory_space<hbm>>
        %dma_start3A_92 = arith.constant 0 : i32
        %dma_start3A_93 = arith.constant 0 : i32
        %dma_start3A_94 = tpu.memref_slice %arg3[%add3A_87, %dma_start3A_92, %dma_start3A_93] : memref<2560x2x128xi32, #tpu.memory_space<hbm>> -> memref<1x2x128xi32, #tpu.memory_space<hbm>>
        %dma_start3A_95 = tpu.memref_squeeze %dma_start3A_94 : memref<1x2x128xi32, #tpu.memory_space<hbm>> -> memref<2x128xi32, #tpu.memory_space<hbm>>
        tpu.enqueue_dma source(%dma_start3A_95 : memref<2x128xi32, #tpu.memory_space<hbm>>) target(%arg6 : memref<2x128xi32, #tpu.memory_space<vmem>>) target_semaphore(%arg13 : memref<!tpu.dma_semaphore, #tpu.memory_space<semaphore_mem>>)
      } else {
      }
      %dma_wait3A_74 = arith.constant 0 : i32
      %dma_wait3A_75 = arith.constant 0 : i32
      %dma_wait3A_76 = tpu.memref_slice %arg7[%dma_wait3A_74, %dma_wait3A_75] : memref<2x128xi32, #tpu.memory_space<vmem>> -> memref<1x128xi32, #tpu.memory_space<vmem>>
      %dma_wait3A_77 = tpu.memref_squeeze %dma_wait3A_76 : memref<1x128xi32, #tpu.memory_space<vmem>> -> memref<128xi32, #tpu.memory_space<vmem>>
      %dma_wait3A_78 = arith.constant 0 : i32
      %dma_wait3A_79 = arith.constant 0 : i32
      %dma_wait3A_80 = tpu.memref_slice %arg2[%dma_wait3A_78, %dma_wait3A_79] : memref<10240x128xf32, #tpu.memory_space<hbm>> -> memref<10240x128xf32, #tpu.memory_space<hbm>>
      tpu.wait_indirect_dma semaphore(%arg12 : memref<!tpu.dma_semaphore, #tpu.memory_space<semaphore_mem>>) src(%dma_wait3A_80 : memref<10240x128xf32, #tpu.memory_space<hbm>>) dst(%arg9 : memref<128x128xf32, #tpu.memory_space<vmem>>)
      %run_scoped3A_81 = arith.constant 1 : i32
      "tpu.region"() ({
        %run_scoped3A_86 = tpu.sem_alloc : memref<!tpu.dma_semaphore, #tpu.memory_space<semaphore_mem>>
        %dma_start3A_87 = arith.constant 0 : i32
        %dma_start3A_88 = tpu.memref_slice %arg7[%run_scoped3A_81, %dma_start3A_87] : memref<2x128xi32, #tpu.memory_space<vmem>> -> memref<1x128xi32, #tpu.memory_space<vmem>>
        %dma_start3A_89 = tpu.memref_squeeze %dma_start3A_88 : memref<1x128xi32, #tpu.memory_space<vmem>> -> memref<128xi32, #tpu.memory_space<vmem>>
        %dma_start3A_90 = arith.constant 0 : i32
        %dma_start3A_91 = arith.constant 0 : i32
        %dma_start3A_92 = tpu.memref_slice %arg10[%dma_start3A_90, %dma_start3A_91] : memref<10240x128xf32, #tpu.memory_space<vmem_shared>> -> memref<10240x128xf32, #tpu.memory_space<vmem_shared>>
        tpu.enqueue_indirect_dma source(%arg9 : memref<128x128xf32, #tpu.memory_space<vmem>>) target(%dma_start3A_92 : memref<10240x128xf32, #tpu.memory_space<vmem_shared>>) offsets(%dma_start3A_89 : memref<128xi32, #tpu.memory_space<vmem>>) semaphore(%run_scoped3A_86 : memref<!tpu.dma_semaphore, #tpu.memory_space<semaphore_mem>>) {add = true}
        %dma_wait3A_93 = arith.constant 0 : i32
        %dma_wait3A_94 = tpu.memref_slice %arg7[%run_scoped3A_81, %dma_wait3A_93] : memref<2x128xi32, #tpu.memory_space<vmem>> -> memref<1x128xi32, #tpu.memory_space<vmem>>
        %dma_wait3A_95 = tpu.memref_squeeze %dma_wait3A_94 : memref<1x128xi32, #tpu.memory_space<vmem>> -> memref<128xi32, #tpu.memory_space<vmem>>
        %dma_wait3A_96 = arith.constant 0 : i32
        %dma_wait3A_97 = arith.constant 0 : i32
        %dma_wait3A_98 = tpu.memref_slice %arg10[%dma_wait3A_96, %dma_wait3A_97] : memref<10240x128xf32, #tpu.memory_space<vmem_shared>> -> memref<10240x128xf32, #tpu.memory_space<vmem_shared>>
        tpu.wait_indirect_dma semaphore(%run_scoped3A_86 : memref<!tpu.dma_semaphore, #tpu.memory_space<semaphore_mem>>) src(%arg9 : memref<128x128xf32, #tpu.memory_space<vmem>>) dst(%dma_wait3A_98 : memref<10240x128xf32, #tpu.memory_space<vmem_shared>>)
        tpu.yield
      }) : () -> ()
      %convert_element_type3A_82 = arith.extui %lt3A : i1 to i32
      %cond3A_83 = arith.constant 0 : i32
      %cond3A_84 = arith.cmpi ne, %convert_element_type3A_82, %cond3A_83 : i32
      scf.if %cond3A_84 {
        %add3A_86 = arith.constant 2 : i32
        %add3A_87 = arith.addi %add3A_47, %add3A_86 : i32
        %dma_wait3A_88 = arith.constant 0 : i32
        %dma_wait3A_89 = arith.constant 0 : i32
        %dma_wait3A_90 = tpu.memref_slice %arg3[%add3A_87, %dma_wait3A_88, %dma_wait3A_89] : memref<2560x2x128xi32, #tpu.memory_space<hbm>> -> memref<1x2x128xi32, #tpu.memory_space<hbm>>
        %dma_wait3A_91 = tpu.memref_squeeze %dma_wait3A_90 : memref<1x2x128xi32, #tpu.memory_space<hbm>> -> memref<2x128xi32, #tpu.memory_space<hbm>>
        %dma_wait3A_92 = arith.constant 0 : i32
        %dma_wait3A_93 = arith.constant 0 : i32
        %dma_wait3A_94 = tpu.memref_slice %arg3[%add3A_87, %dma_wait3A_92, %dma_wait3A_93] : memref<2560x2x128xi32, #tpu.memory_space<hbm>> -> memref<1x2x128xi32, #tpu.memory_space<hbm>>
        %dma_wait3A_95 = tpu.memref_squeeze %dma_wait3A_94 : memref<1x2x128xi32, #tpu.memory_space<hbm>> -> memref<2x128xi32, #tpu.memory_space<hbm>>
        tpu.wait_dma2 semaphore(%arg13 : memref<!tpu.dma_semaphore, #tpu.memory_space<semaphore_mem>>) src(%dma_wait3A_95 : memref<2x128xi32, #tpu.memory_space<hbm>>) dst(%arg6 : memref<2x128xi32, #tpu.memory_space<vmem>>)
        %dma_start3A_96 = arith.constant 0 : i32
        %dma_start3A_97 = arith.constant 0 : i32
        %dma_start3A_98 = tpu.memref_slice %arg6[%dma_start3A_96, %dma_start3A_97] : memref<2x128xi32, #tpu.memory_space<vmem>> -> memref<1x128xi32, #tpu.memory_space<vmem>>
        %dma_start3A_99 = tpu.memref_squeeze %dma_start3A_98 : memref<1x128xi32, #tpu.memory_space<vmem>> -> memref<128xi32, #tpu.memory_space<vmem>>
        %dma_start3A_100 = arith.constant 0 : i32
        %dma_start3A_101 = arith.constant 0 : i32
        %dma_start3A_102 = tpu.memref_slice %arg2[%dma_start3A_100, %dma_start3A_101] : memref<10240x128xf32, #tpu.memory_space<hbm>> -> memref<10240x128xf32, #tpu.memory_space<hbm>>
        tpu.enqueue_indirect_dma source(%dma_start3A_102 : memref<10240x128xf32, #tpu.memory_space<hbm>>) target(%arg8 : memref<128x128xf32, #tpu.memory_space<vmem>>) offsets(%dma_start3A_99 : memref<128xi32, #tpu.memory_space<vmem>>) semaphore(%arg11 : memref<!tpu.dma_semaphore, #tpu.memory_space<semaphore_mem>>)
        %add3A_103 = arith.constant 3 : i32
        %add3A_104 = arith.addi %add3A_47, %add3A_103 : i32
        %dma_start3A_105 = arith.constant 0 : i32
        %dma_start3A_106 = arith.constant 0 : i32
        %dma_start3A_107 = tpu.memref_slice %arg3[%add3A_104, %dma_start3A_105, %dma_start3A_106] : memref<2560x2x128xi32, #tpu.memory_space<hbm>> -> memref<1x2x128xi32, #tpu.memory_space<hbm>>
        %dma_start3A_108 = tpu.memref_squeeze %dma_start3A_107 : memref<1x2x128xi32, #tpu.memory_space<hbm>> -> memref<2x128xi32, #tpu.memory_space<hbm>>
        %dma_start3A_109 = arith.constant 0 : i32
        %dma_start3A_110 = arith.constant 0 : i32
        %dma_start3A_111 = tpu.memref_slice %arg3[%add3A_104, %dma_start3A_109, %dma_start3A_110] : memref<2560x2x128xi32, #tpu.memory_space<hbm>> -> memref<1x2x128xi32, #tpu.memory_space<hbm>>
        %dma_start3A_112 = tpu.memref_squeeze %dma_start3A_111 : memref<1x2x128xi32, #tpu.memory_space<hbm>> -> memref<2x128xi32, #tpu.memory_space<hbm>>
        tpu.enqueue_dma source(%dma_start3A_112 : memref<2x128xi32, #tpu.memory_space<hbm>>) target(%arg7 : memref<2x128xi32, #tpu.memory_space<vmem>>) target_semaphore(%arg14 : memref<!tpu.dma_semaphore, #tpu.memory_space<semaphore_mem>>)
      } else {
      }
      %while3A_85 = arith.constant 0 : i32
      scf.yield %while3A_85 : i32
    }
    %while3A_36 = arith.constant 1 : i32
    %while3A_37 = scf.for %while3A_43 = %while3A_33 to %while3A_29 step %while3A_36 iter_args(%while3A_44 = %while3A_35) -> (i32)  : i32 {
      %mul3A_45 = arith.constant 2 : i32
      %mul3A_46 = arith.muli %mul3A_45, %while3A_43 : i32
      %add3A_47 = arith.addi %select_n3A, %mul3A_46 : i32
      %add3A_48 = arith.constant 1 : i32
      %add3A_49 = arith.addi %while3A_43, %add3A_48 : i32
      %lt3A = arith.cmpi slt, %add3A_49, %select_n3A_8 : i32
      %add3A_50 = arith.constant 1 : i32
      %add3A_51 = arith.addi %add3A_47, %add3A_50 : i32
      %dma_wait3A = arith.constant 0 : i32
      %dma_wait3A_52 = arith.constant 0 : i32
      %dma_wait3A_53 = tpu.memref_slice %arg3[%add3A_51, %dma_wait3A, %dma_wait3A_52] : memref<2560x2x128xi32, #tpu.memory_space<hbm>> -> memref<1x2x128xi32, #tpu.memory_space<hbm>>
      %dma_wait3A_54 = tpu.memref_squeeze %dma_wait3A_53 : memref<1x2x128xi32, #tpu.memory_space<hbm>> -> memref<2x128xi32, #tpu.memory_space<hbm>>
      %dma_wait3A_55 = arith.constant 0 : i32
      %dma_wait3A_56 = arith.constant 0 : i32
      %dma_wait3A_57 = tpu.memref_slice %arg3[%add3A_51, %dma_wait3A_55, %dma_wait3A_56] : memref<2560x2x128xi32, #tpu.memory_space<hbm>> -> memref<1x2x128xi32, #tpu.memory_space<hbm>>
      %dma_wait3A_58 = tpu.memref_squeeze %dma_wait3A_57 : memref<1x2x128xi32, #tpu.memory_space<hbm>> -> memref<2x128xi32, #tpu.memory_space<hbm>>
      tpu.wait_dma2 semaphore(%arg14 : memref<!tpu.dma_semaphore, #tpu.memory_space<semaphore_mem>>) src(%dma_wait3A_58 : memref<2x128xi32, #tpu.memory_space<hbm>>) dst(%arg7 : memref<2x128xi32, #tpu.memory_space<vmem>>)
      %dma_start3A_59 = arith.constant 0 : i32
      %dma_start3A_60 = arith.constant 0 : i32
      %dma_start3A_61 = tpu.memref_slice %arg7[%dma_start3A_59, %dma_start3A_60] : memref<2x128xi32, #tpu.memory_space<vmem>> -> memref<1x128xi32, #tpu.memory_space<vmem>>
      %dma_start3A_62 = tpu.memref_squeeze %dma_start3A_61 : memref<1x128xi32, #tpu.memory_space<vmem>> -> memref<128xi32, #tpu.memory_space<vmem>>
      %dma_start3A_63 = arith.constant 0 : i32
      %dma_start3A_64 = arith.constant 0 : i32
      %dma_start3A_65 = tpu.memref_slice %arg2[%dma_start3A_63, %dma_start3A_64] : memref<10240x128xf32, #tpu.memory_space<hbm>> -> memref<10240x128xf32, #tpu.memory_space<hbm>>
      tpu.enqueue_indirect_dma source(%dma_start3A_65 : memref<10240x128xf32, #tpu.memory_space<hbm>>) target(%arg9 : memref<128x128xf32, #tpu.memory_space<vmem>>) offsets(%dma_start3A_62 : memref<128xi32, #tpu.memory_space<vmem>>) semaphore(%arg12 : memref<!tpu.dma_semaphore, #tpu.memory_space<semaphore_mem>>)
      %dma_wait3A_66 = arith.constant 0 : i32
      %dma_wait3A_67 = arith.constant 0 : i32
      %dma_wait3A_68 = tpu.memref_slice %arg6[%dma_wait3A_66, %dma_wait3A_67] : memref<2x128xi32, #tpu.memory_space<vmem>> -> memref<1x128xi32, #tpu.memory_space<vmem>>
      %dma_wait3A_69 = tpu.memref_squeeze %dma_wait3A_68 : memref<1x128xi32, #tpu.memory_space<vmem>> -> memref<128xi32, #tpu.memory_space<vmem>>
      %dma_wait3A_70 = arith.constant 0 : i32
      %dma_wait3A_71 = arith.constant 0 : i32
      %dma_wait3A_72 = tpu.memref_slice %arg2[%dma_wait3A_70, %dma_wait3A_71] : memref<10240x128xf32, #tpu.memory_space<hbm>> -> memref<10240x128xf32, #tpu.memory_space<hbm>>
      tpu.wait_indirect_dma semaphore(%arg11 : memref<!tpu.dma_semaphore, #tpu.memory_space<semaphore_mem>>) src(%dma_wait3A_72 : memref<10240x128xf32, #tpu.memory_space<hbm>>) dst(%arg8 : memref<128x128xf32, #tpu.memory_space<vmem>>)
      %run_scoped3A = arith.constant 1 : i32
      "tpu.region"() ({
        %run_scoped3A_86 = tpu.sem_alloc : memref<!tpu.dma_semaphore, #tpu.memory_space<semaphore_mem>>
        %dma_start3A_87 = arith.constant 0 : i32
        %dma_start3A_88 = tpu.memref_slice %arg6[%run_scoped3A, %dma_start3A_87] : memref<2x128xi32, #tpu.memory_space<vmem>> -> memref<1x128xi32, #tpu.memory_space<vmem>>
        %dma_start3A_89 = tpu.memref_squeeze %dma_start3A_88 : memref<1x128xi32, #tpu.memory_space<vmem>> -> memref<128xi32, #tpu.memory_space<vmem>>
        %dma_start3A_90 = arith.constant 0 : i32
        %dma_start3A_91 = arith.constant 0 : i32
        %dma_start3A_92 = tpu.memref_slice %arg10[%dma_start3A_90, %dma_start3A_91] : memref<10240x128xf32, #tpu.memory_space<vmem_shared>> -> memref<10240x128xf32, #tpu.memory_space<vmem_shared>>
        tpu.enqueue_indirect_dma source(%arg8 : memref<128x128xf32, #tpu.memory_space<vmem>>) target(%dma_start3A_92 : memref<10240x128xf32, #tpu.memory_space<vmem_shared>>) offsets(%dma_start3A_89 : memref<128xi32, #tpu.memory_space<vmem>>) semaphore(%run_scoped3A_86 : memref<!tpu.dma_semaphore, #tpu.memory_space<semaphore_mem>>) {add = true}
        %dma_wait3A_93 = arith.constant 0 : i32
        %dma_wait3A_94 = tpu.memref_slice %arg6[%run_scoped3A, %dma_wait3A_93] : memref<2x128xi32, #tpu.memory_space<vmem>> -> memref<1x128xi32, #tpu.memory_space<vmem>>
        %dma_wait3A_95 = tpu.memref_squeeze %dma_wait3A_94 : memref<1x128xi32, #tpu.memory_space<vmem>> -> memref<128xi32, #tpu.memory_space<vmem>>
        %dma_wait3A_96 = arith.constant 0 : i32
        %dma_wait3A_97 = arith.constant 0 : i32
        %dma_wait3A_98 = tpu.memref_slice %arg10[%dma_wait3A_96, %dma_wait3A_97] : memref<10240x128xf32, #tpu.memory_space<vmem_shared>> -> memref<10240x128xf32, #tpu.memory_space<vmem_shared>>
        tpu.wait_indirect_dma semaphore(%run_scoped3A_86 : memref<!tpu.dma_semaphore, #tpu.memory_space<semaphore_mem>>) src(%arg8 : memref<128x128xf32, #tpu.memory_space<vmem>>) dst(%dma_wait3A_98 : memref<10240x128xf32, #tpu.memory_space<vmem_shared>>)
        tpu.yield
      }) : () -> ()
      %convert_element_type3A = arith.extui %lt3A : i1 to i32
      %cond3A = arith.constant 0 : i32
      %cond3A_73 = arith.cmpi ne, %convert_element_type3A, %cond3A : i32
      scf.if %cond3A_73 {
        %add3A_86 = arith.constant 2 : i32
        %add3A_87 = arith.addi %add3A_47, %add3A_86 : i32
        %dma_start3A_88 = arith.constant 0 : i32
        %dma_start3A_89 = arith.constant 0 : i32
        %dma_start3A_90 = tpu.memref_slice %arg3[%add3A_87, %dma_start3A_88, %dma_start3A_89] : memref<2560x2x128xi32, #tpu.memory_space<hbm>> -> memref<1x2x128xi32, #tpu.memory_space<hbm>>
        %dma_start3A_91 = tpu.memref_squeeze %dma_start3A_90 : memref<1x2x128xi32, #tpu.memory_space<hbm>> -> memref<2x128xi32, #tpu.memory_space<hbm>>
        %dma_start3A_92 = arith.constant 0 : i32
        %dma_start3A_93 = arith.constant 0 : i32
        %dma_start3A_94 = tpu.memref_slice %arg3[%add3A_87, %dma_start3A_92, %dma_start3A_93] : memref<2560x2x128xi32, #tpu.memory_space<hbm>> -> memref<1x2x128xi32, #tpu.memory_space<hbm>>
        %dma_start3A_95 = tpu.memref_squeeze %dma_start3A_94 : memref<1x2x128xi32, #tpu.memory_space<hbm>> -> memref<2x128xi32, #tpu.memory_space<hbm>>
        tpu.enqueue_dma source(%dma_start3A_95 : memref<2x128xi32, #tpu.memory_space<hbm>>) target(%arg6 : memref<2x128xi32, #tpu.memory_space<vmem>>) target_semaphore(%arg13 : memref<!tpu.dma_semaphore, #tpu.memory_space<semaphore_mem>>)
      } else {
      }
      %dma_wait3A_74 = arith.constant 0 : i32
      %dma_wait3A_75 = arith.constant 0 : i32
      %dma_wait3A_76 = tpu.memref_slice %arg7[%dma_wait3A_74, %dma_wait3A_75] : memref<2x128xi32, #tpu.memory_space<vmem>> -> memref<1x128xi32, #tpu.memory_space<vmem>>
      %dma_wait3A_77 = tpu.memref_squeeze %dma_wait3A_76 : memref<1x128xi32, #tpu.memory_space<vmem>> -> memref<128xi32, #tpu.memory_space<vmem>>
      %dma_wait3A_78 = arith.constant 0 : i32
      %dma_wait3A_79 = arith.constant 0 : i32
      %dma_wait3A_80 = tpu.memref_slice %arg2[%dma_wait3A_78, %dma_wait3A_79] : memref<10240x128xf32, #tpu.memory_space<hbm>> -> memref<10240x128xf32, #tpu.memory_space<hbm>>
      tpu.wait_indirect_dma semaphore(%arg12 : memref<!tpu.dma_semaphore, #tpu.memory_space<semaphore_mem>>) src(%dma_wait3A_80 : memref<10240x128xf32, #tpu.memory_space<hbm>>) dst(%arg9 : memref<128x128xf32, #tpu.memory_space<vmem>>)
      %run_scoped3A_81 = arith.constant 1 : i32
      "tpu.region"() ({
        %run_scoped3A_86 = tpu.sem_alloc : memref<!tpu.dma_semaphore, #tpu.memory_space<semaphore_mem>>
        %dma_start3A_87 = arith.constant 0 : i32
        %dma_start3A_88 = tpu.memref_slice %arg7[%run_scoped3A_81, %dma_start3A_87] : memref<2x128xi32, #tpu.memory_space<vmem>> -> memref<1x128xi32, #tpu.memory_space<vmem>>
        %dma_start3A_89 = tpu.memref_squeeze %dma_start3A_88 : memref<1x128xi32, #tpu.memory_space<vmem>> -> memref<128xi32, #tpu.memory_space<vmem>>
        %dma_start3A_90 = arith.constant 0 : i32
        %dma_start3A_91 = arith.constant 0 : i32
        %dma_start3A_92 = tpu.memref_slice %arg10[%dma_start3A_90, %dma_start3A_91] : memref<10240x128xf32, #tpu.memory_space<vmem_shared>> -> memref<10240x128xf32, #tpu.memory_space<vmem_shared>>
        tpu.enqueue_indirect_dma source(%arg9 : memref<128x128xf32, #tpu.memory_space<vmem>>) target(%dma_start3A_92 : memref<10240x128xf32, #tpu.memory_space<vmem_shared>>) offsets(%dma_start3A_89 : memref<128xi32, #tpu.memory_space<vmem>>) semaphore(%run_scoped3A_86 : memref<!tpu.dma_semaphore, #tpu.memory_space<semaphore_mem>>) {add = true}
        %dma_wait3A_93 = arith.constant 0 : i32
        %dma_wait3A_94 = tpu.memref_slice %arg7[%run_scoped3A_81, %dma_wait3A_93] : memref<2x128xi32, #tpu.memory_space<vmem>> -> memref<1x128xi32, #tpu.memory_space<vmem>>
        %dma_wait3A_95 = tpu.memref_squeeze %dma_wait3A_94 : memref<1x128xi32, #tpu.memory_space<vmem>> -> memref<128xi32, #tpu.memory_space<vmem>>
        %dma_wait3A_96 = arith.constant 0 : i32
        %dma_wait3A_97 = arith.constant 0 : i32
        %dma_wait3A_98 = tpu.memref_slice %arg10[%dma_wait3A_96, %dma_wait3A_97] : memref<10240x128xf32, #tpu.memory_space<vmem_shared>> -> memref<10240x128xf32, #tpu.memory_space<vmem_shared>>
        tpu.wait_indirect_dma semaphore(%run_scoped3A_86 : memref<!tpu.dma_semaphore, #tpu.memory_space<semaphore_mem>>) src(%arg9 : memref<128x128xf32, #tpu.memory_space<vmem>>) dst(%dma_wait3A_98 : memref<10240x128xf32, #tpu.memory_space<vmem_shared>>)
        tpu.yield
      }) : () -> ()
      %convert_element_type3A_82 = arith.extui %lt3A : i1 to i32
      %cond3A_83 = arith.constant 0 : i32
      %cond3A_84 = arith.cmpi ne, %convert_element_type3A_82, %cond3A_83 : i32
      scf.if %cond3A_84 {
        %add3A_86 = arith.constant 2 : i32
        %add3A_87 = arith.addi %add3A_47, %add3A_86 : i32
        %dma_wait3A_88 = arith.constant 0 : i32
        %dma_wait3A_89 = arith.constant 0 : i32
        %dma_wait3A_90 = tpu.memref_slice %arg3[%add3A_87, %dma_wait3A_88, %dma_wait3A_89] : memref<2560x2x128xi32, #tpu.memory_space<hbm>> -> memref<1x2x128xi32, #tpu.memory_space<hbm>>
        %dma_wait3A_91 = tpu.memref_squeeze %dma_wait3A_90 : memref<1x2x128xi32, #tpu.memory_space<hbm>> -> memref<2x128xi32, #tpu.memory_space<hbm>>
        %dma_wait3A_92 = arith.constant 0 : i32
        %dma_wait3A_93 = arith.constant 0 : i32
        %dma_wait3A_94 = tpu.memref_slice %arg3[%add3A_87, %dma_wait3A_92, %dma_wait3A_93] : memref<2560x2x128xi32, #tpu.memory_space<hbm>> -> memref<1x2x128xi32, #tpu.memory_space<hbm>>
        %dma_wait3A_95 = tpu.memref_squeeze %dma_wait3A_94 : memref<1x2x128xi32, #tpu.memory_space<hbm>> -> memref<2x128xi32, #tpu.memory_space<hbm>>
        tpu.wait_dma2 semaphore(%arg13 : memref<!tpu.dma_semaphore, #tpu.memory_space<semaphore_mem>>) src(%dma_wait3A_95 : memref<2x128xi32, #tpu.memory_space<hbm>>) dst(%arg6 : memref<2x128xi32, #tpu.memory_space<vmem>>)
        %dma_start3A_96 = arith.constant 0 : i32
        %dma_start3A_97 = arith.constant 0 : i32
        %dma_start3A_98 = tpu.memref_slice %arg6[%dma_start3A_96, %dma_start3A_97] : memref<2x128xi32, #tpu.memory_space<vmem>> -> memref<1x128xi32, #tpu.memory_space<vmem>>
        %dma_start3A_99 = tpu.memref_squeeze %dma_start3A_98 : memref<1x128xi32, #tpu.memory_space<vmem>> -> memref<128xi32, #tpu.memory_space<vmem>>
        %dma_start3A_100 = arith.constant 0 : i32
        %dma_start3A_101 = arith.constant 0 : i32
        %dma_start3A_102 = tpu.memref_slice %arg2[%dma_start3A_100, %dma_start3A_101] : memref<10240x128xf32, #tpu.memory_space<hbm>> -> memref<10240x128xf32, #tpu.memory_space<hbm>>
        tpu.enqueue_indirect_dma source(%dma_start3A_102 : memref<10240x128xf32, #tpu.memory_space<hbm>>) target(%arg8 : memref<128x128xf32, #tpu.memory_space<vmem>>) offsets(%dma_start3A_99 : memref<128xi32, #tpu.memory_space<vmem>>) semaphore(%arg11 : memref<!tpu.dma_semaphore, #tpu.memory_space<semaphore_mem>>)
        %add3A_103 = arith.constant 3 : i32
        %add3A_104 = arith.addi %add3A_47, %add3A_103 : i32
        %dma_start3A_105 = arith.constant 0 : i32
        %dma_start3A_106 = arith.constant 0 : i32
        %dma_start3A_107 = tpu.memref_slice %arg3[%add3A_104, %dma_start3A_105, %dma_start3A_106] : memref<2560x2x128xi32, #tpu.memory_space<hbm>> -> memref<1x2x128xi32, #tpu.memory_space<hbm>>
        %dma_start3A_108 = tpu.memref_squeeze %dma_start3A_107 : memref<1x2x128xi32, #tpu.memory_space<hbm>> -> memref<2x128xi32, #tpu.memory_space<hbm>>
        %dma_start3A_109 = arith.constant 0 : i32
        %dma_start3A_110 = arith.constant 0 : i32
        %dma_start3A_111 = tpu.memref_slice %arg3[%add3A_104, %dma_start3A_109, %dma_start3A_110] : memref<2560x2x128xi32, #tpu.memory_space<hbm>> -> memref<1x2x128xi32, #tpu.memory_space<hbm>>
        %dma_start3A_112 = tpu.memref_squeeze %dma_start3A_111 : memref<1x2x128xi32, #tpu.memory_space<hbm>> -> memref<2x128xi32, #tpu.memory_space<hbm>>
        tpu.enqueue_dma source(%dma_start3A_112 : memref<2x128xi32, #tpu.memory_space<hbm>>) target(%arg7 : memref<2x128xi32, #tpu.memory_space<vmem>>) target_semaphore(%arg14 : memref<!tpu.dma_semaphore, #tpu.memory_space<semaphore_mem>>)
      } else {
      }
      %while3A_85 = arith.constant 0 : i32
      scf.yield %while3A_85 : i32
    }
    %barrier3A_38 = arith.constant 0 : index
    tpu.barrier barrier_id(%barrier3A_38)
    %mul3A_39 = arith.constant 640 : i32
    %mul3A_40 = arith.muli %arg1, %mul3A_39 : i32
    %mul3A_41 = arith.constant 640 : i32
    %mul3A_42 = arith.muli %arg1, %mul3A_41 : i32
    "tpu.region"() ({
      %run_scoped3A = tpu.sem_alloc : memref<!tpu.dma_semaphore, #tpu.memory_space<semaphore_mem>>
      %dma_start3A_43 = arith.constant 0 : i32
      %dma_start3A_44 = tpu.memref_slice %arg5[%arg0, %mul3A_42, %dma_start3A_43] : memref<2x10240x128xf32, #tpu.memory_space<hbm>> -> memref<1x640x128xf32, #tpu.memory_space<hbm>>
      %dma_start3A_45 = tpu.memref_squeeze %dma_start3A_44 : memref<1x640x128xf32, #tpu.memory_space<hbm>> -> memref<640x128xf32, #tpu.memory_space<hbm>>
      %dma_start3A_46 = arith.constant 0 : i32
      %dma_start3A_47 = tpu.memref_slice %arg10[%mul3A_40, %dma_start3A_46] : memref<10240x128xf32, #tpu.memory_space<vmem_shared>> -> memref<640x128xf32, #tpu.memory_space<vmem_shared>>
      tpu.enqueue_dma source(%dma_start3A_47 : memref<640x128xf32, #tpu.memory_space<vmem_shared>>) target(%dma_start3A_45 : memref<640x128xf32, #tpu.memory_space<hbm>>) target_semaphore(%run_scoped3A : memref<!tpu.dma_semaphore, #tpu.memory_space<semaphore_mem>>)
      %dma_wait3A = arith.constant 0 : i32
      %dma_wait3A_48 = tpu.memref_slice %arg5[%arg0, %mul3A_42, %dma_wait3A] : memref<2x10240x128xf32, #tpu.memory_space<hbm>> -> memref<1x640x128xf32, #tpu.memory_space<hbm>>
      %dma_wait3A_49 = tpu.memref_squeeze %dma_wait3A_48 : memref<1x640x128xf32, #tpu.memory_space<hbm>> -> memref<640x128xf32, #tpu.memory_space<hbm>>
      %dma_wait3A_50 = arith.constant 0 : i32
      %dma_wait3A_51 = tpu.memref_slice %arg10[%mul3A_40, %dma_wait3A_50] : memref<10240x128xf32, #tpu.memory_space<vmem_shared>> -> memref<640x128xf32, #tpu.memory_space<vmem_shared>>
      tpu.wait_dma2 semaphore(%run_scoped3A : memref<!tpu.dma_semaphore, #tpu.memory_space<semaphore_mem>>) src(%dma_wait3A_51 : memref<640x128xf32, #tpu.memory_space<vmem_shared>>) dst(%dma_wait3A_49 : memref<640x128xf32, #tpu.memory_space<hbm>>)
      tpu.yield
    }) : () -> ()
    return
  }
}

#map = affine_map<(d0, d1) -> (0, 0)>
#map1 = affine_map<(d0, d1) -> (0, 0, 0)>
module attributes {stable_mosaic.version = 14 : i64} {
  func.func @k(%arg0: i32, %arg1: i32, %arg2: memref<10240x128xf32, #tpu.memory_space<hbm>>, %arg3: memref<2560x2x128xi32, #tpu.memory_space<hbm>>, %arg4: memref<640x128xf32, #tpu.memory_space<hbm>>, %arg5: memref<2x10240x128xf32, #tpu.memory_space<hbm>>, %arg6: memref<2x128xi32, #tpu.memory_space<vmem>>, %arg7: memref<2x128xi32, #tpu.memory_space<vmem>>, %arg8: memref<128x128xf32, #tpu.memory_space<vmem>>, %arg9: memref<128x128xf32, #tpu.memory_space<vmem>>, %arg10: memref<10240x128xf32, #tpu.memory_space<vmem_shared>>, %arg11: memref<!tpu.dma_semaphore, #tpu.memory_space<semaphore_mem>>, %arg12: memref<!tpu.dma_semaphore, #tpu.memory_space<semaphore_mem>>, %arg13: memref<!tpu.dma_semaphore, #tpu.memory_space<semaphore_mem>>, %arg14: memref<!tpu.dma_semaphore, #tpu.memory_space<semaphore_mem>>) attributes {dimension_semantics = [#tpu.dimension_semantics<core_parallel>, #tpu.dimension_semantics<subcore_parallel>], iteration_bounds = array<i64: 2, 16>, scalar_prefetch = 0 : i64, scratch_operands = 9 : i64, tpu.core_type = #tpu.core_type<sc_vector_subcore>, window_params = [{transform_indices = #map}, {transform_indices = #map1}, {transform_indices = #map}, {transform_indices = #map1}]} {
    %eq3A = arith.constant 0 : i32
    %eq3A_0 = arith.cmpi eq, %arg0, %eq3A : i32
    %mul3A = arith.constant 154 : i32
    %mul3A_1 = arith.muli %arg1, %mul3A : i32
    %mul3A_2 = arith.constant 6 : i32
    %mul3A_3 = arith.muli %arg1, %mul3A_2 : i32
    %add3A = arith.constant 2464 : i32
    %add3A_4 = arith.addi %add3A, %mul3A_3 : i32
    %select_n3A = arith.select %eq3A_0, %mul3A_1, %add3A_4 : i32
    %eq3A_5 = arith.constant 0 : i32
    %eq3A_6 = arith.cmpi eq, %arg0, %eq3A_5 : i32
    %jit3A = arith.constant 77 : i32
    %jit3A_7 = arith.constant 3 : i32
    %select_n3A_8 = arith.select %eq3A_6, %jit3A, %jit3A_7 : i32
    %mul3A_9 = arith.constant 640 : i32
    %mul3A_10 = arith.muli %arg1, %mul3A_9 : i32
    "tpu.region"() ({
      %run_scoped3A = tpu.sem_alloc : memref<!tpu.dma_semaphore, #tpu.memory_space<semaphore_mem>>
      %dma_start3A_43 = arith.constant 0 : i32
      %dma_start3A_44 = tpu.memref_slice %arg10[%mul3A_10, %dma_start3A_43] : memref<10240x128xf32, #tpu.memory_space<vmem_shared>> -> memref<640x128xf32, #tpu.memory_space<vmem_shared>>
      tpu.enqueue_dma source(%arg4 : memref<640x128xf32, #tpu.memory_space<hbm>>) target(%dma_start3A_44 : memref<640x128xf32, #tpu.memory_space<vmem_shared>>) target_semaphore(%run_scoped3A : memref<!tpu.dma_semaphore, #tpu.memory_space<semaphore_mem>>)
      %dma_wait3A = arith.constant 0 : i32
      %dma_wait3A_45 = tpu.memref_slice %arg10[%mul3A_10, %dma_wait3A] : memref<10240x128xf32, #tpu.memory_space<vmem_shared>> -> memref<640x128xf32, #tpu.memory_space<vmem_shared>>
      tpu.wait_dma2 semaphore(%run_scoped3A : memref<!tpu.dma_semaphore, #tpu.memory_space<semaphore_mem>>) src(%arg4 : memref<640x128xf32, #tpu.memory_space<hbm>>) dst(%dma_wait3A_45 : memref<640x128xf32, #tpu.memory_space<vmem_shared>>)
      tpu.yield
    }) : () -> ()
    %barrier3A = arith.constant 0 : index
    tpu.barrier barrier_id(%barrier3A)
    "tpu.region"() ({
      %run_scoped3A = tpu.sem_alloc : memref<!tpu.dma_semaphore, #tpu.memory_space<semaphore_mem>>
      %dma_start3A_43 = arith.constant 0 : i32
      %dma_start3A_44 = arith.constant 0 : i32
      %dma_start3A_45 = tpu.memref_slice %arg3[%select_n3A, %dma_start3A_43, %dma_start3A_44] : memref<2560x2x128xi32, #tpu.memory_space<hbm>> -> memref<1x2x128xi32, #tpu.memory_space<hbm>>
      %dma_start3A_46 = tpu.memref_squeeze %dma_start3A_45 : memref<1x2x128xi32, #tpu.memory_space<hbm>> -> memref<2x128xi32, #tpu.memory_space<hbm>>
      %dma_start3A_47 = arith.constant 0 : i32
      %dma_start3A_48 = arith.constant 0 : i32
      %dma_start3A_49 = tpu.memref_slice %arg3[%select_n3A, %dma_start3A_47, %dma_start3A_48] : memref<2560x2x128xi32, #tpu.memory_space<hbm>> -> memref<1x2x128xi32, #tpu.memory_space<hbm>>
      %dma_start3A_50 = tpu.memref_squeeze %dma_start3A_49 : memref<1x2x128xi32, #tpu.memory_space<hbm>> -> memref<2x128xi32, #tpu.memory_space<hbm>>
      tpu.enqueue_dma source(%dma_start3A_50 : memref<2x128xi32, #tpu.memory_space<hbm>>) target(%arg6 : memref<2x128xi32, #tpu.memory_space<vmem>>) target_semaphore(%run_scoped3A : memref<!tpu.dma_semaphore, #tpu.memory_space<semaphore_mem>>)
      %dma_wait3A = arith.constant 0 : i32
      %dma_wait3A_51 = arith.constant 0 : i32
      %dma_wait3A_52 = tpu.memref_slice %arg3[%select_n3A, %dma_wait3A, %dma_wait3A_51] : memref<2560x2x128xi32, #tpu.memory_space<hbm>> -> memref<1x2x128xi32, #tpu.memory_space<hbm>>
      %dma_wait3A_53 = tpu.memref_squeeze %dma_wait3A_52 : memref<1x2x128xi32, #tpu.memory_space<hbm>> -> memref<2x128xi32, #tpu.memory_space<hbm>>
      %dma_wait3A_54 = arith.constant 0 : i32
      %dma_wait3A_55 = arith.constant 0 : i32
      %dma_wait3A_56 = tpu.memref_slice %arg3[%select_n3A, %dma_wait3A_54, %dma_wait3A_55] : memref<2560x2x128xi32, #tpu.memory_space<hbm>> -> memref<1x2x128xi32, #tpu.memory_space<hbm>>
      %dma_wait3A_57 = tpu.memref_squeeze %dma_wait3A_56 : memref<1x2x128xi32, #tpu.memory_space<hbm>> -> memref<2x128xi32, #tpu.memory_space<hbm>>
      tpu.wait_dma2 semaphore(%run_scoped3A : memref<!tpu.dma_semaphore, #tpu.memory_space<semaphore_mem>>) src(%dma_wait3A_57 : memref<2x128xi32, #tpu.memory_space<hbm>>) dst(%arg6 : memref<2x128xi32, #tpu.memory_space<vmem>>)
      tpu.yield
    }) : () -> ()
    %dma_start3A = arith.constant 0 : i32
    %dma_start3A_11 = arith.constant 0 : i32
    %dma_start3A_12 = tpu.memref_slice %arg6[%dma_start3A, %dma_start3A_11] : memref<2x128xi32, #tpu.memory_space<vmem>> -> memref<1x128xi32, #tpu.memory_space<vmem>>
    %dma_start3A_13 = tpu.memref_squeeze %dma_start3A_12 : memref<1x128xi32, #tpu.memory_space<vmem>> -> memref<128xi32, #tpu.memory_space<vmem>>
    %dma_start3A_14 = arith.constant 0 : i32
    %dma_start3A_15 = arith.constant 0 : i32
    %dma_start3A_16 = tpu.memref_slice %arg2[%dma_start3A_14, %dma_start3A_15] : memref<10240x128xf32, #tpu.memory_space<hbm>> -> memref<10240x128xf32, #tpu.memory_space<hbm>>
    tpu.enqueue_indirect_dma source(%dma_start3A_16 : memref<10240x128xf32, #tpu.memory_space<hbm>>) target(%arg8 : memref<128x128xf32, #tpu.memory_space<vmem>>) offsets(%dma_start3A_13 : memref<128xi32, #tpu.memory_space<vmem>>) semaphore(%arg11 : memref<!tpu.dma_semaphore, #tpu.memory_space<semaphore_mem>>)
    %add3A_17 = arith.constant 1 : i32
    %add3A_18 = arith.addi %select_n3A, %add3A_17 : i32
    %dma_start3A_19 = arith.constant 0 : i32
    %dma_start3A_20 = arith.constant 0 : i32
    %dma_start3A_21 = tpu.memref_slice %arg3[%add3A_18, %dma_start3A_19, %dma_start3A_20] : memref<2560x2x128xi32, #tpu.memory_space<hbm>> -> memref<1x2x128xi32, #tpu.memory_space<hbm>>
    %dma_start3A_22 = tpu.memref_squeeze %dma_start3A_21 : memref<1x2x128xi32, #tpu.memory_space<hbm>> -> memref<2x128xi32, #tpu.memory_space<hbm>>
    %dma_start3A_23 = arith.constant 0 : i32
    %dma_start3A_24 = arith.constant 0 : i32
    %dma_start3A_25 = tpu.memref_slice %arg3[%add3A_18, %dma_start3A_23, %dma_start3A_24] : memref<2560x2x128xi32, #tpu.memory_space<hbm>> -> memref<1x2x128xi32, #tpu.memory_space<hbm>>
    %dma_start3A_26 = tpu.memref_squeeze %dma_start3A_25 : memref<1x2x128xi32, #tpu.memory_space<hbm>> -> memref<2x128xi32, #tpu.memory_space<hbm>>
    tpu.enqueue_dma source(%dma_start3A_26 : memref<2x128xi32, #tpu.memory_space<hbm>>) target(%arg7 : memref<2x128xi32, #tpu.memory_space<vmem>>) target_semaphore(%arg14 : memref<!tpu.dma_semaphore, #tpu.memory_space<semaphore_mem>>)
    %while3A = arith.constant 0 : i32
    %while3A_27 = arith.constant 0 : i32
    %while3A_28 = arith.subi %select_n3A_8, %while3A : i32
    %while3A_29 = arith.addi %while3A, %while3A_28 : i32
    %while3A_30 = arith.constant 1 : i32
    %while3A_31 = arith.divsi %while3A_28, %while3A_30 : i32
    %while3A_32 = arith.muli %while3A_31, %while3A_30 : i32
    %while3A_33 = arith.addi %while3A, %while3A_32 : i32
    %while3A_34 = arith.constant 1 : i32
    %while3A_35 = scf.for %while3A_43 = %while3A to %while3A_33 step %while3A_34 iter_args(%while3A_44 = %while3A_27) -> (i32)  : i32 {
      %mul3A_45 = arith.constant 2 : i32
      %mul3A_46 = arith.muli %mul3A_45, %while3A_43 : i32
      %add3A_47 = arith.addi %select_n3A, %mul3A_46 : i32
      %add3A_48 = arith.constant 1 : i32
      %add3A_49 = arith.addi %while3A_43, %add3A_48 : i32
      %lt3A = arith.cmpi slt, %add3A_49, %select_n3A_8 : i32
      %add3A_50 = arith.constant 1 : i32
      %add3A_51 = arith.addi %add3A_47, %add3A_50 : i32
      %dma_wait3A = arith.constant 0 : i32
      %dma_wait3A_52 = arith.constant 0 : i32
      %dma_wait3A_53 = tpu.memref_slice %arg3[%add3A_51, %dma_wait3A, %dma_wait3A_52] : memref<2560x2x128xi32, #tpu.memory_space<hbm>> -> memref<1x2x128xi32, #tpu.memory_space<hbm>>
      %dma_wait3A_54 = tpu.memref_squeeze %dma_wait3A_53 : memref<1x2x128xi32, #tpu.memory_space<hbm>> -> memref<2x128xi32, #tpu.memory_space<hbm>>
      %dma_wait3A_55 = arith.constant 0 : i32
      %dma_wait3A_56 = arith.constant 0 : i32
      %dma_wait3A_57 = tpu.memref_slice %arg3[%add3A_51, %dma_wait3A_55, %dma_wait3A_56] : memref<2560x2x128xi32, #tpu.memory_space<hbm>> -> memref<1x2x128xi32, #tpu.memory_space<hbm>>
      %dma_wait3A_58 = tpu.memref_squeeze %dma_wait3A_57 : memref<1x2x128xi32, #tpu.memory_space<hbm>> -> memref<2x128xi32, #tpu.memory_space<hbm>>
      tpu.wait_dma2 semaphore(%arg14 : memref<!tpu.dma_semaphore, #tpu.memory_space<semaphore_mem>>) src(%dma_wait3A_58 : memref<2x128xi32, #tpu.memory_space<hbm>>) dst(%arg7 : memref<2x128xi32, #tpu.memory_space<vmem>>)
      %dma_start3A_59 = arith.constant 0 : i32
      %dma_start3A_60 = arith.constant 0 : i32
      %dma_start3A_61 = tpu.memref_slice %arg7[%dma_start3A_59, %dma_start3A_60] : memref<2x128xi32, #tpu.memory_space<vmem>> -> memref<1x128xi32, #tpu.memory_space<vmem>>
      %dma_start3A_62 = tpu.memref_squeeze %dma_start3A_61 : memref<1x128xi32, #tpu.memory_space<vmem>> -> memref<128xi32, #tpu.memory_space<vmem>>
      %dma_start3A_63 = arith.constant 0 : i32
      %dma_start3A_64 = arith.constant 0 : i32
      %dma_start3A_65 = tpu.memref_slice %arg2[%dma_start3A_63, %dma_start3A_64] : memref<10240x128xf32, #tpu.memory_space<hbm>> -> memref<10240x128xf32, #tpu.memory_space<hbm>>
      tpu.enqueue_indirect_dma source(%dma_start3A_65 : memref<10240x128xf32, #tpu.memory_space<hbm>>) target(%arg9 : memref<128x128xf32, #tpu.memory_space<vmem>>) offsets(%dma_start3A_62 : memref<128xi32, #tpu.memory_space<vmem>>) semaphore(%arg12 : memref<!tpu.dma_semaphore, #tpu.memory_space<semaphore_mem>>)
      %dma_wait3A_66 = arith.constant 0 : i32
      %dma_wait3A_67 = arith.constant 0 : i32
      %dma_wait3A_68 = tpu.memref_slice %arg6[%dma_wait3A_66, %dma_wait3A_67] : memref<2x128xi32, #tpu.memory_space<vmem>> -> memref<1x128xi32, #tpu.memory_space<vmem>>
      %dma_wait3A_69 = tpu.memref_squeeze %dma_wait3A_68 : memref<1x128xi32, #tpu.memory_space<vmem>> -> memref<128xi32, #tpu.memory_space<vmem>>
      %dma_wait3A_70 = arith.constant 0 : i32
      %dma_wait3A_71 = arith.constant 0 : i32
      %dma_wait3A_72 = tpu.memref_slice %arg2[%dma_wait3A_70, %dma_wait3A_71] : memref<10240x128xf32, #tpu.memory_space<hbm>> -> memref<10240x128xf32, #tpu.memory_space<hbm>>
      tpu.wait_indirect_dma semaphore(%arg11 : memref<!tpu.dma_semaphore, #tpu.memory_space<semaphore_mem>>) src(%dma_wait3A_72 : memref<10240x128xf32, #tpu.memory_space<hbm>>) dst(%arg8 : memref<128x128xf32, #tpu.memory_space<vmem>>)
      %run_scoped3A = arith.constant 1 : i32
      "tpu.region"() ({
        %run_scoped3A_86 = tpu.sem_alloc : memref<!tpu.dma_semaphore, #tpu.memory_space<semaphore_mem>>
        %dma_start3A_87 = arith.constant 0 : i32
        %dma_start3A_88 = tpu.memref_slice %arg6[%run_scoped3A, %dma_start3A_87] : memref<2x128xi32, #tpu.memory_space<vmem>> -> memref<1x128xi32, #tpu.memory_space<vmem>>
        %dma_start3A_89 = tpu.memref_squeeze %dma_start3A_88 : memref<1x128xi32, #tpu.memory_space<vmem>> -> memref<128xi32, #tpu.memory_space<vmem>>
        %dma_start3A_90 = arith.constant 0 : i32
        %dma_start3A_91 = arith.constant 0 : i32
        %dma_start3A_92 = tpu.memref_slice %arg10[%dma_start3A_90, %dma_start3A_91] : memref<10240x128xf32, #tpu.memory_space<vmem_shared>> -> memref<10240x128xf32, #tpu.memory_space<vmem_shared>>
        tpu.enqueue_indirect_dma source(%arg8 : memref<128x128xf32, #tpu.memory_space<vmem>>) target(%dma_start3A_92 : memref<10240x128xf32, #tpu.memory_space<vmem_shared>>) offsets(%dma_start3A_89 : memref<128xi32, #tpu.memory_space<vmem>>) semaphore(%run_scoped3A_86 : memref<!tpu.dma_semaphore, #tpu.memory_space<semaphore_mem>>) {add = true}
        %dma_wait3A_93 = arith.constant 0 : i32
        %dma_wait3A_94 = tpu.memref_slice %arg6[%run_scoped3A, %dma_wait3A_93] : memref<2x128xi32, #tpu.memory_space<vmem>> -> memref<1x128xi32, #tpu.memory_space<vmem>>
        %dma_wait3A_95 = tpu.memref_squeeze %dma_wait3A_94 : memref<1x128xi32, #tpu.memory_space<vmem>> -> memref<128xi32, #tpu.memory_space<vmem>>
        %dma_wait3A_96 = arith.constant 0 : i32
        %dma_wait3A_97 = arith.constant 0 : i32
        %dma_wait3A_98 = tpu.memref_slice %arg10[%dma_wait3A_96, %dma_wait3A_97] : memref<10240x128xf32, #tpu.memory_space<vmem_shared>> -> memref<10240x128xf32, #tpu.memory_space<vmem_shared>>
        tpu.wait_indirect_dma semaphore(%run_scoped3A_86 : memref<!tpu.dma_semaphore, #tpu.memory_space<semaphore_mem>>) src(%arg8 : memref<128x128xf32, #tpu.memory_space<vmem>>) dst(%dma_wait3A_98 : memref<10240x128xf32, #tpu.memory_space<vmem_shared>>)
        tpu.yield
      }) : () -> ()
      %convert_element_type3A = arith.extui %lt3A : i1 to i32
      %cond3A = arith.constant 0 : i32
      %cond3A_73 = arith.cmpi ne, %convert_element_type3A, %cond3A : i32
      scf.if %cond3A_73 {
        %add3A_86 = arith.constant 2 : i32
        %add3A_87 = arith.addi %add3A_47, %add3A_86 : i32
        %dma_start3A_88 = arith.constant 0 : i32
        %dma_start3A_89 = arith.constant 0 : i32
        %dma_start3A_90 = tpu.memref_slice %arg3[%add3A_87, %dma_start3A_88, %dma_start3A_89] : memref<2560x2x128xi32, #tpu.memory_space<hbm>> -> memref<1x2x128xi32, #tpu.memory_space<hbm>>
        %dma_start3A_91 = tpu.memref_squeeze %dma_start3A_90 : memref<1x2x128xi32, #tpu.memory_space<hbm>> -> memref<2x128xi32, #tpu.memory_space<hbm>>
        %dma_start3A_92 = arith.constant 0 : i32
        %dma_start3A_93 = arith.constant 0 : i32
        %dma_start3A_94 = tpu.memref_slice %arg3[%add3A_87, %dma_start3A_92, %dma_start3A_93] : memref<2560x2x128xi32, #tpu.memory_space<hbm>> -> memref<1x2x128xi32, #tpu.memory_space<hbm>>
        %dma_start3A_95 = tpu.memref_squeeze %dma_start3A_94 : memref<1x2x128xi32, #tpu.memory_space<hbm>> -> memref<2x128xi32, #tpu.memory_space<hbm>>
        tpu.enqueue_dma source(%dma_start3A_95 : memref<2x128xi32, #tpu.memory_space<hbm>>) target(%arg6 : memref<2x128xi32, #tpu.memory_space<vmem>>) target_semaphore(%arg13 : memref<!tpu.dma_semaphore, #tpu.memory_space<semaphore_mem>>)
      } else {
      }
      %dma_wait3A_74 = arith.constant 0 : i32
      %dma_wait3A_75 = arith.constant 0 : i32
      %dma_wait3A_76 = tpu.memref_slice %arg7[%dma_wait3A_74, %dma_wait3A_75] : memref<2x128xi32, #tpu.memory_space<vmem>> -> memref<1x128xi32, #tpu.memory_space<vmem>>
      %dma_wait3A_77 = tpu.memref_squeeze %dma_wait3A_76 : memref<1x128xi32, #tpu.memory_space<vmem>> -> memref<128xi32, #tpu.memory_space<vmem>>
      %dma_wait3A_78 = arith.constant 0 : i32
      %dma_wait3A_79 = arith.constant 0 : i32
      %dma_wait3A_80 = tpu.memref_slice %arg2[%dma_wait3A_78, %dma_wait3A_79] : memref<10240x128xf32, #tpu.memory_space<hbm>> -> memref<10240x128xf32, #tpu.memory_space<hbm>>
      tpu.wait_indirect_dma semaphore(%arg12 : memref<!tpu.dma_semaphore, #tpu.memory_space<semaphore_mem>>) src(%dma_wait3A_80 : memref<10240x128xf32, #tpu.memory_space<hbm>>) dst(%arg9 : memref<128x128xf32, #tpu.memory_space<vmem>>)
      %run_scoped3A_81 = arith.constant 1 : i32
      "tpu.region"() ({
        %run_scoped3A_86 = tpu.sem_alloc : memref<!tpu.dma_semaphore, #tpu.memory_space<semaphore_mem>>
        %dma_start3A_87 = arith.constant 0 : i32
        %dma_start3A_88 = tpu.memref_slice %arg7[%run_scoped3A_81, %dma_start3A_87] : memref<2x128xi32, #tpu.memory_space<vmem>> -> memref<1x128xi32, #tpu.memory_space<vmem>>
        %dma_start3A_89 = tpu.memref_squeeze %dma_start3A_88 : memref<1x128xi32, #tpu.memory_space<vmem>> -> memref<128xi32, #tpu.memory_space<vmem>>
        %dma_start3A_90 = arith.constant 0 : i32
        %dma_start3A_91 = arith.constant 0 : i32
        %dma_start3A_92 = tpu.memref_slice %arg10[%dma_start3A_90, %dma_start3A_91] : memref<10240x128xf32, #tpu.memory_space<vmem_shared>> -> memref<10240x128xf32, #tpu.memory_space<vmem_shared>>
        tpu.enqueue_indirect_dma source(%arg9 : memref<128x128xf32, #tpu.memory_space<vmem>>) target(%dma_start3A_92 : memref<10240x128xf32, #tpu.memory_space<vmem_shared>>) offsets(%dma_start3A_89 : memref<128xi32, #tpu.memory_space<vmem>>) semaphore(%run_scoped3A_86 : memref<!tpu.dma_semaphore, #tpu.memory_space<semaphore_mem>>) {add = true}
        %dma_wait3A_93 = arith.constant 0 : i32
        %dma_wait3A_94 = tpu.memref_slice %arg7[%run_scoped3A_81, %dma_wait3A_93] : memref<2x128xi32, #tpu.memory_space<vmem>> -> memref<1x128xi32, #tpu.memory_space<vmem>>
        %dma_wait3A_95 = tpu.memref_squeeze %dma_wait3A_94 : memref<1x128xi32, #tpu.memory_space<vmem>> -> memref<128xi32, #tpu.memory_space<vmem>>
        %dma_wait3A_96 = arith.constant 0 : i32
        %dma_wait3A_97 = arith.constant 0 : i32
        %dma_wait3A_98 = tpu.memref_slice %arg10[%dma_wait3A_96, %dma_wait3A_97] : memref<10240x128xf32, #tpu.memory_space<vmem_shared>> -> memref<10240x128xf32, #tpu.memory_space<vmem_shared>>
        tpu.wait_indirect_dma semaphore(%run_scoped3A_86 : memref<!tpu.dma_semaphore, #tpu.memory_space<semaphore_mem>>) src(%arg9 : memref<128x128xf32, #tpu.memory_space<vmem>>) dst(%dma_wait3A_98 : memref<10240x128xf32, #tpu.memory_space<vmem_shared>>)
        tpu.yield
      }) : () -> ()
      %convert_element_type3A_82 = arith.extui %lt3A : i1 to i32
      %cond3A_83 = arith.constant 0 : i32
      %cond3A_84 = arith.cmpi ne, %convert_element_type3A_82, %cond3A_83 : i32
      scf.if %cond3A_84 {
        %add3A_86 = arith.constant 2 : i32
        %add3A_87 = arith.addi %add3A_47, %add3A_86 : i32
        %dma_wait3A_88 = arith.constant 0 : i32
        %dma_wait3A_89 = arith.constant 0 : i32
        %dma_wait3A_90 = tpu.memref_slice %arg3[%add3A_87, %dma_wait3A_88, %dma_wait3A_89] : memref<2560x2x128xi32, #tpu.memory_space<hbm>> -> memref<1x2x128xi32, #tpu.memory_space<hbm>>
        %dma_wait3A_91 = tpu.memref_squeeze %dma_wait3A_90 : memref<1x2x128xi32, #tpu.memory_space<hbm>> -> memref<2x128xi32, #tpu.memory_space<hbm>>
        %dma_wait3A_92 = arith.constant 0 : i32
        %dma_wait3A_93 = arith.constant 0 : i32
        %dma_wait3A_94 = tpu.memref_slice %arg3[%add3A_87, %dma_wait3A_92, %dma_wait3A_93] : memref<2560x2x128xi32, #tpu.memory_space<hbm>> -> memref<1x2x128xi32, #tpu.memory_space<hbm>>
        %dma_wait3A_95 = tpu.memref_squeeze %dma_wait3A_94 : memref<1x2x128xi32, #tpu.memory_space<hbm>> -> memref<2x128xi32, #tpu.memory_space<hbm>>
        tpu.wait_dma2 semaphore(%arg13 : memref<!tpu.dma_semaphore, #tpu.memory_space<semaphore_mem>>) src(%dma_wait3A_95 : memref<2x128xi32, #tpu.memory_space<hbm>>) dst(%arg6 : memref<2x128xi32, #tpu.memory_space<vmem>>)
        %dma_start3A_96 = arith.constant 0 : i32
        %dma_start3A_97 = arith.constant 0 : i32
        %dma_start3A_98 = tpu.memref_slice %arg6[%dma_start3A_96, %dma_start3A_97] : memref<2x128xi32, #tpu.memory_space<vmem>> -> memref<1x128xi32, #tpu.memory_space<vmem>>
        %dma_start3A_99 = tpu.memref_squeeze %dma_start3A_98 : memref<1x128xi32, #tpu.memory_space<vmem>> -> memref<128xi32, #tpu.memory_space<vmem>>
        %dma_start3A_100 = arith.constant 0 : i32
        %dma_start3A_101 = arith.constant 0 : i32
        %dma_start3A_102 = tpu.memref_slice %arg2[%dma_start3A_100, %dma_start3A_101] : memref<10240x128xf32, #tpu.memory_space<hbm>> -> memref<10240x128xf32, #tpu.memory_space<hbm>>
        tpu.enqueue_indirect_dma source(%dma_start3A_102 : memref<10240x128xf32, #tpu.memory_space<hbm>>) target(%arg8 : memref<128x128xf32, #tpu.memory_space<vmem>>) offsets(%dma_start3A_99 : memref<128xi32, #tpu.memory_space<vmem>>) semaphore(%arg11 : memref<!tpu.dma_semaphore, #tpu.memory_space<semaphore_mem>>)
        %add3A_103 = arith.constant 3 : i32
        %add3A_104 = arith.addi %add3A_47, %add3A_103 : i32
        %dma_start3A_105 = arith.constant 0 : i32
        %dma_start3A_106 = arith.constant 0 : i32
        %dma_start3A_107 = tpu.memref_slice %arg3[%add3A_104, %dma_start3A_105, %dma_start3A_106] : memref<2560x2x128xi32, #tpu.memory_space<hbm>> -> memref<1x2x128xi32, #tpu.memory_space<hbm>>
        %dma_start3A_108 = tpu.memref_squeeze %dma_start3A_107 : memref<1x2x128xi32, #tpu.memory_space<hbm>> -> memref<2x128xi32, #tpu.memory_space<hbm>>
        %dma_start3A_109 = arith.constant 0 : i32
        %dma_start3A_110 = arith.constant 0 : i32
        %dma_start3A_111 = tpu.memref_slice %arg3[%add3A_104, %dma_start3A_109, %dma_start3A_110] : memref<2560x2x128xi32, #tpu.memory_space<hbm>> -> memref<1x2x128xi32, #tpu.memory_space<hbm>>
        %dma_start3A_112 = tpu.memref_squeeze %dma_start3A_111 : memref<1x2x128xi32, #tpu.memory_space<hbm>> -> memref<2x128xi32, #tpu.memory_space<hbm>>
        tpu.enqueue_dma source(%dma_start3A_112 : memref<2x128xi32, #tpu.memory_space<hbm>>) target(%arg7 : memref<2x128xi32, #tpu.memory_space<vmem>>) target_semaphore(%arg14 : memref<!tpu.dma_semaphore, #tpu.memory_space<semaphore_mem>>)
      } else {
      }
      %while3A_85 = arith.constant 0 : i32
      scf.yield %while3A_85 : i32
    }
    %while3A_36 = arith.constant 1 : i32
    %while3A_37 = scf.for %while3A_43 = %while3A_33 to %while3A_29 step %while3A_36 iter_args(%while3A_44 = %while3A_35) -> (i32)  : i32 {
      %mul3A_45 = arith.constant 2 : i32
      %mul3A_46 = arith.muli %mul3A_45, %while3A_43 : i32
      %add3A_47 = arith.addi %select_n3A, %mul3A_46 : i32
      %add3A_48 = arith.constant 1 : i32
      %add3A_49 = arith.addi %while3A_43, %add3A_48 : i32
      %lt3A = arith.cmpi slt, %add3A_49, %select_n3A_8 : i32
      %add3A_50 = arith.constant 1 : i32
      %add3A_51 = arith.addi %add3A_47, %add3A_50 : i32
      %dma_wait3A = arith.constant 0 : i32
      %dma_wait3A_52 = arith.constant 0 : i32
      %dma_wait3A_53 = tpu.memref_slice %arg3[%add3A_51, %dma_wait3A, %dma_wait3A_52] : memref<2560x2x128xi32, #tpu.memory_space<hbm>> -> memref<1x2x128xi32, #tpu.memory_space<hbm>>
      %dma_wait3A_54 = tpu.memref_squeeze %dma_wait3A_53 : memref<1x2x128xi32, #tpu.memory_space<hbm>> -> memref<2x128xi32, #tpu.memory_space<hbm>>
      %dma_wait3A_55 = arith.constant 0 : i32
      %dma_wait3A_56 = arith.constant 0 : i32
      %dma_wait3A_57 = tpu.memref_slice %arg3[%add3A_51, %dma_wait3A_55, %dma_wait3A_56] : memref<2560x2x128xi32, #tpu.memory_space<hbm>> -> memref<1x2x128xi32, #tpu.memory_space<hbm>>
      %dma_wait3A_58 = tpu.memref_squeeze %dma_wait3A_57 : memref<1x2x128xi32, #tpu.memory_space<hbm>> -> memref<2x128xi32, #tpu.memory_space<hbm>>
      tpu.wait_dma2 semaphore(%arg14 : memref<!tpu.dma_semaphore, #tpu.memory_space<semaphore_mem>>) src(%dma_wait3A_58 : memref<2x128xi32, #tpu.memory_space<hbm>>) dst(%arg7 : memref<2x128xi32, #tpu.memory_space<vmem>>)
      %dma_start3A_59 = arith.constant 0 : i32
      %dma_start3A_60 = arith.constant 0 : i32
      %dma_start3A_61 = tpu.memref_slice %arg7[%dma_start3A_59, %dma_start3A_60] : memref<2x128xi32, #tpu.memory_space<vmem>> -> memref<1x128xi32, #tpu.memory_space<vmem>>
      %dma_start3A_62 = tpu.memref_squeeze %dma_start3A_61 : memref<1x128xi32, #tpu.memory_space<vmem>> -> memref<128xi32, #tpu.memory_space<vmem>>
      %dma_start3A_63 = arith.constant 0 : i32
      %dma_start3A_64 = arith.constant 0 : i32
      %dma_start3A_65 = tpu.memref_slice %arg2[%dma_start3A_63, %dma_start3A_64] : memref<10240x128xf32, #tpu.memory_space<hbm>> -> memref<10240x128xf32, #tpu.memory_space<hbm>>
      tpu.enqueue_indirect_dma source(%dma_start3A_65 : memref<10240x128xf32, #tpu.memory_space<hbm>>) target(%arg9 : memref<128x128xf32, #tpu.memory_space<vmem>>) offsets(%dma_start3A_62 : memref<128xi32, #tpu.memory_space<vmem>>) semaphore(%arg12 : memref<!tpu.dma_semaphore, #tpu.memory_space<semaphore_mem>>)
      %dma_wait3A_66 = arith.constant 0 : i32
      %dma_wait3A_67 = arith.constant 0 : i32
      %dma_wait3A_68 = tpu.memref_slice %arg6[%dma_wait3A_66, %dma_wait3A_67] : memref<2x128xi32, #tpu.memory_space<vmem>> -> memref<1x128xi32, #tpu.memory_space<vmem>>
      %dma_wait3A_69 = tpu.memref_squeeze %dma_wait3A_68 : memref<1x128xi32, #tpu.memory_space<vmem>> -> memref<128xi32, #tpu.memory_space<vmem>>
      %dma_wait3A_70 = arith.constant 0 : i32
      %dma_wait3A_71 = arith.constant 0 : i32
      %dma_wait3A_72 = tpu.memref_slice %arg2[%dma_wait3A_70, %dma_wait3A_71] : memref<10240x128xf32, #tpu.memory_space<hbm>> -> memref<10240x128xf32, #tpu.memory_space<hbm>>
      tpu.wait_indirect_dma semaphore(%arg11 : memref<!tpu.dma_semaphore, #tpu.memory_space<semaphore_mem>>) src(%dma_wait3A_72 : memref<10240x128xf32, #tpu.memory_space<hbm>>) dst(%arg8 : memref<128x128xf32, #tpu.memory_space<vmem>>)
      %run_scoped3A = arith.constant 1 : i32
      "tpu.region"() ({
        %run_scoped3A_86 = tpu.sem_alloc : memref<!tpu.dma_semaphore, #tpu.memory_space<semaphore_mem>>
        %dma_start3A_87 = arith.constant 0 : i32
        %dma_start3A_88 = tpu.memref_slice %arg6[%run_scoped3A, %dma_start3A_87] : memref<2x128xi32, #tpu.memory_space<vmem>> -> memref<1x128xi32, #tpu.memory_space<vmem>>
        %dma_start3A_89 = tpu.memref_squeeze %dma_start3A_88 : memref<1x128xi32, #tpu.memory_space<vmem>> -> memref<128xi32, #tpu.memory_space<vmem>>
        %dma_start3A_90 = arith.constant 0 : i32
        %dma_start3A_91 = arith.constant 0 : i32
        %dma_start3A_92 = tpu.memref_slice %arg10[%dma_start3A_90, %dma_start3A_91] : memref<10240x128xf32, #tpu.memory_space<vmem_shared>> -> memref<10240x128xf32, #tpu.memory_space<vmem_shared>>
        tpu.enqueue_indirect_dma source(%arg8 : memref<128x128xf32, #tpu.memory_space<vmem>>) target(%dma_start3A_92 : memref<10240x128xf32, #tpu.memory_space<vmem_shared>>) offsets(%dma_start3A_89 : memref<128xi32, #tpu.memory_space<vmem>>) semaphore(%run_scoped3A_86 : memref<!tpu.dma_semaphore, #tpu.memory_space<semaphore_mem>>) {add = true}
        %dma_wait3A_93 = arith.constant 0 : i32
        %dma_wait3A_94 = tpu.memref_slice %arg6[%run_scoped3A, %dma_wait3A_93] : memref<2x128xi32, #tpu.memory_space<vmem>> -> memref<1x128xi32, #tpu.memory_space<vmem>>
        %dma_wait3A_95 = tpu.memref_squeeze %dma_wait3A_94 : memref<1x128xi32, #tpu.memory_space<vmem>> -> memref<128xi32, #tpu.memory_space<vmem>>
        %dma_wait3A_96 = arith.constant 0 : i32
        %dma_wait3A_97 = arith.constant 0 : i32
        %dma_wait3A_98 = tpu.memref_slice %arg10[%dma_wait3A_96, %dma_wait3A_97] : memref<10240x128xf32, #tpu.memory_space<vmem_shared>> -> memref<10240x128xf32, #tpu.memory_space<vmem_shared>>
        tpu.wait_indirect_dma semaphore(%run_scoped3A_86 : memref<!tpu.dma_semaphore, #tpu.memory_space<semaphore_mem>>) src(%arg8 : memref<128x128xf32, #tpu.memory_space<vmem>>) dst(%dma_wait3A_98 : memref<10240x128xf32, #tpu.memory_space<vmem_shared>>)
        tpu.yield
      }) : () -> ()
      %convert_element_type3A = arith.extui %lt3A : i1 to i32
      %cond3A = arith.constant 0 : i32
      %cond3A_73 = arith.cmpi ne, %convert_element_type3A, %cond3A : i32
      scf.if %cond3A_73 {
        %add3A_86 = arith.constant 2 : i32
        %add3A_87 = arith.addi %add3A_47, %add3A_86 : i32
        %dma_start3A_88 = arith.constant 0 : i32
        %dma_start3A_89 = arith.constant 0 : i32
        %dma_start3A_90 = tpu.memref_slice %arg3[%add3A_87, %dma_start3A_88, %dma_start3A_89] : memref<2560x2x128xi32, #tpu.memory_space<hbm>> -> memref<1x2x128xi32, #tpu.memory_space<hbm>>
        %dma_start3A_91 = tpu.memref_squeeze %dma_start3A_90 : memref<1x2x128xi32, #tpu.memory_space<hbm>> -> memref<2x128xi32, #tpu.memory_space<hbm>>
        %dma_start3A_92 = arith.constant 0 : i32
        %dma_start3A_93 = arith.constant 0 : i32
        %dma_start3A_94 = tpu.memref_slice %arg3[%add3A_87, %dma_start3A_92, %dma_start3A_93] : memref<2560x2x128xi32, #tpu.memory_space<hbm>> -> memref<1x2x128xi32, #tpu.memory_space<hbm>>
        %dma_start3A_95 = tpu.memref_squeeze %dma_start3A_94 : memref<1x2x128xi32, #tpu.memory_space<hbm>> -> memref<2x128xi32, #tpu.memory_space<hbm>>
        tpu.enqueue_dma source(%dma_start3A_95 : memref<2x128xi32, #tpu.memory_space<hbm>>) target(%arg6 : memref<2x128xi32, #tpu.memory_space<vmem>>) target_semaphore(%arg13 : memref<!tpu.dma_semaphore, #tpu.memory_space<semaphore_mem>>)
      } else {
      }
      %dma_wait3A_74 = arith.constant 0 : i32
      %dma_wait3A_75 = arith.constant 0 : i32
      %dma_wait3A_76 = tpu.memref_slice %arg7[%dma_wait3A_74, %dma_wait3A_75] : memref<2x128xi32, #tpu.memory_space<vmem>> -> memref<1x128xi32, #tpu.memory_space<vmem>>
      %dma_wait3A_77 = tpu.memref_squeeze %dma_wait3A_76 : memref<1x128xi32, #tpu.memory_space<vmem>> -> memref<128xi32, #tpu.memory_space<vmem>>
      %dma_wait3A_78 = arith.constant 0 : i32
      %dma_wait3A_79 = arith.constant 0 : i32
      %dma_wait3A_80 = tpu.memref_slice %arg2[%dma_wait3A_78, %dma_wait3A_79] : memref<10240x128xf32, #tpu.memory_space<hbm>> -> memref<10240x128xf32, #tpu.memory_space<hbm>>
      tpu.wait_indirect_dma semaphore(%arg12 : memref<!tpu.dma_semaphore, #tpu.memory_space<semaphore_mem>>) src(%dma_wait3A_80 : memref<10240x128xf32, #tpu.memory_space<hbm>>) dst(%arg9 : memref<128x128xf32, #tpu.memory_space<vmem>>)
      %run_scoped3A_81 = arith.constant 1 : i32
      "tpu.region"() ({
        %run_scoped3A_86 = tpu.sem_alloc : memref<!tpu.dma_semaphore, #tpu.memory_space<semaphore_mem>>
        %dma_start3A_87 = arith.constant 0 : i32
        %dma_start3A_88 = tpu.memref_slice %arg7[%run_scoped3A_81, %dma_start3A_87] : memref<2x128xi32, #tpu.memory_space<vmem>> -> memref<1x128xi32, #tpu.memory_space<vmem>>
        %dma_start3A_89 = tpu.memref_squeeze %dma_start3A_88 : memref<1x128xi32, #tpu.memory_space<vmem>> -> memref<128xi32, #tpu.memory_space<vmem>>
        %dma_start3A_90 = arith.constant 0 : i32
        %dma_start3A_91 = arith.constant 0 : i32
        %dma_start3A_92 = tpu.memref_slice %arg10[%dma_start3A_90, %dma_start3A_91] : memref<10240x128xf32, #tpu.memory_space<vmem_shared>> -> memref<10240x128xf32, #tpu.memory_space<vmem_shared>>
        tpu.enqueue_indirect_dma source(%arg9 : memref<128x128xf32, #tpu.memory_space<vmem>>) target(%dma_start3A_92 : memref<10240x128xf32, #tpu.memory_space<vmem_shared>>) offsets(%dma_start3A_89 : memref<128xi32, #tpu.memory_space<vmem>>) semaphore(%run_scoped3A_86 : memref<!tpu.dma_semaphore, #tpu.memory_space<semaphore_mem>>) {add = true}
        %dma_wait3A_93 = arith.constant 0 : i32
        %dma_wait3A_94 = tpu.memref_slice %arg7[%run_scoped3A_81, %dma_wait3A_93] : memref<2x128xi32, #tpu.memory_space<vmem>> -> memref<1x128xi32, #tpu.memory_space<vmem>>
        %dma_wait3A_95 = tpu.memref_squeeze %dma_wait3A_94 : memref<1x128xi32, #tpu.memory_space<vmem>> -> memref<128xi32, #tpu.memory_space<vmem>>
        %dma_wait3A_96 = arith.constant 0 : i32
        %dma_wait3A_97 = arith.constant 0 : i32
        %dma_wait3A_98 = tpu.memref_slice %arg10[%dma_wait3A_96, %dma_wait3A_97] : memref<10240x128xf32, #tpu.memory_space<vmem_shared>> -> memref<10240x128xf32, #tpu.memory_space<vmem_shared>>
        tpu.wait_indirect_dma semaphore(%run_scoped3A_86 : memref<!tpu.dma_semaphore, #tpu.memory_space<semaphore_mem>>) src(%arg9 : memref<128x128xf32, #tpu.memory_space<vmem>>) dst(%dma_wait3A_98 : memref<10240x128xf32, #tpu.memory_space<vmem_shared>>)
        tpu.yield
      }) : () -> ()
      %convert_element_type3A_82 = arith.extui %lt3A : i1 to i32
      %cond3A_83 = arith.constant 0 : i32
      %cond3A_84 = arith.cmpi ne, %convert_element_type3A_82, %cond3A_83 : i32
      scf.if %cond3A_84 {
        %add3A_86 = arith.constant 2 : i32
        %add3A_87 = arith.addi %add3A_47, %add3A_86 : i32
        %dma_wait3A_88 = arith.constant 0 : i32
        %dma_wait3A_89 = arith.constant 0 : i32
        %dma_wait3A_90 = tpu.memref_slice %arg3[%add3A_87, %dma_wait3A_88, %dma_wait3A_89] : memref<2560x2x128xi32, #tpu.memory_space<hbm>> -> memref<1x2x128xi32, #tpu.memory_space<hbm>>
        %dma_wait3A_91 = tpu.memref_squeeze %dma_wait3A_90 : memref<1x2x128xi32, #tpu.memory_space<hbm>> -> memref<2x128xi32, #tpu.memory_space<hbm>>
        %dma_wait3A_92 = arith.constant 0 : i32
        %dma_wait3A_93 = arith.constant 0 : i32
        %dma_wait3A_94 = tpu.memref_slice %arg3[%add3A_87, %dma_wait3A_92, %dma_wait3A_93] : memref<2560x2x128xi32, #tpu.memory_space<hbm>> -> memref<1x2x128xi32, #tpu.memory_space<hbm>>
        %dma_wait3A_95 = tpu.memref_squeeze %dma_wait3A_94 : memref<1x2x128xi32, #tpu.memory_space<hbm>> -> memref<2x128xi32, #tpu.memory_space<hbm>>
        tpu.wait_dma2 semaphore(%arg13 : memref<!tpu.dma_semaphore, #tpu.memory_space<semaphore_mem>>) src(%dma_wait3A_95 : memref<2x128xi32, #tpu.memory_space<hbm>>) dst(%arg6 : memref<2x128xi32, #tpu.memory_space<vmem>>)
        %dma_start3A_96 = arith.constant 0 : i32
        %dma_start3A_97 = arith.constant 0 : i32
        %dma_start3A_98 = tpu.memref_slice %arg6[%dma_start3A_96, %dma_start3A_97] : memref<2x128xi32, #tpu.memory_space<vmem>> -> memref<1x128xi32, #tpu.memory_space<vmem>>
        %dma_start3A_99 = tpu.memref_squeeze %dma_start3A_98 : memref<1x128xi32, #tpu.memory_space<vmem>> -> memref<128xi32, #tpu.memory_space<vmem>>
        %dma_start3A_100 = arith.constant 0 : i32
        %dma_start3A_101 = arith.constant 0 : i32
        %dma_start3A_102 = tpu.memref_slice %arg2[%dma_start3A_100, %dma_start3A_101] : memref<10240x128xf32, #tpu.memory_space<hbm>> -> memref<10240x128xf32, #tpu.memory_space<hbm>>
        tpu.enqueue_indirect_dma source(%dma_start3A_102 : memref<10240x128xf32, #tpu.memory_space<hbm>>) target(%arg8 : memref<128x128xf32, #tpu.memory_space<vmem>>) offsets(%dma_start3A_99 : memref<128xi32, #tpu.memory_space<vmem>>) semaphore(%arg11 : memref<!tpu.dma_semaphore, #tpu.memory_space<semaphore_mem>>)
        %add3A_103 = arith.constant 3 : i32
        %add3A_104 = arith.addi %add3A_47, %add3A_103 : i32
        %dma_start3A_105 = arith.constant 0 : i32
        %dma_start3A_106 = arith.constant 0 : i32
        %dma_start3A_107 = tpu.memref_slice %arg3[%add3A_104, %dma_start3A_105, %dma_start3A_106] : memref<2560x2x128xi32, #tpu.memory_space<hbm>> -> memref<1x2x128xi32, #tpu.memory_space<hbm>>
        %dma_start3A_108 = tpu.memref_squeeze %dma_start3A_107 : memref<1x2x128xi32, #tpu.memory_space<hbm>> -> memref<2x128xi32, #tpu.memory_space<hbm>>
        %dma_start3A_109 = arith.constant 0 : i32
        %dma_start3A_110 = arith.constant 0 : i32
        %dma_start3A_111 = tpu.memref_slice %arg3[%add3A_104, %dma_start3A_109, %dma_start3A_110] : memref<2560x2x128xi32, #tpu.memory_space<hbm>> -> memref<1x2x128xi32, #tpu.memory_space<hbm>>
        %dma_start3A_112 = tpu.memref_squeeze %dma_start3A_111 : memref<1x2x128xi32, #tpu.memory_space<hbm>> -> memref<2x128xi32, #tpu.memory_space<hbm>>
        tpu.enqueue_dma source(%dma_start3A_112 : memref<2x128xi32, #tpu.memory_space<hbm>>) target(%arg7 : memref<2x128xi32, #tpu.memory_space<vmem>>) target_semaphore(%arg14 : memref<!tpu.dma_semaphore, #tpu.memory_space<semaphore_mem>>)
      } else {
      }
      %while3A_85 = arith.constant 0 : i32
      scf.yield %while3A_85 : i32
    }
    %barrier3A_38 = arith.constant 0 : index
    tpu.barrier barrier_id(%barrier3A_38)
    %mul3A_39 = arith.constant 640 : i32
    %mul3A_40 = arith.muli %arg1, %mul3A_39 : i32
    %mul3A_41 = arith.constant 640 : i32
    %mul3A_42 = arith.muli %arg1, %mul3A_41 : i32
    "tpu.region"() ({
      %run_scoped3A = tpu.sem_alloc : memref<!tpu.dma_semaphore, #tpu.memory_space<semaphore_mem>>
      %dma_start3A_43 = arith.constant 0 : i32
      %dma_start3A_44 = tpu.memref_slice %arg5[%arg0, %mul3A_42, %dma_start3A_43] : memref<2x10240x128xf32, #tpu.memory_space<hbm>> -> memref<1x640x128xf32, #tpu.memory_space<hbm>>
      %dma_start3A_45 = tpu.memref_squeeze %dma_start3A_44 : memref<1x640x128xf32, #tpu.memory_space<hbm>> -> memref<640x128xf32, #tpu.memory_space<hbm>>
      %dma_start3A_46 = arith.constant 0 : i32
      %dma_start3A_47 = tpu.memref_slice %arg10[%mul3A_40, %dma_start3A_46] : memref<10240x128xf32, #tpu.memory_space<vmem_shared>> -> memref<640x128xf32, #tpu.memory_space<vmem_shared>>
      tpu.enqueue_dma source(%dma_start3A_47 : memref<640x128xf32, #tpu.memory_space<vmem_shared>>) target(%dma_start3A_45 : memref<640x128xf32, #tpu.memory_space<hbm>>) target_semaphore(%run_scoped3A : memref<!tpu.dma_semaphore, #tpu.memory_space<semaphore_mem>>)
      %dma_wait3A = arith.constant 0 : i32
      %dma_wait3A_48 = tpu.memref_slice %arg5[%arg0, %mul3A_42, %dma_wait3A] : memref<2x10240x128xf32, #tpu.memory_space<hbm>> -> memref<1x640x128xf32, #tpu.memory_space<hbm>>
      %dma_wait3A_49 = tpu.memref_squeeze %dma_wait3A_48 : memref<1x640x128xf32, #tpu.memory_space<hbm>> -> memref<640x128xf32, #tpu.memory_space<hbm>>
      %dma_wait3A_50 = arith.constant 0 : i32
      %dma_wait3A_51 = tpu.memref_slice %arg10[%mul3A_40, %dma_wait3A_50] : memref<10240x128xf32, #tpu.memory_space<vmem_shared>> -> memref<640x128xf32, #tpu.memory_space<vmem_shared>>
      tpu.wait_dma2 semaphore(%run_scoped3A : memref<!tpu.dma_semaphore, #tpu.memory_space<semaphore_mem>>) src(%dma_wait3A_51 : memref<640x128xf32, #tpu.memory_space<vmem_shared>>) dst(%dma_wait3A_49 : memref<640x128xf32, #tpu.memory_space<hbm>>)
      tpu.yield
    }) : () -> ()
    return
  }
}

module attributes {stable_mosaic.version = 14 : i64} {
  func.func @body(%arg0: i32, %arg1: memref<256x128xf32, #tpu.memory_space<vmem>>, %arg2: memref<128x128xf32, #tpu.memory_space<vmem>>, %arg3: memref<256x128xf32, #tpu.memory_space<vmem>>) attributes {dimension_semantics = [#tpu.dimension_semantics<arbitrary>], iteration_bounds = array<i64: 40>, scalar_prefetch = 0 : i64, scratch_operands = 0 : i64, tpu.core_type = #tpu.core_type<tc>, window_params = [{transform_indices = @transform_0, window_bounds = array<i64: 256, 128>}, {pipeline_mode = #tpu.pipeline_mode<synchronous>, transform_indices = @transform_1, window_bounds = array<i64: 128, 128>}, {transform_indices = @transform_2, window_bounds = array<i64: 256, 128>}]} {
    %get3A = arith.constant 0 : index
    %get3A_0 = arith.constant 0 : index
    %get3A_1 = vector.load %arg1[%get3A, %get3A_0] : memref<256x128xf32, #tpu.memory_space<vmem>>, vector<256x128xf32>
    %get3A_2 = arith.constant 0 : index
    %get3A_3 = arith.constant 0 : index
    %get3A_4 = vector.load %arg2[%get3A_2, %get3A_3] : memref<128x128xf32, #tpu.memory_space<vmem>>, vector<128x128xf32>
    %dot_general3A = arith.constant dense<0.000000e+00> : vector<256x128xf32>
    %dot_general3A_5 = tpu.matmul %get3A_1, %get3A_4, %dot_general3A {dimension_numbers = #tpu.dot_dimension_numbers<[1], [0], [0], [1], [0, 0, 1, 1], [], []>, transpose_lhs_hint = false} : vector<256x128xf32>, vector<128x128xf32>, vector<256x128xf32> -> vector<256x128xf32>
    %swap3A = arith.constant 0 : index
    %swap3A_6 = arith.constant 0 : index
    %swap3A_7 = vector.load %arg3[%swap3A, %swap3A_6] : memref<256x128xf32, #tpu.memory_space<vmem>>, vector<256x128xf32>
    tpu.vector_store %arg3[%swap3A, %swap3A_6], %dot_general3A_5 {strides = array<i32>} : memref<256x128xf32, #tpu.memory_space<vmem>>, vector<256x128xf32>,
    return
  }
  func.func @transform_0(%arg0: i32) -> (i32, i32) {
    %c0_i32 = arith.constant 0 : i32
    %c0_i32_0 = arith.constant 0 : i32
    return %arg0, %c0_i32 : i32, i32
  }
  func.func @transform_1(%arg0: i32) -> (i32, i32) {
    %c0_i32 = arith.constant 0 : i32
    %c0_i32_0 = arith.constant 0 : i32
    %c0_i32_1 = arith.constant 0 : i32
    return %c0_i32, %c0_i32_0 : i32, i32
  }
  func.func @transform_2(%arg0: i32) -> (i32, i32) {
    %c0_i32 = arith.constant 0 : i32
    %c0_i32_0 = arith.constant 0 : i32
    return %arg0, %c0_i32 : i32, i32
  }
}

module attributes {stable_mosaic.version = 14 : i64} {
  func.func @body(%arg0: i32, %arg1: memref<256x128xf32, #tpu.memory_space<vmem>>, %arg2: memref<2x256x128xf32, #tpu.memory_space<vmem>>, %arg3: memref<256x128xf32, #tpu.memory_space<vmem>>) attributes {dimension_semantics = [#tpu.dimension_semantics<arbitrary>], iteration_bounds = array<i64: 40>, scalar_prefetch = 0 : i64, scratch_operands = 0 : i64, tpu.core_type = #tpu.core_type<tc>, window_params = [{transform_indices = @transform_0, window_bounds = array<i64: 256, 128>}, {transform_indices = @transform_1, window_bounds = array<i64: 2, 256, 128>}, {transform_indices = @transform_2, window_bounds = array<i64: 256, 128>}]} {
    %get3A = arith.constant 0 : index
    %get3A_0 = arith.constant 0 : index
    %get3A_1 = arith.constant 0 : index
    %get3A_2 = vector.load %arg2[%get3A, %get3A_0, %get3A_1] : memref<2x256x128xf32, #tpu.memory_space<vmem>>, vector<1x256x1xf32>
    %get3A_3 = vector.shape_cast %get3A_2 : vector<1x256x1xf32> to vector<256x1xf32>
    %get3A_4 = arith.constant 1 : index
    %get3A_5 = arith.constant 0 : index
    %get3A_6 = arith.constant 0 : index
    %get3A_7 = vector.load %arg2[%get3A_4, %get3A_5, %get3A_6] : memref<2x256x128xf32, #tpu.memory_space<vmem>>, vector<1x256x1xf32>
    %get3A_8 = vector.shape_cast %get3A_7 : vector<1x256x1xf32> to vector<256x1xf32>
    %add3A = arith.addf %get3A_3, %get3A_8 : vector<256x1xf32>
    %add3A_9 = arith.constant 1.000000e+00 : f32
    %add3A_10 = vector.broadcast %add3A_9 : f32 to vector<256x1xf32>
    %add3A_11 = arith.addf %add3A, %add3A_10 : vector<256x1xf32>
    %rsqrt3A = math.rsqrt %add3A_11 : vector<256x1xf32>
    %get3A_12 = arith.constant 0 : index
    %get3A_13 = arith.constant 0 : index
    %get3A_14 = vector.load %arg1[%get3A_12, %get3A_13] : memref<256x128xf32, #tpu.memory_space<vmem>>, vector<256x128xf32>
    %mul3A = vector.broadcast %rsqrt3A : vector<256x1xf32> to vector<256x128xf32>
    %mul3A_15 = arith.mulf %mul3A, %get3A_14 : vector<256x128xf32>
    %swap3A = arith.constant 0 : index
    %swap3A_16 = arith.constant 0 : index
    %swap3A_17 = vector.load %arg3[%swap3A, %swap3A_16] : memref<256x128xf32, #tpu.memory_space<vmem>>, vector<256x128xf32>
    tpu.vector_store %arg3[%swap3A, %swap3A_16], %mul3A_15 {strides = array<i32>} : memref<256x128xf32, #tpu.memory_space<vmem>>, vector<256x128xf32>,
    return
  }
  func.func @transform_0(%arg0: i32) -> (i32, i32) {
    %c0_i32 = arith.constant 0 : i32
    %c0_i32_0 = arith.constant 0 : i32
    return %arg0, %c0_i32 : i32, i32
  }
  func.func @transform_1(%arg0: i32) -> (i32, i32, i32) {
    %c0_i32 = arith.constant 0 : i32
    %c0_i32_0 = arith.constant 0 : i32
    %c0_i32_1 = arith.constant 0 : i32
    return %c0_i32, %arg0, %c0_i32_0 : i32, i32, i32
  }
  func.func @transform_2(%arg0: i32) -> (i32, i32) {
    %c0_i32 = arith.constant 0 : i32
    %c0_i32_0 = arith.constant 0 : i32
    return %arg0, %c0_i32 : i32, i32
  }
}

module attributes {stable_mosaic.version = 14 : i64} {
  func.func @body(%arg0: i32, %arg1: memref<2x256x128xf32, #tpu.memory_space<vmem>>, %arg2: memref<256x128xf32, #tpu.memory_space<vmem>>, %arg3: memref<2x256x128xf32, #tpu.memory_space<vmem>>, %arg4: memref<1x128xf32, #tpu.memory_space<vmem>>, %arg5: memref<128x128xf32, #tpu.memory_space<vmem>>, %arg6: memref<256x128xf32, #tpu.memory_space<vmem>>) attributes {dimension_semantics = [#tpu.dimension_semantics<arbitrary>], iteration_bounds = array<i64: 40>, scalar_prefetch = 0 : i64, scratch_operands = 0 : i64, tpu.core_type = #tpu.core_type<tc>, window_params = [{transform_indices = @transform_0, window_bounds = array<i64: 2, 256, 128>}, {transform_indices = @transform_1, window_bounds = array<i64: 256, 128>}, {transform_indices = @transform_2, window_bounds = array<i64: 2, 256, 128>}, {pipeline_mode = #tpu.pipeline_mode<synchronous>, transform_indices = @transform_3, window_bounds = array<i64: 1, 128>}, {pipeline_mode = #tpu.pipeline_mode<synchronous>, transform_indices = @transform_4, window_bounds = array<i64: 128, 128>}, {transform_indices = @transform_5, window_bounds = array<i64: 256, 128>}]} {
    %get3A = arith.constant 0 : index
    %get3A_0 = arith.constant 0 : index
    %get3A_1 = arith.constant 0 : index
    %get3A_2 = vector.load %arg3[%get3A, %get3A_0, %get3A_1] : memref<2x256x128xf32, #tpu.memory_space<vmem>>, vector<1x256x1xf32>
    %get3A_3 = vector.shape_cast %get3A_2 : vector<1x256x1xf32> to vector<256x1xf32>
    %get3A_4 = arith.constant 1 : index
    %get3A_5 = arith.constant 0 : index
    %get3A_6 = arith.constant 0 : index
    %get3A_7 = vector.load %arg3[%get3A_4, %get3A_5, %get3A_6] : memref<2x256x128xf32, #tpu.memory_space<vmem>>, vector<1x256x1xf32>
    %get3A_8 = vector.shape_cast %get3A_7 : vector<1x256x1xf32> to vector<256x1xf32>
    %add3A = arith.addf %get3A_3, %get3A_8 : vector<256x1xf32>
    %add3A_9 = arith.constant 1.000000e+00 : f32
    %add3A_10 = vector.broadcast %add3A_9 : f32 to vector<256x1xf32>
    %add3A_11 = arith.addf %add3A, %add3A_10 : vector<256x1xf32>
    %rsqrt3A = math.rsqrt %add3A_11 : vector<256x1xf32>
    %get3A_12 = arith.constant 0 : index
    %get3A_13 = arith.constant 0 : index
    %get3A_14 = arith.constant 0 : index
    %get3A_15 = vector.load %arg1[%get3A_12, %get3A_13, %get3A_14] : memref<2x256x128xf32, #tpu.memory_space<vmem>>, vector<1x256x128xf32>
    %get3A_16 = vector.shape_cast %get3A_15 : vector<1x256x128xf32> to vector<256x128xf32>
    %get3A_17 = arith.constant 1 : index
    %get3A_18 = arith.constant 0 : index
    %get3A_19 = arith.constant 0 : index
    %get3A_20 = vector.load %arg1[%get3A_17, %get3A_18, %get3A_19] : memref<2x256x128xf32, #tpu.memory_space<vmem>>, vector<1x256x128xf32>
    %get3A_21 = vector.shape_cast %get3A_20 : vector<1x256x128xf32> to vector<256x128xf32>
    %add3A_22 = arith.addf %get3A_16, %get3A_21 : vector<256x128xf32>
    %get3A_23 = arith.constant 0 : index
    %get3A_24 = arith.constant 0 : index
    %get3A_25 = vector.load %arg2[%get3A_23, %get3A_24] : memref<256x128xf32, #tpu.memory_space<vmem>>, vector<256x128xf32>
    %add3A_26 = arith.addf %add3A_22, %get3A_25 : vector<256x128xf32>
    %mul3A = vector.broadcast %rsqrt3A : vector<256x1xf32> to vector<256x128xf32>
    %mul3A_27 = arith.mulf %mul3A, %add3A_26 : vector<256x128xf32>
    %get3A_28 = arith.constant 0 : index
    %get3A_29 = arith.constant 0 : index
    %get3A_30 = vector.load %arg4[%get3A_28, %get3A_29] : memref<1x128xf32, #tpu.memory_space<vmem>>, vector<1x128xf32>
    %add3A_31 = vector.broadcast %get3A_30 : vector<1x128xf32> to vector<256x128xf32>
    %add3A_32 = arith.addf %mul3A_27, %add3A_31 : vector<256x128xf32>
    %max3A = arith.constant 0.000000e+00 : f32
    %max3A_33 = vector.broadcast %max3A : f32 to vector<256x128xf32>
    %max3A_34 = arith.maximumf %add3A_32, %max3A_33 : vector<256x128xf32>
    %get3A_35 = arith.constant 0 : index
    %get3A_36 = arith.constant 0 : index
    %get3A_37 = vector.load %arg5[%get3A_35, %get3A_36] : memref<128x128xf32, #tpu.memory_space<vmem>>, vector<128x128xf32>
    %dot_general3A = arith.constant dense<0.000000e+00> : vector<256x128xf32>
    %dot_general3A_38 = tpu.matmul %max3A_34, %get3A_37, %dot_general3A {dimension_numbers = #tpu.dot_dimension_numbers<[1], [0], [0], [1], [0, 0, 1, 1], [], []>, transpose_lhs_hint = false} : vector<256x128xf32>, vector<128x128xf32>, vector<256x128xf32> -> vector<256x128xf32>
    %mul3A_39 = vector.broadcast %rsqrt3A : vector<256x1xf32> to vector<256x128xf32>
    %mul3A_40 = arith.mulf %mul3A_39, %dot_general3A_38 : vector<256x128xf32>
    %swap3A = arith.constant 0 : index
    %swap3A_41 = arith.constant 0 : index
    %swap3A_42 = vector.load %arg6[%swap3A, %swap3A_41] : memref<256x128xf32, #tpu.memory_space<vmem>>, vector<256x128xf32>
    tpu.vector_store %arg6[%swap3A, %swap3A_41], %mul3A_40 {strides = array<i32>} : memref<256x128xf32, #tpu.memory_space<vmem>>, vector<256x128xf32>,
    return
  }
  func.func @transform_0(%arg0: i32) -> (i32, i32, i32) {
    %c0_i32 = arith.constant 0 : i32
    %c0_i32_0 = arith.constant 0 : i32
    %c0_i32_1 = arith.constant 0 : i32
    return %c0_i32, %arg0, %c0_i32_0 : i32, i32, i32
  }
  func.func @transform_1(%arg0: i32) -> (i32, i32) {
    %c0_i32 = arith.constant 0 : i32
    %c0_i32_0 = arith.constant 0 : i32
    return %arg0, %c0_i32 : i32, i32
  }
  func.func @transform_2(%arg0: i32) -> (i32, i32, i32) {
    %c0_i32 = arith.constant 0 : i32
    %c0_i32_0 = arith.constant 0 : i32
    %c0_i32_1 = arith.constant 0 : i32
    return %c0_i32, %arg0, %c0_i32_0 : i32, i32, i32
  }
  func.func @transform_3(%arg0: i32) -> (i32, i32) {
    %c0_i32 = arith.constant 0 : i32
    %c0_i32_0 = arith.constant 0 : i32
    %c0_i32_1 = arith.constant 0 : i32
    return %c0_i32, %c0_i32_0 : i32, i32
  }
  func.func @transform_4(%arg0: i32) -> (i32, i32) {
    %c0_i32 = arith.constant 0 : i32
    %c0_i32_0 = arith.constant 0 : i32
    %c0_i32_1 = arith.constant 0 : i32
    return %c0_i32, %c0_i32_0 : i32, i32
  }
  func.func @transform_5(%arg0: i32) -> (i32, i32) {
    %c0_i32 = arith.constant 0 : i32
    %c0_i32_0 = arith.constant 0 : i32
    return %arg0, %c0_i32 : i32, i32
  }
}

module attributes {stable_mosaic.version = 14 : i64} {
  func.func @body(%arg0: i32, %arg1: memref<2x256x128xf32, #tpu.memory_space<vmem>>, %arg2: memref<256x128xf32, #tpu.memory_space<vmem>>, %arg3: memref<2x256x128xf32, #tpu.memory_space<vmem>>, %arg4: memref<1x128xf32, #tpu.memory_space<vmem>>, %arg5: memref<1x1x256xi32, #tpu.memory_space<vmem>>, %arg6: memref<128x10xf32, #tpu.memory_space<vmem>>, %arg7: memref<1x10xf32, #tpu.memory_space<vmem>>, %arg8: memref<64x10xf32, #tpu.memory_space<vmem>>, %arg9: memref<64x128xf32, #tpu.memory_space<vmem>>, %arg10: memref<64x1xf32, #tpu.memory_space<vmem>>) attributes {dimension_semantics = [#tpu.dimension_semantics<arbitrary>], iteration_bounds = array<i64: 40>, scalar_prefetch = 0 : i64, scratch_operands = 2 : i64, tpu.core_type = #tpu.core_type<tc>, window_params = [{transform_indices = @transform_0, window_bounds = array<i64: 2, 256, 128>}, {transform_indices = @transform_1, window_bounds = array<i64: 256, 128>}, {transform_indices = @transform_2, window_bounds = array<i64: 2, 256, 128>}, {pipeline_mode = #tpu.pipeline_mode<synchronous>, transform_indices = @transform_3, window_bounds = array<i64: 1, 128>}, {transform_indices = @transform_4, window_bounds = array<i64: 1, 1, 256>}, {pipeline_mode = #tpu.pipeline_mode<synchronous>, transform_indices = @transform_5, window_bounds = array<i64: 128, 10>}, {pipeline_mode = #tpu.pipeline_mode<synchronous>, transform_indices = @transform_6, window_bounds = array<i64: 1, 10>}, {pipeline_mode = #tpu.pipeline_mode<synchronous>, transform_indices = @transform_7, window_bounds = array<i64: 64, 10>}]} {
    %eq3A = arith.constant 0 : i32
    %eq3A_0 = arith.cmpi eq, %arg0, %eq3A : i32
    %convert_element_type3A = arith.extui %eq3A_0 : i1 to i32
    %cond3A = arith.constant 0 : i32
    %cond3A_1 = arith.cmpi ne, %convert_element_type3A, %cond3A : i32
    scf.if %cond3A_1 {
      %broadcast_in_dim3A_67 = arith.constant 0.000000e+00 : f32
      %broadcast_in_dim3A_68 = vector.broadcast %broadcast_in_dim3A_67 : f32 to vector<64x128xf32>
      %swap3A_69 = arith.constant 0 : index
      %swap3A_70 = arith.constant 0 : index
      %swap3A_71 = vector.load %arg9[%swap3A_69, %swap3A_70] : memref<64x128xf32, #tpu.memory_space<vmem>>, vector<64x128xf32>
      tpu.vector_store %arg9[%swap3A_69, %swap3A_70], %broadcast_in_dim3A_68 {strides = array<i32>} : memref<64x128xf32, #tpu.memory_space<vmem>>, vector<64x128xf32>,
      %broadcast_in_dim3A_72 = arith.constant 0.000000e+00 : f32
      %broadcast_in_dim3A_73 = vector.broadcast %broadcast_in_dim3A_72 : f32 to vector<64x1xf32>
      %swap3A_74 = arith.constant 0 : index
      %swap3A_75 = arith.constant 0 : index
      %swap3A_76 = vector.load %arg10[%swap3A_74, %swap3A_75] : memref<64x1xf32, #tpu.memory_space<vmem>>, vector<64x1xf32>
      tpu.vector_store %arg10[%swap3A_74, %swap3A_75], %broadcast_in_dim3A_73 {strides = array<i32>} : memref<64x1xf32, #tpu.memory_space<vmem>>, vector<64x1xf32>,
    } else {
    }
    %get3A = arith.constant 0 : index
    %get3A_2 = arith.constant 0 : index
    %get3A_3 = arith.constant 0 : index
    %get3A_4 = vector.load %arg3[%get3A, %get3A_2, %get3A_3] : memref<2x256x128xf32, #tpu.memory_space<vmem>>, vector<1x256x1xf32>
    %get3A_5 = vector.shape_cast %get3A_4 : vector<1x256x1xf32> to vector<256x1xf32>
    %get3A_6 = arith.constant 1 : index
    %get3A_7 = arith.constant 0 : index
    %get3A_8 = arith.constant 0 : index
    %get3A_9 = vector.load %arg3[%get3A_6, %get3A_7, %get3A_8] : memref<2x256x128xf32, #tpu.memory_space<vmem>>, vector<1x256x1xf32>
    %get3A_10 = vector.shape_cast %get3A_9 : vector<1x256x1xf32> to vector<256x1xf32>
    %add3A = arith.addf %get3A_5, %get3A_10 : vector<256x1xf32>
    %add3A_11 = arith.constant 1.000000e+00 : f32
    %add3A_12 = vector.broadcast %add3A_11 : f32 to vector<256x1xf32>
    %add3A_13 = arith.addf %add3A, %add3A_12 : vector<256x1xf32>
    %rsqrt3A = math.rsqrt %add3A_13 : vector<256x1xf32>
    %get3A_14 = arith.constant 0 : index
    %get3A_15 = arith.constant 0 : index
    %get3A_16 = arith.constant 0 : index
    %get3A_17 = vector.load %arg1[%get3A_14, %get3A_15, %get3A_16] : memref<2x256x128xf32, #tpu.memory_space<vmem>>, vector<1x256x128xf32>
    %get3A_18 = vector.shape_cast %get3A_17 : vector<1x256x128xf32> to vector<256x128xf32>
    %get3A_19 = arith.constant 1 : index
    %get3A_20 = arith.constant 0 : index
    %get3A_21 = arith.constant 0 : index
    %get3A_22 = vector.load %arg1[%get3A_19, %get3A_20, %get3A_21] : memref<2x256x128xf32, #tpu.memory_space<vmem>>, vector<1x256x128xf32>
    %get3A_23 = vector.shape_cast %get3A_22 : vector<1x256x128xf32> to vector<256x128xf32>
    %add3A_24 = arith.addf %get3A_18, %get3A_23 : vector<256x128xf32>
    %get3A_25 = arith.constant 0 : index
    %get3A_26 = arith.constant 0 : index
    %get3A_27 = vector.load %arg2[%get3A_25, %get3A_26] : memref<256x128xf32, #tpu.memory_space<vmem>>, vector<256x128xf32>
    %add3A_28 = arith.addf %add3A_24, %get3A_27 : vector<256x128xf32>
    %mul3A = vector.broadcast %rsqrt3A : vector<256x1xf32> to vector<256x128xf32>
    %mul3A_29 = arith.mulf %mul3A, %add3A_28 : vector<256x128xf32>
    %get3A_30 = arith.constant 0 : index
    %get3A_31 = arith.constant 0 : index
    %get3A_32 = vector.load %arg4[%get3A_30, %get3A_31] : memref<1x128xf32, #tpu.memory_space<vmem>>, vector<1x128xf32>
    %add3A_33 = vector.broadcast %get3A_32 : vector<1x128xf32> to vector<256x128xf32>
    %add3A_34 = arith.addf %mul3A_29, %add3A_33 : vector<256x128xf32>
    %max3A = arith.constant 0.000000e+00 : f32
    %max3A_35 = vector.broadcast %max3A : f32 to vector<256x128xf32>
    %max3A_36 = arith.maximumf %add3A_34, %max3A_35 : vector<256x128xf32>
    %get3A_37 = arith.constant 0 : index
    %get3A_38 = arith.constant 0 : index
    %get3A_39 = arith.constant 0 : index
    %get3A_40 = vector.load %arg5[%get3A_37, %get3A_38, %get3A_39] : memref<1x1x256xi32, #tpu.memory_space<vmem>>, vector<1x1x256xi32>
    %get3A_41 = vector.shape_cast %get3A_40 : vector<1x1x256xi32> to vector<1x256xi32>
    %iota3A = tpu.iota {dimensions = array<i32: 0>} : vector<64x1xi32>
    %eq3A_42 = vector.broadcast %iota3A : vector<64x1xi32> to vector<64x256xi32>
    %eq3A_43 = vector.broadcast %get3A_41 : vector<1x256xi32> to vector<64x256xi32>
    %eq3A_44 = arith.cmpi eq, %eq3A_42, %eq3A_43 : vector<64x256xi32>
    %convert_element_type3A_45 = arith.extui %eq3A_44 : vector<64x256xi1> to vector<64x256xi32>
    %convert_element_type3A_46 = arith.sitofp %convert_element_type3A_45 : vector<64x256xi32> to vector<64x256xf32>
    %get3A_47 = arith.constant 0 : index
    %get3A_48 = arith.constant 0 : index
    %get3A_49 = vector.load %arg9[%get3A_47, %get3A_48] : memref<64x128xf32, #tpu.memory_space<vmem>>, vector<64x128xf32>
    %dot_general3A = arith.constant dense<0.000000e+00> : vector<64x128xf32>
    %dot_general3A_50 = tpu.matmul %convert_element_type3A_46, %max3A_36, %dot_general3A {dimension_numbers = #tpu.dot_dimension_numbers<[1], [0], [0], [1], [0, 0, 1, 1], [], []>, transpose_lhs_hint = false} : vector<64x256xf32>, vector<256x128xf32>, vector<64x128xf32> -> vector<64x128xf32>
    %add3A_51 = arith.addf %get3A_49, %dot_general3A_50 : vector<64x128xf32>
    %swap3A = arith.constant 0 : index
    %swap3A_52 = arith.constant 0 : index
    %swap3A_53 = vector.load %arg9[%swap3A, %swap3A_52] : memref<64x128xf32, #tpu.memory_space<vmem>>, vector<64x128xf32>
    tpu.vector_store %arg9[%swap3A, %swap3A_52], %add3A_51 {strides = array<i32>} : memref<64x128xf32, #tpu.memory_space<vmem>>, vector<64x128xf32>,
    %get3A_54 = arith.constant 0 : index
    %get3A_55 = arith.constant 0 : index
    %get3A_56 = vector.load %arg10[%get3A_54, %get3A_55] : memref<64x1xf32, #tpu.memory_space<vmem>>, vector<64x1xf32>
    %reduce_sum3A = arith.constant dense<0.000000e+00> : vector<64xf32>
    %reduce_sum3A_57 = vector.multi_reduction <add>, %convert_element_type3A_46, %reduce_sum3A [1] : vector<64x256xf32> to vector<64xf32>
    %broadcast_in_dim3A = vector.shape_cast %reduce_sum3A_57 : vector<64xf32> to vector<64x1xf32>
    %add3A_58 = arith.addf %get3A_56, %broadcast_in_dim3A : vector<64x1xf32>
    %swap3A_59 = arith.constant 0 : index
    %swap3A_60 = arith.constant 0 : index
    %swap3A_61 = vector.load %arg10[%swap3A_59, %swap3A_60] : memref<64x1xf32, #tpu.memory_space<vmem>>, vector<64x1xf32>
    tpu.vector_store %arg10[%swap3A_59, %swap3A_60], %add3A_58 {strides = array<i32>} : memref<64x1xf32, #tpu.memory_space<vmem>>, vector<64x1xf32>,
    %eq3A_62 = arith.constant 39 : i32
    %eq3A_63 = arith.cmpi eq, %arg0, %eq3A_62 : i32
    %convert_element_type3A_64 = arith.extui %eq3A_63 : i1 to i32
    %cond3A_65 = arith.constant 0 : i32
    %cond3A_66 = arith.cmpi ne, %convert_element_type3A_64, %cond3A_65 : i32
    scf.if %cond3A_66 {
      %get3A_67 = arith.constant 0 : index
      %get3A_68 = arith.constant 0 : index
      %get3A_69 = vector.load %arg9[%get3A_67, %get3A_68] : memref<64x128xf32, #tpu.memory_space<vmem>>, vector<64x128xf32>
      %get3A_70 = arith.constant 0 : index
      %get3A_71 = arith.constant 0 : index
      %get3A_72 = vector.load %arg10[%get3A_70, %get3A_71] : memref<64x1xf32, #tpu.memory_space<vmem>>, vector<64x1xf32>
      %max3A_73 = arith.constant 1.000000e+00 : f32
      %max3A_74 = vector.broadcast %max3A_73 : f32 to vector<64x1xf32>
      %max3A_75 = arith.maximumf %get3A_72, %max3A_74 : vector<64x1xf32>
      %div3A = vector.broadcast %max3A_75 : vector<64x1xf32> to vector<64x128xf32>
      %div3A_76 = arith.divf %get3A_69, %div3A : vector<64x128xf32>
      %get3A_77 = arith.constant 0 : index
      %get3A_78 = arith.constant 0 : index
      %get3A_79 = vector.load %arg6[%get3A_77, %get3A_78] : memref<128x10xf32, #tpu.memory_space<vmem>>, vector<128x10xf32>
      %dot_general3A_80 = arith.constant dense<0.000000e+00> : vector<64x10xf32>
      %dot_general3A_81 = tpu.matmul %div3A_76, %get3A_79, %dot_general3A_80 {dimension_numbers = #tpu.dot_dimension_numbers<[1], [0], [0], [1], [0, 0, 1, 1], [], []>, transpose_lhs_hint = false} : vector<64x128xf32>, vector<128x10xf32>, vector<64x10xf32> -> vector<64x10xf32>
      %get3A_82 = arith.constant 0 : index
      %get3A_83 = arith.constant 0 : index
      %get3A_84 = vector.load %arg7[%get3A_82, %get3A_83] : memref<1x10xf32, #tpu.memory_space<vmem>>, vector<1x10xf32>
      %add3A_85 = vector.broadcast %get3A_84 : vector<1x10xf32> to vector<64x10xf32>
      %add3A_86 = arith.addf %dot_general3A_81, %add3A_85 : vector<64x10xf32>
      %swap3A_87 = arith.constant 0 : index
      %swap3A_88 = arith.constant 0 : index
      %swap3A_89 = vector.load %arg8[%swap3A_87, %swap3A_88] : memref<64x10xf32, #tpu.memory_space<vmem>>, vector<64x10xf32>
      tpu.vector_store %arg8[%swap3A_87, %swap3A_88], %add3A_86 {strides = array<i32>} : memref<64x10xf32, #tpu.memory_space<vmem>>, vector<64x10xf32>,
    } else {
    }
    return
  }
  func.func @transform_0(%arg0: i32) -> (i32, i32, i32) {
    %c0_i32 = arith.constant 0 : i32
    %c0_i32_0 = arith.constant 0 : i32
    %c0_i32_1 = arith.constant 0 : i32
    return %c0_i32, %arg0, %c0_i32_0 : i32, i32, i32
  }
  func.func @transform_1(%arg0: i32) -> (i32, i32) {
    %c0_i32 = arith.constant 0 : i32
    %c0_i32_0 = arith.constant 0 : i32
    return %arg0, %c0_i32 : i32, i32
  }
  func.func @transform_2(%arg0: i32) -> (i32, i32, i32) {
    %c0_i32 = arith.constant 0 : i32
    %c0_i32_0 = arith.constant 0 : i32
    %c0_i32_1 = arith.constant 0 : i32
    return %c0_i32, %arg0, %c0_i32_0 : i32, i32, i32
  }
  func.func @transform_3(%arg0: i32) -> (i32, i32) {
    %c0_i32 = arith.constant 0 : i32
    %c0_i32_0 = arith.constant 0 : i32
    %c0_i32_1 = arith.constant 0 : i32
    return %c0_i32, %c0_i32_0 : i32, i32
  }
  func.func @transform_4(%arg0: i32) -> (i32, i32, i32) {
    %c0_i32 = arith.constant 0 : i32
    %c0_i32_0 = arith.constant 0 : i32
    %c0_i32_1 = arith.constant 0 : i32
    return %arg0, %c0_i32, %c0_i32_0 : i32, i32, i32
  }
  func.func @transform_5(%arg0: i32) -> (i32, i32) {
    %c0_i32 = arith.constant 0 : i32
    %c0_i32_0 = arith.constant 0 : i32
    %c0_i32_1 = arith.constant 0 : i32
    return %c0_i32, %c0_i32_0 : i32, i32
  }
  func.func @transform_6(%arg0: i32) -> (i32, i32) {
    %c0_i32 = arith.constant 0 : i32
    %c0_i32_0 = arith.constant 0 : i32
    %c0_i32_1 = arith.constant 0 : i32
    return %c0_i32, %c0_i32_0 : i32, i32
  }
  func.func @transform_7(%arg0: i32) -> (i32, i32) {
    %c0_i32 = arith.constant 0 : i32
    %c0_i32_0 = arith.constant 0 : i32
    %c0_i32_1 = arith.constant 0 : i32
    return %c0_i32, %c0_i32_0 : i32, i32
  }
}

</mosaic_0001>

<sc_bundles>
// kernel: kernel.11.cloned.1.call-start
scs
__scs_entry_jumppad:
0x0: {  	(pc) =	sbr.rel $0x88, $3  }
0x1: {  	(tag) =	ssettag $0x0;
	lr =	simm.s32 $0x1  }
0x2: {  	[smem:$0x3F98] =	sst lr;
	_ =	strace $0xD0000000  }
0x3: {  	_ = 	snop  }
0x4: {  	_ = 	snop  }
0x5: {  	_ = 	snop  }
0x6: {  	_ = 	snop  }
0x7: {  	_ = 	snop  }
__scs_overlays_trampoline_lowered:
0x8: {  	[smem:$0x3FA7] =	sst s0  }
0x9: {  	[smem:$0x3FA8] =	sst s1  }
0xa: {  	[smem:$0x3FA9] =	sst s2  }
0xb: {  	[smem:$0x3FAA] =	sst s3  }
0xc: {  	[smem:$0x3FAB] =	sst s4  }
0xd: {  	[smem:$0x3FAC] =	sst s5  }
0xe: {  	[smem:$0x3FAD] =	sst s6  }
0xf: {  	[smem:$0x3FAE] =	sst s7  }
0x10: {  	[smem:$0x3FAF] =	sst s8  }
0x11: {  	[smem:$0x3FB0] =	sst s9;
	s0 =	simm.s32 @!p0 $0x0  }
0x12: {  	s1 =	sld [smem:$0x3F96];
	s0 =	simm.s32 @p0 $0x1  }
0x13: {  	[smem:$0x3FB1] =	sst s0;
	s0 =	simm.s32 @!p1 $0x0  }
0x14: {  	s2 =	sld [smem:$0x3F95];
	s0 =	simm.s32 @p1 $0x1  }
0x15: {  	[smem:$0x3FB2] =	sst s0;
	s0 =	simm.s32 @!p2 $0x0  }
0x16: {  	s3 =	sld [smem:$0x3FDB];
	s0 =	simm.s32 @p2 $0x1  }
0x17: {  	s4 =	simm.s32 $0x1BF5;
	[smem:$0x3FB4] =	sst s0  }
0x18: {  	s0 =	sld [smem:$0x3F97];
	_ =	swait.ge [sflag:s4], $0x0  }
0x19: {  	s7 =	sld [smem:$0x3F98]  }
0x1a: {  	s8 =	sadd.s32 $0xFFFFE003, lr  }
0x1b: {  	s9 =	sadd.s32 $0xFFFFFEF7, lr;
	s5 =	simm.s32 $0xFFFFFFFF;
	p2 =	slt.u32 s8, $0xFFFFF086  }
0x1c: {  	p1 =	slt.u32 s9, $0xF7A;
	s5 =	simm.s32 @!p2 $0x0  }
0x1d: {  	s5 =	simm.s32 @p1 $0x1;
	p0 =	seq.s32 s7, s2  }
0x1e: {  	s7 =	smul.u32 @!p0 $0xF7A, s2;
	p2 =	seq.s32 @!p0 s5, $0x0  }
0x1f: {  	s9 =	smul.u32 $0xF7A, s1;
	s8 =	simm.s32 @!p0 $0x1BF5;
	p2 =	por !p2, p0  }
0x20: {  	[sflag:s8] =	ssyncset.s32 @!p0 $0xFFFFF086;
	s6 =	sadd.s32 @!p0 s3, s7;
	s7 =	simm.s32 @!p0 $0x108  }
0x21: {  	s3 =	sadd.s32 s3, s9;
	s6 =	sadd.s32 @!p0 $0x88, s6;
	s7 =	simm.s32 @p2 $0x1082  }
0x22: {  	[simem:s7], [sflag:s8] =	dma.local @!p0 [hbm:s6], $0xF7A  }
0x23: {  	s9 =	sor.u32 $0xD0000000, s2;
	s6 =	simm.s32 $0x108;
	_ =	swait.ge @!p0 [sflag:s8], $0x0  }
0x24: {  	s3 =	sadd.s32 $0x88, s3;
	s6 =	simm.s32 @!p1 $0x1082;
	[sflag:s4] =	ssyncset.s32 $0xFFFFF086  }
0x25: {  	[simem:s6], [sflag:s4] =	dma.local [hbm:s3], $0xF7A  }
0x26: {  	[smem:$0x3F98] =	sst s1;
	(tag) =	ssettag s2;
	_ =	strace s9  }
0x27: {  	s1 =	sld [smem:$0x3FA8]  }
0x28: {  	s2 =	sld [smem:$0x3FA9]  }
0x29: {  	s4 =	sld [smem:$0x3FAB]  }
0x2a: {  	p0 =	seq.s32 s5, $0x0;
	s5 =	sld [smem:$0x3FAC]  }
0x2b: {  	s6 =	sld [smem:$0x3FAD]  }
0x2c: {  	s7 =	sld [smem:$0x3FAE]  }
0x2d: {  	s3 =	simm.s32 $0x108;
	s8 =	sld [smem:$0x3FAF]  }
0x2e: {  	s3 =	simm.s32 @!p0 $0x1082;
	s9 =	sld [smem:$0x3FB0]  }
0x2f: {  	lr =	sadd.s32 s0, s3;
	s0 =	sld [smem:$0x3FA7]  }
0x30: {  	s3 =	sld [smem:$0x3FAA]  }
0x31: {  	[smem:$0x3FB3] =	sst s10  }
0x32: {  	s10 =	sld [smem:$0x3FB1];
	_ =	sdelay $0x3  }
0x33: {  	p0 =	seq.s32 s10, $0x1;
	s10 =	sld [smem:$0x3FB3];
	_ =	sdelay $0x3  }
0x34: {  	[smem:$0x3FB3] =	sst s10  }
0x35: {  	s10 =	sld [smem:$0x3FB2];
	_ =	sdelay $0x3  }
0x36: {  	p1 =	seq.s32 s10, $0x1;
	s10 =	sld [smem:$0x3FB3];
	_ =	sdelay $0x3  }
0x37: {  	[smem:$0x3FB3] =	sst s10  }
0x38: {  	s10 =	sld [smem:$0x3FB4]  }
0x39: {  	_ = 	snop;
	(pc) =	sbr.ind lr, $3  }
0x3a: {  	_ = 	snop  }
0x3b: {  	_ = 	snop  }
0x3c: {  	p2 =	seq.s32 s10, $0x1;
	s10 =	sld [smem:$0x3FB3]  }
0x3d: {  	_ =	shalt  }
0x3e: {  	_ =	shalt  }
0x3f: {  	_ =	shalt  }
0x40: {  	_ =	shalt  }
0x41: {  	_ =	shalt  }
0x42: {  	_ =	shalt  }
0x43: {  	_ =	shalt  }
0x44: {  	_ =	shalt  }
0x45: {  	_ =	shalt  }
0x46: {  	_ =	shalt  }
0x47: {  	_ =	shalt  }
0x48: {  	_ =	shalt  }
0x49: {  	_ =	shalt  }
0x4a: {  	_ =	shalt  }
0x4b: {  	_ =	shalt  }
0x4c: {  	_ =	shalt  }
0x4d: {  	_ =	shalt  }
0x4e: {  	_ =	shalt  }
0x4f: {  	_ =	shalt  }
0x50: {  	_ =	shalt  }
0x51: {  	_ =	shalt  }
0x52: {  	_ =	shalt  }
0x53: {  	_ =	shalt  }
0x54: {  	_ =	shalt  }
0x55: {  	_ =	shalt  }
0x56: {  	_ =	shalt  }
0x57: {  	_ =	shalt  }
0x58: {  	_ =	shalt  }
0x59: {  	_ =	shalt  }
0x5a: {  	_ =	shalt  }
0x5b: {  	_ =	shalt  }
0x5c: {  	_ =	shalt  }
0x5d: {  	_ =	shalt  }
0x5e: {  	_ =	shalt  }
0x5f: {  	_ =	shalt  }
0x60: {  	_ =	shalt  }
0x61: {  	_ =	shalt  }
0x62: {  	_ =	shalt  }
0x63: {  	_ =	shalt  }
0x64: {  	_ =	shalt  }
0x65: {  	_ =	shalt  }
0x66: {  	_ =	shalt  }
0x67: {  	_ =	shalt  }
0x68: {  	_ =	shalt  }
0x69: {  	_ =	shalt  }
0x6a: {  	_ =	shalt  }
0x6b: {  	_ =	shalt  }
0x6c: {  	_ =	shalt  }
0x6d: {  	_ =	shalt  }
0x6e: {  	_ =	shalt  }
0x6f: {  	_ =	shalt  }
0x70: {  	_ =	shalt  }
0x71: {  	_ =	shalt  }
0x72: {  	_ =	shalt  }
0x73: {  	_ =	shalt  }
0x74: {  	_ =	shalt  }
0x75: {  	_ =	shalt  }
0x76: {  	_ =	shalt  }
0x77: {  	_ =	shalt  }
0x78: {  	_ =	shalt  }
0x79: {  	_ =	shalt  }
0x7a: {  	_ =	shalt  }
0x7b: {  	_ =	shalt  }
0x7c: {  	_ =	shalt  }
0x7d: {  	_ =	shalt  }
0x7e: {  	_ =	shalt  }
0x7f: {  	_ =	shalt  }
0x80: {  	_ =	shalt  }
0x81: {  	_ =	shalt  }
0x82: {  	_ =	shalt  }
0x83: {  	_ =	shalt  }
0x84: {  	_ =	shalt  }
0x85: {  	_ =	shalt  }
0x86: {  	_ =	shalt  }
0x87: {  	_ =	shalt  }
.Lfunc_end0:
.L_simem_size_0:
called_computation_lowered:
.L_overlay_start_0:
0x88: {  	s2 =	sld [smem:$0x3FD9]  }
0x89: {  	s3 =	sld [smem:$0x3FFE];
	_ =	sdelay $0x1  }
0x8a: {  	s1 =	srdreg.scid  }
0x8b: {  	s0 =	sand.u32 $0x1, s1  }
0x8c: {  	s16 =	sshll.u32 s0, $0xA;
	s2 =	sadd.s32 s3, s2  }
0x8d: {  	s2 =	sadd.s32 s2, s16  }
0x8e: {  	[smem:$0x3FBF] =	sst s2  }
0x8f: {  	_ = 	snop  }
0x90: {  	(tm) =	ssettm $0x1  }
0x91: {  	s17 =	sld [smem:$0x3FFB];
	_ =	sdelay $0x3  }
0x92: {  	_ =	strace s17  }
0x93: {  	s2 =	sld [smem:$0x3FFC];
	_ =	sdelay $0x3  }
0x94: {  	_ =	strace s2  }
0x95: {  	s2 =	sld [smem:$0x3FFD];
	_ =	sdelay $0x3  }
0x96: {  	_ =	strace s2  }
0x97: {  	_ =	strace $0x8FFFFFFF  }
0x98: {  	s18 =	sld [smem:$0x3FDB];
	_ =	sdelay $0x1  }
0x99: {  	s19 =	simm.s32 $_scs_section_size  }
0x9a: {  	s4 =	simm.s32 $_size__tile_overlayer_lowered;
	s5 =	simm.s32 $_tile_overlayer_lowered  }
0x9b: {  	s22 =	simm.s32 $0x1BFF;
	s21 =	sshll.u32 s5, $0x1;
	s2 =	sadd.s32 s19, s18  }
0x9c: {  	s6 =	simm.s32 $0x0;
	s20 =	sshll.u32 s4, $0x1;
	s4 =	sadd.s32 s21, s2  }
0x9d: {  	[timem:s6], [sflag:s22] =	dma.local [hbm:s4], s20  }
0x9e: {  	_ =	swait.ge [sflag:s22], s20  }
0x9f: {  	s3 =	ssub.s32 $0x0, s20;
	[sflag:s22] =	ssyncset.done $0x0  }
0xa0: {  	[sflag:s22] =	ssyncadd.s32 s3;
	_ =	sdelay $0x1  }
0xa1: {  	s23 =	simm.s32 $0x1B8B  }
0xa2: {  	_ =	swait.ge [sflag:s23], $0x1  }
0xa3: {  	[sflag:s23] =	ssyncset.done $0x0  }
0xa4: {  	s25 =	simm.s32 $0x1B8E;
	s24 =	sld [smem:$0x3FFE];
	[sflag:s23] =	ssyncadd.s32 $0xFFFFFFFF  }
0xa5: {  	s26 =	simm.s32 $execute0_lowered;
	[smem:$0x3FD2] =	sst s25  }
0xa6: {  	s4 =	sshll.u32 s26, $0x1;
	_ =	strace $0x80000046;
	[dreg:$0x1] =	wrdreg $0xFFFFFFFF  }
0xa7: {  	s28 =	simm.s32 $_size_execute0_lowered;
	s2 =	sadd.s32 s2, s4;
	[dreg:$0x0] =	wrdreg $0x0  }
0xa8: {  	s4 =	sshll.u32 s28, $0x1;
	[dreg:$0x2] =	wrdreg s2  }
0xa9: {  	[dreg:$0x3] =	wrdreg s4  }
0xaa: {  	[dreg:$0x4] =	wrdreg $0xC0  }
0xab: {  	_ =	task [dreg:s6], $0x5FFFF  }
0xac: {  	[dreg:$0x1] =	wrdreg $0xFFFFFFFF  }
0xad: {  	[dreg:$0x0] =	wrdreg $0x60  }
0xae: {  	[dreg:$0x2] =	wrdreg s24  }
0xaf: {  	[dreg:$0x3] =	wrdreg $0x54000  }
0xb0: {  	[dreg:$0x4] =	wrdreg $0x9  }
0xb1: {  	_ =	task.clear_ibuf [dreg:s6], $0x5FFFF;
	_ =	strace $0x90000046  }
0xb2: {  	s29 =	simm.s32 $0x9;
	_ =	strace $0x80000048  }
0xb3: {  	_ =	swait.ge [sflag:s29], $0x1  }
0xb4: {  	[sflag:s29] =	ssyncadd.s32 $0xFFFFFFFF  }
0xb5: {  	_ =	strace $0x90000048  }
0xb6: {  	_ =	sfence  }
0xb7: {  	s30 =	sld [smem:$0x0];
	_ =	sdelay $0x2  }
0xb8: {  	s31 =	sshll.u32 s1, $0xD;
	s1 =	sshrl.u32 s1, $0x2  }
0xb9: {  	s3 =	sand.u32 $0x4000, s31;
	s1 =	sadd.s32 s1, s30  }
0xba: {  	s0 =	sor.u32 s3, s0;
	s1 =	sshll.u32 s1, $0x11  }
0xbb: {  	s0 =	sor.u32 s1, s0  }
0xbc: {  	s0 =	sadd.s32 $0x8F2B, s0  }
0xbd: {  	[sflag:s0] =	ssyncadd.remote.s32 $0x1  }
0xbe: {  	_ =	sfence.sel $0xFFFF  }
0xbf: {  	[dreg:$0x0] =	wrdreg $0xFFFFFFFF;
	(pc) =	sbr.abs _section_cstart, $3  }
0xc0: {  	[dreg:$0x1] =	wrdreg $0xFFFFFFFF  }
0xc1: {  	_ =	task.clear_ibuf [dreg:s6], $0x2FFFF;
	_ =	strace $0x9FFFFFFF  }
0xc2: {  	(tm) =	ssettm $0x7FFFFFFF  }
0xc3: {  	_ =	shalt  }
tec
execute0_lowered:
.L_overlay_start_1:
0x0: {  	(tag) =	ssettag $0x1  }
0x1: {  	s6 =	rddreg [dreg:$0x0]  }
0x2: {  	s1 =	rddreg [dreg:$0x1]  }
0x3: {  	s2 =	srdreg.scid;
	s0 =	rddreg [dreg:$0x2]  }
0x4: {  	s3 =	simm.s32 $0x0;
	s15 =	simm.s32 $0x0;
	s7 =	sand.u32 $0x1, s2  }
0x5: {  	s2 =	stileid.u32;
	[smem:$0x7FF] =	sst s3;
	s10 =	sadd.s32 $0x3200, s6  }
0x6: {  	s4 =	sadd.s32 $0xFA00, s6;
	s5 =	sadd.s32 $0xD200, s6;
	s8 =	smul.u32 $0x140000, s7  }
0x7: {  	s9 =	smul.u32 $0x14000, s2;
	_ =	strace $0x80000047;
	s26 =	sshll.u32 s7, $0x4  }
0x8: {  	s7 =	ssub.s32 $0x2, s7;
	s11 =	smul.u32 $0x50000, s2;
	s29 =	sshll.u32 s2, $0x6  }
0x9: {  	s12 =	sshrl.u32 s7, $0x1;
	s8 =	sadd.s32 s9, s8;
	s9 =	sor.u32 s2, s26  }
0xa: {  	s12 =	ssub.s32 s7, s12;
	s28 =	sshrl.u32 s11, $0x2;
	s13 =	smul.u32 $0x2800, s9  }
0xb: {  	s8 =	sshrl.u32 s8, $0x3;
	s30 =	smul.u32 $0x500, s9;
	s11 =	sadd.s32 s28, s1  }
0xc: {  	s14 =	sadd.s32 s8, s6;
	s6 =	sor.u32 $0x1C01, s29;
	s11 =	sshrl.u32 s11, $0x3  }
0xd: {  	s31 =	sshrl.u32 s13, $0x3;
	s7 =	sadd.s32 s10, s30;
	s13 =	simm.s32 $0x1400  }
0xe: {  	s9 =	sadd.s32 s10, s31;
	s10 =	smax.u32 s12, $0x1;
	s12 =	simm.s32 $0x1  }
0xf: {  	s8 =	sadd.s32 $0x280, s9;
	s9 =	sadd.s32 $0x10200, s14;
	s14 =	simm.s32 $0x80  }
.LBB2_1:
0x10: {  	[spmem:s11], [sflag:s6] =	dma.local [hbm:s5], $0x2800  }
0x11: {  	_ =	swait.ge [sflag:s12], $0x2800  }
0x12: {  	[sflag:s12] =	ssyncset.done $0x0  }
0x13: {  	[sflag:s12] =	ssyncadd.s32 $0xFFFFD800  }
0x14: {  	[tilespmem:s13], [sflag:$0x1] =	stream.linear.gather [hbm4b:s4+s3], $0x4000, $0x38;
	[tilespmem:$0x19400] =	vst v63  }
0x15: {  	_ =	swait.ge [sflag:s12], $0x4000  }
0x16: {  	[sflag:s12] =	ssyncset.done $0x0  }
0x17: {  	[sflag:s12] =	ssyncadd.s32 $0xFFFFC000  }
0x18: {  	[bflag:$0x0] =	sbarrier.arrive $0xFFFF  }
0x19: {  	[tilespmem:s3], [sflag:$0x1] =	stream.linear.gather [hbm4b:s7+s3], $0x1400, $0x38;
	[tilespmem:$0x19400] =	vst v63  }
0x1a: {  	_ =	swait.ge [sflag:s12], $0x1400  }
0x1b: {  	[sflag:s12] =	ssyncset.done $0x0  }
0x1c: {  	s16 =	simm.s32 $0x0;
	[sflag:s12] =	ssyncadd.s32 $0xFFFFEC00  }
0x1d: {  	[spmem:s1] =	stream.indirect.scatter.add.f32 [tilespmem:s13], [sflag:$0x1], $0x80, s16, s14, $0xb8;
	[tilespmem:$0x19400] =	vst v63  }
0x1e: {  	_ =	swait.ge [sflag:s12], $0x4000  }
0x1f: {  	s16 =	simm.s32 $0x200;
	[sflag:s12] =	ssyncset.done $0x0  }
.LBB2_2:
0x20: {  	s17 =	sshra.s32 s16, $0x2;
	[sflag:s12] =	ssyncadd.s32 $0xFFFFC000;
	p0 =	sne.s32 s16, $0x4E00  }
0x21: {  	[spmem:s1] =	stream.indirect.scatter.add.f32 [tilespmem:s13], [sflag:$0x1], $0x80, s17, s14, $0xb8;
	[tilespmem:$0x19400] =	vst v63  }
.Ltmp0:
0x22: {  	_ = 	snop;
	(pc) =	sbr.rel @p0 .LBB2_2-.Ltmp0, $4  }
0x23: {  	_ = 	snop  }
0x24: {  	s16 =	sadd.s32 $0x200, s16  }
0x25: {  	_ =	swait.ge [sflag:s12], $0x4000  }
0x26: {  	[sflag:s12] =	ssyncset.done $0x0  }
0x27: {  	[sflag:s12] =	ssyncadd.s32 $0xFFFFC000;
	s16 =	simm.s32 $0x0  }
0x28: {  	[tilespmem:s16], [sflag:$0x1] =	stream.linear.gather [hbm4b:s8+s16], $0x1400, $0x38;
	[tilespmem:$0x19400] =	vst v63  }
0x29: {  	_ =	swait.ge [sflag:s12], $0x1400  }
0x2a: {  	[sflag:s12] =	ssyncset.done $0x0  }
0x2b: {  	s31 =	simm.s32 $0x0;
	[sflag:s12] =	ssyncadd.s32 $0xFFFFEC00  }
0x2c: {  	[spmem:s1] =	stream.indirect.scatter.add.f32 [tilespmem:s13], [sflag:$0x1], $0x80, s31, s14, $0xb8;
	[tilespmem:$0x19400] =	vst v63  }
0x2d: {  	_ =	swait.ge [sflag:s12], $0x4000  }
0x2e: {  	s16 =	simm.s32 $0x200;
	[sflag:s12] =	ssyncset.done $0x0  }
.LBB2_4:
0x2f: {  	s17 =	sshra.s32 s16, $0x2;
	[sflag:s12] =	ssyncadd.s32 $0xFFFFC000;
	p0 =	sne.s32 s16, $0x4E00  }
0x30: {  	[spmem:s1] =	stream.indirect.scatter.add.f32 [tilespmem:s13], [sflag:$0x1], $0x80, s17, s14, $0xb8;
	[tilespmem:$0x19400] =	vst v63  }
.Ltmp1:
0x31: {  	_ = 	snop;
	(pc) =	sbr.rel @p0 .LBB2_4-.Ltmp1, $4  }
0x32: {  	_ = 	snop  }
0x33: {  	s16 =	sadd.s32 $0x200, s16  }
0x34: {  	_ =	swait.ge [sflag:s12], $0x4000  }
0x35: {  	[sflag:s12] =	ssyncset.done $0x0  }
0x36: {  	s15 =	sadd.s32 $0x1, s15  }
0x37: {  	[sflag:s12] =	ssyncadd.s32 $0xFFFFC000;
	p0 =	sne.s32 s15, s10  }
.Ltmp2:
0x38: {  	[bflag:$0x0] =	sbarrier.arrive $0xFFFF;
	(pc) =	sbr.rel @p0 .LBB2_1-.Ltmp2, $4  }
0x39: {  	[hbm:s9], [sflag:s6] =	dma.local [spmem:s11], $0x2800  }
0x3a: {  	_ =	swait.ge [sflag:s12], $0x2800  }
0x3b: {  	[sflag:s12] =	ssyncset.done $0x0  }
0x3c: {  	[sflag:s12] =	ssyncadd.s32 $0xFFFFD800  }
0x3d: {  	_ =	sfence.sel $0x180000  }
0x3e: {  	[bflag:$0x0] =	sbarrier.arrive $0xFFFF  }
0x3f: {  	p0 =	sne.s32 s2, $0x0;
	_ =	strace $0x90000047  }
0x40: {  	s0 =	sadd.s32 @!p0 $0x100000, s0;
	[bflag:$0x2] =	sbarrier.arrive $0xFFFF  }
0x41: {  	[sflag:s0] =	ssyncadd.tile.s32 @!p0 $0x1;
	_ =	shalt  }
.Lfunc_end2:
_tile_overlayer_lowered:
.L_overlay_start_2:
0x42: {  	(tag) =	ssettag $0x2  }
0x43: {  	s0 =	rddreg [dreg:$0x0];
	s2 =	stileid.u32  }
0x44: {  	s1 =	rddreg [dreg:$0x1];
	p0 =	sne.s32 s2, $0x0  }
0x45: {  	s3 =	rddreg [dreg:$0x2];
	[bflag:$0x3] =	sbarrier.arrive $0xFFFF;
	s2 =	simm.s32 @!p0 $0x1C01  }
0x46: {  	[timem:s3], [sflag:s2] =	dma.local @!p0 [hbm:s0], s1  }
0x47: {  	s0 =	simm.s32 @!p0 $0x1  }
0x48: {  	_ =	swait.ge @!p0 [sflag:s0], s1  }
0x49: {  	s1 =	ssub.s32 @!p0 $0x0, s1;
	[sflag:s0] =	ssyncset.done @!p0 $0x0  }
0x4a: {  	[sflag:s0] =	ssyncadd.s32 @!p0 s1  }
0x4b: {  	[bflag:$0x3] =	sbarrier.arrive $0xFFFF  }
0x4c: {  	_ =	shalt  }

// kernel: kernel.14.cloned.1.call-start
scs
__scs_entry_jumppad:
0x0: {  	(pc) =	sbr.rel $0x88, $3  }
0x1: {  	(tag) =	ssettag $0x0;
	lr =	simm.s32 $0x1  }
0x2: {  	[smem:$0x3F98] =	sst lr;
	_ =	strace $0xD0000000  }
0x3: {  	_ = 	snop  }
0x4: {  	_ = 	snop  }
0x5: {  	_ = 	snop  }
0x6: {  	_ = 	snop  }
0x7: {  	_ = 	snop  }
__scs_overlays_trampoline_lowered:
0x8: {  	[smem:$0x3FA7] =	sst s0  }
0x9: {  	[smem:$0x3FA8] =	sst s1  }
0xa: {  	[smem:$0x3FA9] =	sst s2  }
0xb: {  	[smem:$0x3FAA] =	sst s3  }
0xc: {  	[smem:$0x3FAB] =	sst s4  }
0xd: {  	[smem:$0x3FAC] =	sst s5  }
0xe: {  	[smem:$0x3FAD] =	sst s6  }
0xf: {  	[smem:$0x3FAE] =	sst s7  }
0x10: {  	[smem:$0x3FAF] =	sst s8  }
0x11: {  	[smem:$0x3FB0] =	sst s9;
	s0 =	simm.s32 @!p0 $0x0  }
0x12: {  	s1 =	sld [smem:$0x3F96];
	s0 =	simm.s32 @p0 $0x1  }
0x13: {  	[smem:$0x3FB1] =	sst s0;
	s0 =	simm.s32 @!p1 $0x0  }
0x14: {  	s2 =	sld [smem:$0x3F95];
	s0 =	simm.s32 @p1 $0x1  }
0x15: {  	[smem:$0x3FB2] =	sst s0;
	s0 =	simm.s32 @!p2 $0x0  }
0x16: {  	s3 =	sld [smem:$0x3FDB];
	s0 =	simm.s32 @p2 $0x1  }
0x17: {  	s4 =	simm.s32 $0x1BF5;
	[smem:$0x3FB4] =	sst s0  }
0x18: {  	s0 =	sld [smem:$0x3F97];
	_ =	swait.ge [sflag:s4], $0x0  }
0x19: {  	s7 =	sld [smem:$0x3F98]  }
0x1a: {  	s8 =	sadd.s32 $0xFFFFE003, lr  }
0x1b: {  	s9 =	sadd.s32 $0xFFFFFEF7, lr;
	s5 =	simm.s32 $0xFFFFFFFF;
	p2 =	slt.u32 s8, $0xFFFFF086  }
0x1c: {  	p1 =	slt.u32 s9, $0xF7A;
	s5 =	simm.s32 @!p2 $0x0  }
0x1d: {  	s5 =	simm.s32 @p1 $0x1;
	p0 =	seq.s32 s7, s2  }
0x1e: {  	s7 =	smul.u32 @!p0 $0xF7A, s2;
	p2 =	seq.s32 @!p0 s5, $0x0  }
0x1f: {  	s9 =	smul.u32 $0xF7A, s1;
	s8 =	simm.s32 @!p0 $0x1BF5;
	p2 =	por !p2, p0  }
0x20: {  	[sflag:s8] =	ssyncset.s32 @!p0 $0xFFFFF086;
	s6 =	sadd.s32 @!p0 s3, s7;
	s7 =	simm.s32 @!p0 $0x108  }
0x21: {  	s3 =	sadd.s32 s3, s9;
	s6 =	sadd.s32 @!p0 $0x88, s6;
	s7 =	simm.s32 @p2 $0x1082  }
0x22: {  	[simem:s7], [sflag:s8] =	dma.local @!p0 [hbm:s6], $0xF7A  }
0x23: {  	s9 =	sor.u32 $0xD0000000, s2;
	s6 =	simm.s32 $0x108;
	_ =	swait.ge @!p0 [sflag:s8], $0x0  }
0x24: {  	s3 =	sadd.s32 $0x88, s3;
	s6 =	simm.s32 @!p1 $0x1082;
	[sflag:s4] =	ssyncset.s32 $0xFFFFF086  }
0x25: {  	[simem:s6], [sflag:s4] =	dma.local [hbm:s3], $0xF7A  }
0x26: {  	[smem:$0x3F98] =	sst s1;
	(tag) =	ssettag s2;
	_ =	strace s9  }
0x27: {  	s1 =	sld [smem:$0x3FA8]  }
0x28: {  	s2 =	sld [smem:$0x3FA9]  }
0x29: {  	s4 =	sld [smem:$0x3FAB]  }
0x2a: {  	p0 =	seq.s32 s5, $0x0;
	s5 =	sld [smem:$0x3FAC]  }
0x2b: {  	s6 =	sld [smem:$0x3FAD]  }
0x2c: {  	s7 =	sld [smem:$0x3FAE]  }
0x2d: {  	s3 =	simm.s32 $0x108;
	s8 =	sld [smem:$0x3FAF]  }
0x2e: {  	s3 =	simm.s32 @!p0 $0x1082;
	s9 =	sld [smem:$0x3FB0]  }
0x2f: {  	lr =	sadd.s32 s0, s3;
	s0 =	sld [smem:$0x3FA7]  }
0x30: {  	s3 =	sld [smem:$0x3FAA]  }
0x31: {  	[smem:$0x3FB3] =	sst s10  }
0x32: {  	s10 =	sld [smem:$0x3FB1];
	_ =	sdelay $0x3  }
0x33: {  	p0 =	seq.s32 s10, $0x1;
	s10 =	sld [smem:$0x3FB3];
	_ =	sdelay $0x3  }
0x34: {  	[smem:$0x3FB3] =	sst s10  }
0x35: {  	s10 =	sld [smem:$0x3FB2];
	_ =	sdelay $0x3  }
0x36: {  	p1 =	seq.s32 s10, $0x1;
	s10 =	sld [smem:$0x3FB3];
	_ =	sdelay $0x3  }
0x37: {  	[smem:$0x3FB3] =	sst s10  }
0x38: {  	s10 =	sld [smem:$0x3FB4]  }
0x39: {  	_ = 	snop;
	(pc) =	sbr.ind lr, $3  }
0x3a: {  	_ = 	snop  }
0x3b: {  	_ = 	snop  }
0x3c: {  	p2 =	seq.s32 s10, $0x1;
	s10 =	sld [smem:$0x3FB3]  }
0x3d: {  	_ =	shalt  }
0x3e: {  	_ =	shalt  }
0x3f: {  	_ =	shalt  }
0x40: {  	_ =	shalt  }
0x41: {  	_ =	shalt  }
0x42: {  	_ =	shalt  }
0x43: {  	_ =	shalt  }
0x44: {  	_ =	shalt  }
0x45: {  	_ =	shalt  }
0x46: {  	_ =	shalt  }
0x47: {  	_ =	shalt  }
0x48: {  	_ =	shalt  }
0x49: {  	_ =	shalt  }
0x4a: {  	_ =	shalt  }
0x4b: {  	_ =	shalt  }
0x4c: {  	_ =	shalt  }
0x4d: {  	_ =	shalt  }
0x4e: {  	_ =	shalt  }
0x4f: {  	_ =	shalt  }
0x50: {  	_ =	shalt  }
0x51: {  	_ =	shalt  }
0x52: {  	_ =	shalt  }
0x53: {  	_ =	shalt  }
0x54: {  	_ =	shalt  }
0x55: {  	_ =	shalt  }
0x56: {  	_ =	shalt  }
0x57: {  	_ =	shalt  }
0x58: {  	_ =	shalt  }
0x59: {  	_ =	shalt  }
0x5a: {  	_ =	shalt  }
0x5b: {  	_ =	shalt  }
0x5c: {  	_ =	shalt  }
0x5d: {  	_ =	shalt  }
0x5e: {  	_ =	shalt  }
0x5f: {  	_ =	shalt  }
0x60: {  	_ =	shalt  }
0x61: {  	_ =	shalt  }
0x62: {  	_ =	shalt  }
0x63: {  	_ =	shalt  }
0x64: {  	_ =	shalt  }
0x65: {  	_ =	shalt  }
0x66: {  	_ =	shalt  }
0x67: {  	_ =	shalt  }
0x68: {  	_ =	shalt  }
0x69: {  	_ =	shalt  }
0x6a: {  	_ =	shalt  }
0x6b: {  	_ =	shalt  }
0x6c: {  	_ =	shalt  }
0x6d: {  	_ =	shalt  }
0x6e: {  	_ =	shalt  }
0x6f: {  	_ =	shalt  }
0x70: {  	_ =	shalt  }
0x71: {  	_ =	shalt  }
0x72: {  	_ =	shalt  }
0x73: {  	_ =	shalt  }
0x74: {  	_ =	shalt  }
0x75: {  	_ =	shalt  }
0x76: {  	_ =	shalt  }
0x77: {  	_ =	shalt  }
0x78: {  	_ =	shalt  }
0x79: {  	_ =	shalt  }
0x7a: {  	_ =	shalt  }
0x7b: {  	_ =	shalt  }
0x7c: {  	_ =	shalt  }
0x7d: {  	_ =	shalt  }
0x7e: {  	_ =	shalt  }
0x7f: {  	_ =	shalt  }
0x80: {  	_ =	shalt  }
0x81: {  	_ =	shalt  }
0x82: {  	_ =	shalt  }
0x83: {  	_ =	shalt  }
0x84: {  	_ =	shalt  }
0x85: {  	_ =	shalt  }
0x86: {  	_ =	shalt  }
0x87: {  	_ =	shalt  }
.Lfunc_end0:
.L_simem_size_0:
called_computation.1_lowered:
.L_overlay_start_0:
0x88: {  	s2 =	sld [smem:$0x3FD9]  }
0x89: {  	s3 =	sld [smem:$0x3FFE];
	_ =	sdelay $0x1  }
0x8a: {  	s1 =	srdreg.scid  }
0x8b: {  	s0 =	sand.u32 $0x1, s1  }
0x8c: {  	s16 =	sshll.u32 s0, $0xA;
	s2 =	sadd.s32 s3, s2  }
0x8d: {  	s2 =	sadd.s32 s2, s16  }
0x8e: {  	[smem:$0x3FBF] =	sst s2  }
0x8f: {  	_ = 	snop  }
0x90: {  	(tm) =	ssettm $0x1  }
0x91: {  	s17 =	sld [smem:$0x3FFB];
	_ =	sdelay $0x3  }
0x92: {  	_ =	strace s17  }
0x93: {  	s2 =	sld [smem:$0x3FFC];
	_ =	sdelay $0x3  }
0x94: {  	_ =	strace s2  }
0x95: {  	s2 =	sld [smem:$0x3FFD];
	_ =	sdelay $0x3  }
0x96: {  	_ =	strace s2  }
0x97: {  	_ =	strace $0x8FFFFFFF  }
0x98: {  	s18 =	sld [smem:$0x3FDB];
	_ =	sdelay $0x1  }
0x99: {  	s19 =	simm.s32 $_scs_section_size  }
0x9a: {  	s4 =	simm.s32 $_size__tile_overlayer_lowered;
	s5 =	simm.s32 $_tile_overlayer_lowered  }
0x9b: {  	s22 =	simm.s32 $0x1BFF;
	s21 =	sshll.u32 s5, $0x1;
	s2 =	sadd.s32 s19, s18  }
0x9c: {  	s6 =	simm.s32 $0x0;
	s20 =	sshll.u32 s4, $0x1;
	s4 =	sadd.s32 s21, s2  }
0x9d: {  	[timem:s6], [sflag:s22] =	dma.local [hbm:s4], s20  }
0x9e: {  	_ =	swait.ge [sflag:s22], s20  }
0x9f: {  	s3 =	ssub.s32 $0x0, s20;
	[sflag:s22] =	ssyncset.done $0x0  }
0xa0: {  	[sflag:s22] =	ssyncadd.s32 s3;
	_ =	sdelay $0x1  }
0xa1: {  	s23 =	simm.s32 $0x1B8B  }
0xa2: {  	_ =	swait.ge [sflag:s23], $0x1  }
0xa3: {  	[sflag:s23] =	ssyncset.done $0x0  }
0xa4: {  	s25 =	simm.s32 $0x1B8E;
	s24 =	sld [smem:$0x3FFE];
	[sflag:s23] =	ssyncadd.s32 $0xFFFFFFFF  }
0xa5: {  	s26 =	simm.s32 $execute0_lowered;
	[smem:$0x3FD2] =	sst s25  }
0xa6: {  	s4 =	sshll.u32 s26, $0x1;
	_ =	strace $0x80000049;
	[dreg:$0x1] =	wrdreg $0xFFFFFFFF  }
0xa7: {  	s28 =	simm.s32 $_size_execute0_lowered;
	s2 =	sadd.s32 s2, s4;
	[dreg:$0x0] =	wrdreg $0x0  }
0xa8: {  	s4 =	sshll.u32 s28, $0x1;
	[dreg:$0x2] =	wrdreg s2  }
0xa9: {  	[dreg:$0x3] =	wrdreg s4  }
0xaa: {  	[dreg:$0x4] =	wrdreg $0xC0  }
0xab: {  	_ =	task [dreg:s6], $0x5FFFF  }
0xac: {  	[dreg:$0x1] =	wrdreg $0xFFFFFFFF  }
0xad: {  	[dreg:$0x0] =	wrdreg $0x60  }
0xae: {  	[dreg:$0x2] =	wrdreg s24  }
0xaf: {  	[dreg:$0x3] =	wrdreg $0x82000  }
0xb0: {  	[dreg:$0x4] =	wrdreg $0x9  }
0xb1: {  	_ =	task.clear_ibuf [dreg:s6], $0x5FFFF;
	_ =	strace $0x90000049  }
0xb2: {  	s29 =	simm.s32 $0x9;
	_ =	strace $0x8000004B  }
0xb3: {  	_ =	swait.ge [sflag:s29], $0x1  }
0xb4: {  	[sflag:s29] =	ssyncadd.s32 $0xFFFFFFFF  }
0xb5: {  	_ =	strace $0x9000004B  }
0xb6: {  	_ =	sfence  }
0xb7: {  	s30 =	sld [smem:$0x0];
	_ =	sdelay $0x2  }
0xb8: {  	s31 =	sshll.u32 s1, $0xD;
	s1 =	sshrl.u32 s1, $0x2  }
0xb9: {  	s3 =	sand.u32 $0x4000, s31;
	s1 =	sadd.s32 s1, s30  }
0xba: {  	s0 =	sor.u32 s3, s0;
	s1 =	sshll.u32 s1, $0x11  }
0xbb: {  	s0 =	sor.u32 s1, s0  }
0xbc: {  	s0 =	sadd.s32 $0x8F2B, s0  }
0xbd: {  	[sflag:s0] =	ssyncadd.remote.s32 $0x1  }
0xbe: {  	_ =	sfence.sel $0xFFFF  }
0xbf: {  	[dreg:$0x0] =	wrdreg $0xFFFFFFFF;
	(pc) =	sbr.abs _section_cstart, $3  }
0xc0: {  	[dreg:$0x1] =	wrdreg $0xFFFFFFFF  }
0xc1: {  	_ =	task.clear_ibuf [dreg:s6], $0x2FFFF;
	_ =	strace $0x9FFFFFFF  }
0xc2: {  	(tm) =	ssettm $0x7FFFFFFF  }
0xc3: {  	_ =	shalt  }
tec
execute0_lowered:
.L_overlay_start_1:
0x0: {  	(tag) =	ssettag $0x1  }
0x1: {  	s6 =	rddreg [dreg:$0x0]  }
0x2: {  	s2 =	rddreg [dreg:$0x1]  }
0x3: {  	s0 =	rddreg [dreg:$0x2];
	s1 =	stileid.u32;
	s3 =	simm.s32 $0x0  }
0x4: {  	s4 =	srdreg.scid;
	s14 =	simm.s32 $0x5;
	s15 =	simm.s32 $0x80  }
0x5: {  	s16 =	simm.s32 $0x200;
	s17 =	simm.s32 $0x100;
	s5 =	smul.u32 $0x6, s1  }
0x6: {  	s18 =	simm.s32 $0x4;
	s7 =	sand.u32 $0x1, s4;
	s4 =	smul.u32 $0x9A, s1  }
0x7: {  	s19 =	simm.s32 $0x4200;
	s20 =	simm.s32 $0x1;
	s9 =	smul.u32 $0x14000, s1  }
0x8: {  	s21 =	simm.s32 $0x0;
	[smem:$0x7FF] =	sst s3;
	s28 =	smul.u32 $0x50000, s1  }
0x9: {  	s31 =	sshll.u32 s1, $0x6;
	p0 =	seq.s32 s7, $0x0;
	s8 =	smul.u32 $0x140000, s7  }
0xa: {  	_ =	strace $0x8000004A;
	s7 =	ssub.s32 $0x2, s7;
	s5 =	sadd.s32 $0x9A0, s5  }
0xb: {  	s29 =	sshrl.u32 s7, $0x1;
	s30 =	sshrl.u32 s28, $0x2;
	s5 =	smov.u32 @p0 s4  }
0xc: {  	s4 =	sadd.s32 $0x74200, s6;
	s26 =	sadd.s32 s9, s8;
	s11 =	ssub.s32 s7, s29  }
0xd: {  	s13 =	sadd.s32 s30, s2;
	s7 =	sor.u32 $0x1C05, s31;
	s5 =	sshll.u32 s5, $0x5  }
0xe: {  	s8 =	sshrl.u32 s26, $0x3;
	s11 =	smax.u32 s11, $0x1;
	s12 =	sadd.s32 s5, s6  }
0xf: {  	s5 =	sadd.s32 $0xD200, s6;
	s10 =	sadd.s32 s8, s6;
	s6 =	simm.s32 $0x4D  }
0x10: {  	s13 =	sshrl.u32 s13, $0x3;
	s6 =	simm.s32 @!p0 $0x3;
	s8 =	sadd.s32 $0x60200, s12  }
0x11: {  	s9 =	sadd.s32 $0x60220, s12;
	s10 =	sadd.s32 $0x9C200, s10;
	s12 =	sadd.s32 $0x60240, s12  }
.LBB2_1:
0x12: {  	[spmem:s13], [sflag:s7] =	dma.local [hbm:s5], $0x2800  }
0x13: {  	_ =	swait.ge [sflag:s14], $0x2800  }
0x14: {  	[sflag:s14] =	ssyncset.done $0x0  }
0x15: {  	[sflag:s14] =	ssyncadd.s32 $0xFFFFD800  }
0x16: {  	[bflag:$0x0] =	sbarrier.arrive $0xFFFF  }
0x17: {  	[tilespmem:s3], [sflag:$0x5] =	stream.linear.gather [hbm4b:s8+s3], $0x100, $0x38;
	[tilespmem:$0x1C200] =	vst v63  }
0x18: {  	_ =	swait.ge [sflag:s14], $0x100  }
0x19: {  	[sflag:s14] =	ssyncset.done $0x0  }
0x1a: {  	[sflag:s14] =	ssyncadd.s32 $0xFFFFFF00  }
0x1b: {  	[tilespmem:s16], [sflag:$0x1] =	stream.indirect.gather [hbm4b:s4+s15], $0x80, s3, s15, $0xb8;
	[tilespmem:$0x1C200] =	vst v63  }
0x1c: {  	_ = 	snop  }
0x1d: {  	[tilespmem:s17], [sflag:$0x4] =	stream.linear.gather [hbm4b:s9+s3], $0x100, $0x38;
	[tilespmem:$0x1C200] =	vst v63  }
0x1e: {  	_ =	swait.ge [sflag:s18], $0x100  }
0x1f: {  	[sflag:s18] =	ssyncset.done $0x0  }
0x20: {  	[sflag:s18] =	ssyncadd.s32 $0xFFFFFF00  }
0x21: {  	[tilespmem:s19], [sflag:$0x2] =	stream.indirect.gather [hbm4b:s4+s15], $0x80, s17, s15, $0xb8;
	[tilespmem:$0x1C200] =	vst v63  }
0x22: {  	_ =	swait.ge [sflag:s20], $0x4000  }
0x23: {  	[sflag:s20] =	ssyncset.done $0x0  }
0x24: {  	[sflag:s20] =	ssyncadd.s32 $0xFFFFC000  }
0x25: {  	[spmem:s2] =	stream.indirect.scatter.add.f32 [tilespmem:s16], [sflag:$0x5], $0x80, s15, s15, $0xb8;
	[tilespmem:$0x1C200] =	vst v63  }
0x26: {  	_ =	swait.ge [sflag:s14], $0x4000  }
0x27: {  	p0 =	sle.u32 s6, $0x1;
	[sflag:s14] =	ssyncset.done $0x0  }
0x28: {  	s22 =	simm.s32 @p0 $0x2;
	[sflag:s14] =	ssyncadd.s32 $0xFFFFC000  }
0x29: {  	_ =	swait.ge @p0 [sflag:s22], $0x4000  }
0x2a: {  	s23 =	simm.s32 @p0 $0x4200;
	s24 =	simm.s32 @p0 $0x5;
	[sflag:s22] =	ssyncset.done @p0 $0x0  }
0x2b: {  	s25 =	simm.s32 @p0 $0x180;
	[sflag:s22] =	ssyncadd.s32 @p0 $0xFFFFC000;
	s22 =	simm.s32 @p0 $0x80  }
0x2c: {  	[spmem:s2] =	stream.indirect.scatter.add.f32 @p0 [tilespmem:s23], [sflag:$0x5], $0x80, s25, s22, $0xb8;
	[tilespmem:$0x1C200] =	vst v63  }
0x2d: {  	_ =	swait.ge @p0 [sflag:s24], $0x4000  }
0x2e: {  	[sflag:s24] =	ssyncset.done @p0 $0x0  }
0x2f: {  	s22 =	simm.s32 @!p0 $0x2;
	[sflag:s24] =	ssyncadd.s32 @p0 $0xFFFFC000;
	s24 =	simm.s32 @!p0 $0x0  }
0x30: {  	[tilespmem:s24], [sflag:$0x3] =	stream.linear.gather @!p0 [hbm4b:s12+s24], $0x100, $0x38;
	[tilespmem:$0x1C200] =	vst v63  }
0x31: {  	_ =	swait.ge @!p0 [sflag:s22], $0x4000  }
0x32: {  	s26 =	simm.s32 @!p0 $0x180;
	s23 =	simm.s32 @!p0 $0x4200;
	[sflag:s22] =	ssyncset.done @!p0 $0x0  }
0x33: {  	s25 =	simm.s32 @!p0 $0x5;
	[sflag:s22] =	ssyncadd.s32 @!p0 $0xFFFFC000;
	s22 =	simm.s32 @!p0 $0x80  }
0x34: {  	[spmem:s2] =	stream.indirect.scatter.add.f32 @!p0 [tilespmem:s23], [sflag:$0x5], $0x80, s26, s22, $0xb8;
	[tilespmem:$0x1C200] =	vst v63  }
0x35: {  	_ =	swait.ge @!p0 [sflag:s25], $0x4000  }
0x36: {  	[sflag:s25] =	ssyncset.done @!p0 $0x0  }
0x37: {  	p1 =	sne.s32 s6, $0x1;
	s23 =	simm.s32 @!p0 $0x3;
	[sflag:s25] =	ssyncadd.s32 @!p0 $0xFFFFC000  }
.Ltmp0:
0x38: {  	_ =	swait.ge @!p0 [sflag:s23], $0x100;
	(pc) =	sbr.rel @!p1 .LBB2_3-.Ltmp0, $4  }
0x39: {  	[sflag:s23] =	ssyncset.done @!p0 $0x0  }
0x3a: {  	s26 =	simm.s32 @!p0 $0x100;
	[sflag:s23] =	ssyncadd.s32 @!p0 $0xFFFFFF00;
	s23 =	simm.s32 @!p0 $0x200  }
0x3b: {  	[tilespmem:s23], [sflag:$0x1] =	stream.indirect.gather @!p0 [hbm4b:s4+s22], $0x80, s24, s22, $0xb8;
	[tilespmem:$0x1C200] =	vst v63  }
0x3c: {  	s25 =	sadd.s32 @!p0 $0x20, s12;
	s22 =	simm.s32 $0x1;
	s23 =	sadd.s32 $0x40, s12  }
.LBB2_2:
0x3d: {  	[tilespmem:s26], [sflag:$0x4] =	stream.linear.gather @!p0 [hbm4b:s25+s24], $0x100, $0x38;
	[tilespmem:$0x1C200] =	vst v63  }
0x3e: {  	s22 =	sadd.s32 $0x1, s22;
	_ =	swait.ge [sflag:s18], $0x100  }
0x3f: {  	p1 =	sne.s32 s6, s22;
	[sflag:s18] =	ssyncset.done $0x0  }
0x40: {  	[sflag:s18] =	ssyncadd.s32 $0xFFFFFF00  }
0x41: {  	[tilespmem:s19], [sflag:$0x2] =	stream.indirect.gather [hbm4b:s4+s15], $0x80, s17, s15, $0xb8;
	[tilespmem:$0x1C200] =	vst v63  }
0x42: {  	_ =	swait.ge [sflag:s20], $0x4000  }
0x43: {  	[sflag:s20] =	ssyncset.done $0x0  }
0x44: {  	[sflag:s20] =	ssyncadd.s32 $0xFFFFC000  }
0x45: {  	[spmem:s2] =	stream.indirect.scatter.add.f32 [tilespmem:s16], [sflag:$0x5], $0x80, s15, s15, $0xb8;
	[tilespmem:$0x1C200] =	vst v63  }
0x46: {  	_ =	swait.ge [sflag:s14], $0x4000  }
0x47: {  	p0 =	sge.u32 s22, s6;
	[sflag:s14] =	ssyncset.done $0x0  }
0x48: {  	s24 =	simm.s32 @p0 $0x2;
	[sflag:s14] =	ssyncadd.s32 $0xFFFFC000  }
0x49: {  	_ =	swait.ge @p0 [sflag:s24], $0x4000  }
0x4a: {  	s25 =	simm.s32 @p0 $0x4200;
	s26 =	simm.s32 @p0 $0x5;
	[sflag:s24] =	ssyncset.done @p0 $0x0  }
0x4b: {  	s28 =	simm.s32 @p0 $0x180;
	[sflag:s24] =	ssyncadd.s32 @p0 $0xFFFFC000;
	s24 =	simm.s32 @p0 $0x80  }
0x4c: {  	[spmem:s2] =	stream.indirect.scatter.add.f32 @p0 [tilespmem:s25], [sflag:$0x5], $0x80, s28, s24, $0xb8;
	[tilespmem:$0x1C200] =	vst v63  }
0x4d: {  	_ =	swait.ge @p0 [sflag:s26], $0x4000  }
0x4e: {  	[sflag:s26] =	ssyncset.done @p0 $0x0  }
0x4f: {  	s24 =	simm.s32 @!p0 $0x0;
	s25 =	simm.s32 @!p0 $0x2;
	[sflag:s26] =	ssyncadd.s32 @p0 $0xFFFFC000  }
0x50: {  	[tilespmem:s24], [sflag:$0x3] =	stream.linear.gather @!p0 [hbm4b:s23+s24], $0x100, $0x38;
	[tilespmem:$0x1C200] =	vst v63  }
0x51: {  	_ =	swait.ge @!p0 [sflag:s25], $0x4000  }
0x52: {  	s28 =	simm.s32 @!p0 $0x5;
	s26 =	simm.s32 @!p0 $0x4200;
	[sflag:s25] =	ssyncset.done @!p0 $0x0  }
0x53: {  	s29 =	simm.s32 @!p0 $0x180;
	[sflag:s25] =	ssyncadd.s32 @!p0 $0xFFFFC000;
	s25 =	simm.s32 @!p0 $0x80  }
0x54: {  	[spmem:s2] =	stream.indirect.scatter.add.f32 @!p0 [tilespmem:s26], [sflag:$0x5], $0x80, s29, s25, $0xb8;
	[tilespmem:$0x1C200] =	vst v63  }
0x55: {  	_ =	swait.ge @!p0 [sflag:s28], $0x4000  }
0x56: {  	[sflag:s28] =	ssyncset.done @!p0 $0x0  }
0x57: {  	s26 =	simm.s32 @!p0 $0x3;
	[sflag:s28] =	ssyncadd.s32 @!p0 $0xFFFFC000  }
.Ltmp1:
0x58: {  	_ =	swait.ge @!p0 [sflag:s26], $0x100;
	(pc) =	sbr.rel @p1 .LBB2_2-.Ltmp1, $4  }
0x59: {  	[sflag:s26] =	ssyncset.done @!p0 $0x0  }
0x5a: {  	[sflag:s26] =	ssyncadd.s32 @!p0 $0xFFFFFF00;
	s26 =	simm.s32 @!p0 $0x200  }
0x5b: {  	[tilespmem:s26], [sflag:$0x1] =	stream.indirect.gather @!p0 [hbm4b:s4+s25], $0x80, s24, s25, $0xb8;
	[tilespmem:$0x1C200] =	vst v63  }
0x5c: {  	s25 =	sadd.s32 @!p0 $0x20, s23;
	s26 =	simm.s32 @!p0 $0x100;
	s23 =	sadd.s32 $0x40, s23  }
.LBB2_3:
0x5d: {  	[tilespmem:s26], [sflag:$0x4] =	stream.linear.gather @!p0 [hbm4b:s25+s24], $0x100, $0x38;
	[tilespmem:$0x1C200] =	vst v63  }
0x5e: {  	s21 =	sadd.s32 $0x1, s21  }
0x5f: {  	p0 =	sne.s32 s21, s11  }
.Ltmp2:
0x60: {  	[bflag:$0x0] =	sbarrier.arrive $0xFFFF;
	(pc) =	sbr.rel @p0 .LBB2_1-.Ltmp2, $4  }
0x61: {  	[hbm:s10], [sflag:s7] =	dma.local [spmem:s13], $0x2800  }
0x62: {  	_ =	swait.ge [sflag:s14], $0x2800  }
0x63: {  	[sflag:s14] =	ssyncset.done $0x0  }
0x64: {  	[sflag:s14] =	ssyncadd.s32 $0xFFFFD800  }
0x65: {  	_ =	sfence.sel $0x180000  }
0x66: {  	[bflag:$0x0] =	sbarrier.arrive $0xFFFF  }
0x67: {  	p0 =	sne.s32 s1, $0x0;
	_ =	strace $0x9000004A  }
0x68: {  	s0 =	sadd.s32 @!p0 $0x100000, s0;
	[bflag:$0x2] =	sbarrier.arrive $0xFFFF  }
0x69: {  	[sflag:s0] =	ssyncadd.tile.s32 @!p0 $0x1;
	_ =	shalt  }
.Lfunc_end2:
_tile_overlayer_lowered:
.L_overlay_start_2:
0x6a: {  	(tag) =	ssettag $0x2  }
0x6b: {  	s0 =	rddreg [dreg:$0x0];
	s2 =	stileid.u32  }
0x6c: {  	s1 =	rddreg [dreg:$0x1];
	p0 =	sne.s32 s2, $0x0  }
0x6d: {  	s3 =	rddreg [dreg:$0x2];
	[bflag:$0x3] =	sbarrier.arrive $0xFFFF;
	s2 =	simm.s32 @!p0 $0x1C05  }
0x6e: {  	[timem:s3], [sflag:s2] =	dma.local @!p0 [hbm:s0], s1  }
0x6f: {  	s0 =	simm.s32 @!p0 $0x5  }
0x70: {  	_ =	swait.ge @!p0 [sflag:s0], s1  }
0x71: {  	s1 =	ssub.s32 @!p0 $0x0, s1;
	[sflag:s0] =	ssyncset.done @!p0 $0x0  }
0x72: {  	[sflag:s0] =	ssyncadd.s32 @!p0 s1  }
0x73: {  	[bflag:$0x3] =	sbarrier.arrive $0xFFFF  }
0x74: {  	_ =	shalt  }

// kernel: kernel.17.cloned.1.call-start
scs
__scs_entry_jumppad:
0x0: {  	(pc) =	sbr.rel $0x88, $3  }
0x1: {  	(tag) =	ssettag $0x0;
	lr =	simm.s32 $0x1  }
0x2: {  	[smem:$0x3F98] =	sst lr;
	_ =	strace $0xD0000000  }
0x3: {  	_ = 	snop  }
0x4: {  	_ = 	snop  }
0x5: {  	_ = 	snop  }
0x6: {  	_ = 	snop  }
0x7: {  	_ = 	snop  }
__scs_overlays_trampoline_lowered:
0x8: {  	[smem:$0x3FA7] =	sst s0  }
0x9: {  	[smem:$0x3FA8] =	sst s1  }
0xa: {  	[smem:$0x3FA9] =	sst s2  }
0xb: {  	[smem:$0x3FAA] =	sst s3  }
0xc: {  	[smem:$0x3FAB] =	sst s4  }
0xd: {  	[smem:$0x3FAC] =	sst s5  }
0xe: {  	[smem:$0x3FAD] =	sst s6  }
0xf: {  	[smem:$0x3FAE] =	sst s7  }
0x10: {  	[smem:$0x3FAF] =	sst s8  }
0x11: {  	[smem:$0x3FB0] =	sst s9;
	s0 =	simm.s32 @!p0 $0x0  }
0x12: {  	s1 =	sld [smem:$0x3F96];
	s0 =	simm.s32 @p0 $0x1  }
0x13: {  	[smem:$0x3FB1] =	sst s0;
	s0 =	simm.s32 @!p1 $0x0  }
0x14: {  	s2 =	sld [smem:$0x3F95];
	s0 =	simm.s32 @p1 $0x1  }
0x15: {  	[smem:$0x3FB2] =	sst s0;
	s0 =	simm.s32 @!p2 $0x0  }
0x16: {  	s3 =	sld [smem:$0x3FDB];
	s0 =	simm.s32 @p2 $0x1  }
0x17: {  	s4 =	simm.s32 $0x1BF5;
	[smem:$0x3FB4] =	sst s0  }
0x18: {  	s0 =	sld [smem:$0x3F97];
	_ =	swait.ge [sflag:s4], $0x0  }
0x19: {  	s7 =	sld [smem:$0x3F98]  }
0x1a: {  	s8 =	sadd.s32 $0xFFFFE003, lr  }
0x1b: {  	s9 =	sadd.s32 $0xFFFFFEF7, lr;
	s5 =	simm.s32 $0xFFFFFFFF;
	p2 =	slt.u32 s8, $0xFFFFF086  }
0x1c: {  	p1 =	slt.u32 s9, $0xF7A;
	s5 =	simm.s32 @!p2 $0x0  }
0x1d: {  	s5 =	simm.s32 @p1 $0x1;
	p0 =	seq.s32 s7, s2  }
0x1e: {  	s7 =	smul.u32 @!p0 $0xF7A, s2;
	p2 =	seq.s32 @!p0 s5, $0x0  }
0x1f: {  	s9 =	smul.u32 $0xF7A, s1;
	s8 =	simm.s32 @!p0 $0x1BF5;
	p2 =	por !p2, p0  }
0x20: {  	[sflag:s8] =	ssyncset.s32 @!p0 $0xFFFFF086;
	s6 =	sadd.s32 @!p0 s3, s7;
	s7 =	simm.s32 @!p0 $0x108  }
0x21: {  	s3 =	sadd.s32 s3, s9;
	s6 =	sadd.s32 @!p0 $0x88, s6;
	s7 =	simm.s32 @p2 $0x1082  }
0x22: {  	[simem:s7], [sflag:s8] =	dma.local @!p0 [hbm:s6], $0xF7A  }
0x23: {  	s9 =	sor.u32 $0xD0000000, s2;
	s6 =	simm.s32 $0x108;
	_ =	swait.ge @!p0 [sflag:s8], $0x0  }
0x24: {  	s3 =	sadd.s32 $0x88, s3;
	s6 =	simm.s32 @!p1 $0x1082;
	[sflag:s4] =	ssyncset.s32 $0xFFFFF086  }
0x25: {  	[simem:s6], [sflag:s4] =	dma.local [hbm:s3], $0xF7A  }
0x26: {  	[smem:$0x3F98] =	sst s1;
	(tag) =	ssettag s2;
	_ =	strace s9  }
0x27: {  	s1 =	sld [smem:$0x3FA8]  }
0x28: {  	s2 =	sld [smem:$0x3FA9]  }
0x29: {  	s4 =	sld [smem:$0x3FAB]  }
0x2a: {  	p0 =	seq.s32 s5, $0x0;
	s5 =	sld [smem:$0x3FAC]  }
0x2b: {  	s6 =	sld [smem:$0x3FAD]  }
0x2c: {  	s7 =	sld [smem:$0x3FAE]  }
0x2d: {  	s3 =	simm.s32 $0x108;
	s8 =	sld [smem:$0x3FAF]  }
0x2e: {  	s3 =	simm.s32 @!p0 $0x1082;
	s9 =	sld [smem:$0x3FB0]  }
0x2f: {  	lr =	sadd.s32 s0, s3;
	s0 =	sld [smem:$0x3FA7]  }
0x30: {  	s3 =	sld [smem:$0x3FAA]  }
0x31: {  	[smem:$0x3FB3] =	sst s10  }
0x32: {  	s10 =	sld [smem:$0x3FB1];
	_ =	sdelay $0x3  }
0x33: {  	p0 =	seq.s32 s10, $0x1;
	s10 =	sld [smem:$0x3FB3];
	_ =	sdelay $0x3  }
0x34: {  	[smem:$0x3FB3] =	sst s10  }
0x35: {  	s10 =	sld [smem:$0x3FB2];
	_ =	sdelay $0x3  }
0x36: {  	p1 =	seq.s32 s10, $0x1;
	s10 =	sld [smem:$0x3FB3];
	_ =	sdelay $0x3  }
0x37: {  	[smem:$0x3FB3] =	sst s10  }
0x38: {  	s10 =	sld [smem:$0x3FB4]  }
0x39: {  	_ = 	snop;
	(pc) =	sbr.ind lr, $3  }
0x3a: {  	_ = 	snop  }
0x3b: {  	_ = 	snop  }
0x3c: {  	p2 =	seq.s32 s10, $0x1;
	s10 =	sld [smem:$0x3FB3]  }
0x3d: {  	_ =	shalt  }
0x3e: {  	_ =	shalt  }
0x3f: {  	_ =	shalt  }
0x40: {  	_ =	shalt  }
0x41: {  	_ =	shalt  }
0x42: {  	_ =	shalt  }
0x43: {  	_ =	shalt  }
0x44: {  	_ =	shalt  }
0x45: {  	_ =	shalt  }
0x46: {  	_ =	shalt  }
0x47: {  	_ =	shalt  }
0x48: {  	_ =	shalt  }
0x49: {  	_ =	shalt  }
0x4a: {  	_ =	shalt  }
0x4b: {  	_ =	shalt  }
0x4c: {  	_ =	shalt  }
0x4d: {  	_ =	shalt  }
0x4e: {  	_ =	shalt  }
0x4f: {  	_ =	shalt  }
0x50: {  	_ =	shalt  }
0x51: {  	_ =	shalt  }
0x52: {  	_ =	shalt  }
0x53: {  	_ =	shalt  }
0x54: {  	_ =	shalt  }
0x55: {  	_ =	shalt  }
0x56: {  	_ =	shalt  }
0x57: {  	_ =	shalt  }
0x58: {  	_ =	shalt  }
0x59: {  	_ =	shalt  }
0x5a: {  	_ =	shalt  }
0x5b: {  	_ =	shalt  }
0x5c: {  	_ =	shalt  }
0x5d: {  	_ =	shalt  }
0x5e: {  	_ =	shalt  }
0x5f: {  	_ =	shalt  }
0x60: {  	_ =	shalt  }
0x61: {  	_ =	shalt  }
0x62: {  	_ =	shalt  }
0x63: {  	_ =	shalt  }
0x64: {  	_ =	shalt  }
0x65: {  	_ =	shalt  }
0x66: {  	_ =	shalt  }
0x67: {  	_ =	shalt  }
0x68: {  	_ =	shalt  }
0x69: {  	_ =	shalt  }
0x6a: {  	_ =	shalt  }
0x6b: {  	_ =	shalt  }
0x6c: {  	_ =	shalt  }
0x6d: {  	_ =	shalt  }
0x6e: {  	_ =	shalt  }
0x6f: {  	_ =	shalt  }
0x70: {  	_ =	shalt  }
0x71: {  	_ =	shalt  }
0x72: {  	_ =	shalt  }
0x73: {  	_ =	shalt  }
0x74: {  	_ =	shalt  }
0x75: {  	_ =	shalt  }
0x76: {  	_ =	shalt  }
0x77: {  	_ =	shalt  }
0x78: {  	_ =	shalt  }
0x79: {  	_ =	shalt  }
0x7a: {  	_ =	shalt  }
0x7b: {  	_ =	shalt  }
0x7c: {  	_ =	shalt  }
0x7d: {  	_ =	shalt  }
0x7e: {  	_ =	shalt  }
0x7f: {  	_ =	shalt  }
0x80: {  	_ =	shalt  }
0x81: {  	_ =	shalt  }
0x82: {  	_ =	shalt  }
0x83: {  	_ =	shalt  }
0x84: {  	_ =	shalt  }
0x85: {  	_ =	shalt  }
0x86: {  	_ =	shalt  }
0x87: {  	_ =	shalt  }
.Lfunc_end0:
.L_simem_size_0:
called_computation.2_lowered:
.L_overlay_start_0:
0x88: {  	s2 =	sld [smem:$0x3FD9]  }
0x89: {  	s3 =	sld [smem:$0x3FFE];
	_ =	sdelay $0x1  }
0x8a: {  	s1 =	srdreg.scid  }
0x8b: {  	s0 =	sand.u32 $0x1, s1  }
0x8c: {  	s16 =	sshll.u32 s0, $0xA;
	s2 =	sadd.s32 s3, s2  }
0x8d: {  	s2 =	sadd.s32 s2, s16  }
0x8e: {  	[smem:$0x3FBF] =	sst s2  }
0x8f: {  	_ = 	snop  }
0x90: {  	(tm) =	ssettm $0x1  }
0x91: {  	s17 =	sld [smem:$0x3FFB];
	_ =	sdelay $0x3  }
0x92: {  	_ =	strace s17  }
0x93: {  	s2 =	sld [smem:$0x3FFC];
	_ =	sdelay $0x3  }
0x94: {  	_ =	strace s2  }
0x95: {  	s2 =	sld [smem:$0x3FFD];
	_ =	sdelay $0x3  }
0x96: {  	_ =	strace s2  }
0x97: {  	_ =	strace $0x8FFFFFFF  }
0x98: {  	s18 =	sld [smem:$0x3FDB];
	_ =	sdelay $0x1  }
0x99: {  	s19 =	simm.s32 $_scs_section_size  }
0x9a: {  	s4 =	simm.s32 $_size__tile_overlayer_lowered;
	s5 =	simm.s32 $_tile_overlayer_lowered  }
0x9b: {  	s22 =	simm.s32 $0x1BFF;
	s21 =	sshll.u32 s5, $0x1;
	s2 =	sadd.s32 s19, s18  }
0x9c: {  	s6 =	simm.s32 $0x0;
	s20 =	sshll.u32 s4, $0x1;
	s4 =	sadd.s32 s21, s2  }
0x9d: {  	[timem:s6], [sflag:s22] =	dma.local [hbm:s4], s20  }
0x9e: {  	_ =	swait.ge [sflag:s22], s20  }
0x9f: {  	s3 =	ssub.s32 $0x0, s20;
	[sflag:s22] =	ssyncset.done $0x0  }
0xa0: {  	[sflag:s22] =	ssyncadd.s32 s3;
	_ =	sdelay $0x1  }
0xa1: {  	s23 =	simm.s32 $0x1B8B  }
0xa2: {  	_ =	swait.ge [sflag:s23], $0x1  }
0xa3: {  	[sflag:s23] =	ssyncset.done $0x0  }
0xa4: {  	s25 =	simm.s32 $0x1B8E;
	s24 =	sld [smem:$0x3FFE];
	[sflag:s23] =	ssyncadd.s32 $0xFFFFFFFF  }
0xa5: {  	s26 =	simm.s32 $execute0_lowered;
	[smem:$0x3FD2] =	sst s25  }
0xa6: {  	s4 =	sshll.u32 s26, $0x1;
	_ =	strace $0x8000004C;
	[dreg:$0x1] =	wrdreg $0xFFFFFFFF  }
0xa7: {  	s28 =	simm.s32 $_size_execute0_lowered;
	s2 =	sadd.s32 s2, s4;
	[dreg:$0x0] =	wrdreg $0x0  }
0xa8: {  	s4 =	sshll.u32 s28, $0x1;
	[dreg:$0x2] =	wrdreg s2  }
0xa9: {  	[dreg:$0x3] =	wrdreg s4  }
0xaa: {  	[dreg:$0x4] =	wrdreg $0xC0  }
0xab: {  	_ =	task [dreg:s6], $0x5FFFF  }
0xac: {  	[dreg:$0x1] =	wrdreg $0xFFFFFFFF  }
0xad: {  	[dreg:$0x0] =	wrdreg $0x60  }
0xae: {  	[dreg:$0x2] =	wrdreg s24  }
0xaf: {  	[dreg:$0x3] =	wrdreg $0x82000  }
0xb0: {  	[dreg:$0x4] =	wrdreg $0x9  }
0xb1: {  	_ =	task.clear_ibuf [dreg:s6], $0x5FFFF;
	_ =	strace $0x9000004C  }
0xb2: {  	s29 =	simm.s32 $0x9;
	_ =	strace $0x8000004E  }
0xb3: {  	_ =	swait.ge [sflag:s29], $0x1  }
0xb4: {  	[sflag:s29] =	ssyncadd.s32 $0xFFFFFFFF  }
0xb5: {  	_ =	strace $0x9000004E  }
0xb6: {  	_ =	sfence  }
0xb7: {  	s30 =	sld [smem:$0x0];
	_ =	sdelay $0x2  }
0xb8: {  	s31 =	sshll.u32 s1, $0xD;
	s1 =	sshrl.u32 s1, $0x2  }
0xb9: {  	s3 =	sand.u32 $0x4000, s31;
	s1 =	sadd.s32 s1, s30  }
0xba: {  	s0 =	sor.u32 s3, s0;
	s1 =	sshll.u32 s1, $0x11  }
0xbb: {  	s0 =	sor.u32 s1, s0  }
0xbc: {  	s0 =	sadd.s32 $0x8F2B, s0  }
0xbd: {  	[sflag:s0] =	ssyncadd.remote.s32 $0x1  }
0xbe: {  	_ =	sfence.sel $0xFFFF  }
0xbf: {  	[dreg:$0x0] =	wrdreg $0xFFFFFFFF;
	(pc) =	sbr.abs _section_cstart, $3  }
0xc0: {  	[dreg:$0x1] =	wrdreg $0xFFFFFFFF  }
0xc1: {  	_ =	task.clear_ibuf [dreg:s6], $0x2FFFF;
	_ =	strace $0x9FFFFFFF  }
0xc2: {  	(tm) =	ssettm $0x7FFFFFFF  }
0xc3: {  	_ =	shalt  }
tec
execute0_lowered:
.L_overlay_start_1:
0x0: {  	(tag) =	ssettag $0x1  }
0x1: {  	s6 =	rddreg [dreg:$0x0]  }
0x2: {  	s2 =	rddreg [dreg:$0x1]  }
0x3: {  	s0 =	rddreg [dreg:$0x2];
	s1 =	stileid.u32;
	s3 =	simm.s32 $0x0  }
0x4: {  	s4 =	srdreg.scid;
	s14 =	simm.s32 $0x5;
	s15 =	simm.s32 $0x80  }
0x5: {  	s16 =	simm.s32 $0x200;
	s17 =	simm.s32 $0x100;
	s5 =	smul.u32 $0x6, s1  }
0x6: {  	s18 =	simm.s32 $0x4;
	s7 =	sand.u32 $0x1, s4;
	s4 =	smul.u32 $0x9A, s1  }
0x7: {  	s19 =	simm.s32 $0x4200;
	s20 =	simm.s32 $0x1;
	s9 =	smul.u32 $0x14000, s1  }
0x8: {  	s21 =	simm.s32 $0x0;
	[smem:$0x7FF] =	sst s3;
	s28 =	smul.u32 $0x50000, s1  }
0x9: {  	s31 =	sshll.u32 s1, $0x6;
	p0 =	seq.s32 s7, $0x0;
	s8 =	smul.u32 $0x140000, s7  }
0xa: {  	_ =	strace $0x8000004D;
	s7 =	ssub.s32 $0x2, s7;
	s5 =	sadd.s32 $0x9A0, s5  }
0xb: {  	s29 =	sshrl.u32 s7, $0x1;
	s30 =	sshrl.u32 s28, $0x2;
	s5 =	smov.u32 @p0 s4  }
0xc: {  	s4 =	sadd.s32 $0x74200, s6;
	s26 =	sadd.s32 s9, s8;
	s11 =	ssub.s32 s7, s29  }
0xd: {  	s13 =	sadd.s32 s30, s2;
	s7 =	sor.u32 $0x1C05, s31;
	s5 =	sshll.u32 s5, $0x5  }
0xe: {  	s8 =	sshrl.u32 s26, $0x3;
	s11 =	smax.u32 s11, $0x1;
	s12 =	sadd.s32 s5, s6  }
0xf: {  	s5 =	sadd.s32 $0xD200, s6;
	s10 =	sadd.s32 s8, s6;
	s6 =	simm.s32 $0x4D  }
0x10: {  	s13 =	sshrl.u32 s13, $0x3;
	s6 =	simm.s32 @!p0 $0x3;
	s8 =	sadd.s32 $0x60200, s12  }
0x11: {  	s9 =	sadd.s32 $0x60220, s12;
	s10 =	sadd.s32 $0x9C200, s10;
	s12 =	sadd.s32 $0x60240, s12  }
.LBB2_1:
0x12: {  	[spmem:s13], [sflag:s7] =	dma.local [hbm:s5], $0x2800  }
0x13: {  	_ =	swait.ge [sflag:s14], $0x2800  }
0x14: {  	[sflag:s14] =	ssyncset.done $0x0  }
0x15: {  	[sflag:s14] =	ssyncadd.s32 $0xFFFFD800  }
0x16: {  	[bflag:$0x0] =	sbarrier.arrive $0xFFFF  }
0x17: {  	[tilespmem:s3], [sflag:$0x5] =	stream.linear.gather [hbm4b:s8+s3], $0x100, $0x38;
	[tilespmem:$0x1C200] =	vst v63  }
0x18: {  	_ =	swait.ge [sflag:s14], $0x100  }
0x19: {  	[sflag:s14] =	ssyncset.done $0x0  }
0x1a: {  	[sflag:s14] =	ssyncadd.s32 $0xFFFFFF00  }
0x1b: {  	[tilespmem:s16], [sflag:$0x1] =	stream.indirect.gather [hbm4b:s4+s15], $0x80, s3, s15, $0xb8;
	[tilespmem:$0x1C200] =	vst v63  }
0x1c: {  	_ = 	snop  }
0x1d: {  	[tilespmem:s17], [sflag:$0x4] =	stream.linear.gather [hbm4b:s9+s3], $0x100, $0x38;
	[tilespmem:$0x1C200] =	vst v63  }
0x1e: {  	_ =	swait.ge [sflag:s18], $0x100  }
0x1f: {  	[sflag:s18] =	ssyncset.done $0x0  }
0x20: {  	[sflag:s18] =	ssyncadd.s32 $0xFFFFFF00  }
0x21: {  	[tilespmem:s19], [sflag:$0x2] =	stream.indirect.gather [hbm4b:s4+s15], $0x80, s17, s15, $0xb8;
	[tilespmem:$0x1C200] =	vst v63  }
0x22: {  	_ =	swait.ge [sflag:s20], $0x4000  }
0x23: {  	[sflag:s20] =	ssyncset.done $0x0  }
0x24: {  	[sflag:s20] =	ssyncadd.s32 $0xFFFFC000  }
0x25: {  	[spmem:s2] =	stream.indirect.scatter.add.f32 [tilespmem:s16], [sflag:$0x5], $0x80, s15, s15, $0xb8;
	[tilespmem:$0x1C200] =	vst v63  }
0x26: {  	_ =	swait.ge [sflag:s14], $0x4000  }
0x27: {  	p0 =	sle.u32 s6, $0x1;
	[sflag:s14] =	ssyncset.done $0x0  }
0x28: {  	s22 =	simm.s32 @p0 $0x2;
	[sflag:s14] =	ssyncadd.s32 $0xFFFFC000  }
0x29: {  	_ =	swait.ge @p0 [sflag:s22], $0x4000  }
0x2a: {  	s23 =	simm.s32 @p0 $0x4200;
	s24 =	simm.s32 @p0 $0x5;
	[sflag:s22] =	ssyncset.done @p0 $0x0  }
0x2b: {  	s25 =	simm.s32 @p0 $0x180;
	[sflag:s22] =	ssyncadd.s32 @p0 $0xFFFFC000;
	s22 =	simm.s32 @p0 $0x80  }
0x2c: {  	[spmem:s2] =	stream.indirect.scatter.add.f32 @p0 [tilespmem:s23], [sflag:$0x5], $0x80, s25, s22, $0xb8;
	[tilespmem:$0x1C200] =	vst v63  }
0x2d: {  	_ =	swait.ge @p0 [sflag:s24], $0x4000  }
0x2e: {  	[sflag:s24] =	ssyncset.done @p0 $0x0  }
0x2f: {  	s22 =	simm.s32 @!p0 $0x2;
	[sflag:s24] =	ssyncadd.s32 @p0 $0xFFFFC000;
	s24 =	simm.s32 @!p0 $0x0  }
0x30: {  	[tilespmem:s24], [sflag:$0x3] =	stream.linear.gather @!p0 [hbm4b:s12+s24], $0x100, $0x38;
	[tilespmem:$0x1C200] =	vst v63  }
0x31: {  	_ =	swait.ge @!p0 [sflag:s22], $0x4000  }
0x32: {  	s26 =	simm.s32 @!p0 $0x180;
	s23 =	simm.s32 @!p0 $0x4200;
	[sflag:s22] =	ssyncset.done @!p0 $0x0  }
0x33: {  	s25 =	simm.s32 @!p0 $0x5;
	[sflag:s22] =	ssyncadd.s32 @!p0 $0xFFFFC000;
	s22 =	simm.s32 @!p0 $0x80  }
0x34: {  	[spmem:s2] =	stream.indirect.scatter.add.f32 @!p0 [tilespmem:s23], [sflag:$0x5], $0x80, s26, s22, $0xb8;
	[tilespmem:$0x1C200] =	vst v63  }
0x35: {  	_ =	swait.ge @!p0 [sflag:s25], $0x4000  }
0x36: {  	[sflag:s25] =	ssyncset.done @!p0 $0x0  }
0x37: {  	p1 =	sne.s32 s6, $0x1;
	s23 =	simm.s32 @!p0 $0x3;
	[sflag:s25] =	ssyncadd.s32 @!p0 $0xFFFFC000  }
.Ltmp0:
0x38: {  	_ =	swait.ge @!p0 [sflag:s23], $0x100;
	(pc) =	sbr.rel @!p1 .LBB2_3-.Ltmp0, $4  }
0x39: {  	[sflag:s23] =	ssyncset.done @!p0 $0x0  }
0x3a: {  	s26 =	simm.s32 @!p0 $0x100;
	[sflag:s23] =	ssyncadd.s32 @!p0 $0xFFFFFF00;
	s23 =	simm.s32 @!p0 $0x200  }
0x3b: {  	[tilespmem:s23], [sflag:$0x1] =	stream.indirect.gather @!p0 [hbm4b:s4+s22], $0x80, s24, s22, $0xb8;
	[tilespmem:$0x1C200] =	vst v63  }
0x3c: {  	s25 =	sadd.s32 @!p0 $0x20, s12;
	s22 =	simm.s32 $0x1;
	s23 =	sadd.s32 $0x40, s12  }
.LBB2_2:
0x3d: {  	[tilespmem:s26], [sflag:$0x4] =	stream.linear.gather @!p0 [hbm4b:s25+s24], $0x100, $0x38;
	[tilespmem:$0x1C200] =	vst v63  }
0x3e: {  	s22 =	sadd.s32 $0x1, s22;
	_ =	swait.ge [sflag:s18], $0x100  }
0x3f: {  	p1 =	sne.s32 s6, s22;
	[sflag:s18] =	ssyncset.done $0x0  }
0x40: {  	[sflag:s18] =	ssyncadd.s32 $0xFFFFFF00  }
0x41: {  	[tilespmem:s19], [sflag:$0x2] =	stream.indirect.gather [hbm4b:s4+s15], $0x80, s17, s15, $0xb8;
	[tilespmem:$0x1C200] =	vst v63  }
0x42: {  	_ =	swait.ge [sflag:s20], $0x4000  }
0x43: {  	[sflag:s20] =	ssyncset.done $0x0  }
0x44: {  	[sflag:s20] =	ssyncadd.s32 $0xFFFFC000  }
0x45: {  	[spmem:s2] =	stream.indirect.scatter.add.f32 [tilespmem:s16], [sflag:$0x5], $0x80, s15, s15, $0xb8;
	[tilespmem:$0x1C200] =	vst v63  }
0x46: {  	_ =	swait.ge [sflag:s14], $0x4000  }
0x47: {  	p0 =	sge.u32 s22, s6;
	[sflag:s14] =	ssyncset.done $0x0  }
0x48: {  	s24 =	simm.s32 @p0 $0x2;
	[sflag:s14] =	ssyncadd.s32 $0xFFFFC000  }
0x49: {  	_ =	swait.ge @p0 [sflag:s24], $0x4000  }
0x4a: {  	s25 =	simm.s32 @p0 $0x4200;
	s26 =	simm.s32 @p0 $0x5;
	[sflag:s24] =	ssyncset.done @p0 $0x0  }
0x4b: {  	s28 =	simm.s32 @p0 $0x180;
	[sflag:s24] =	ssyncadd.s32 @p0 $0xFFFFC000;
	s24 =	simm.s32 @p0 $0x80  }
0x4c: {  	[spmem:s2] =	stream.indirect.scatter.add.f32 @p0 [tilespmem:s25], [sflag:$0x5], $0x80, s28, s24, $0xb8;
	[tilespmem:$0x1C200] =	vst v63  }
0x4d: {  	_ =	swait.ge @p0 [sflag:s26], $0x4000  }
0x4e: {  	[sflag:s26] =	ssyncset.done @p0 $0x0  }
0x4f: {  	s24 =	simm.s32 @!p0 $0x0;
	s25 =	simm.s32 @!p0 $0x2;
	[sflag:s26] =	ssyncadd.s32 @p0 $0xFFFFC000  }
0x50: {  	[tilespmem:s24], [sflag:$0x3] =	stream.linear.gather @!p0 [hbm4b:s23+s24], $0x100, $0x38;
	[tilespmem:$0x1C200] =	vst v63  }
0x51: {  	_ =	swait.ge @!p0 [sflag:s25], $0x4000  }
0x52: {  	s28 =	simm.s32 @!p0 $0x5;
	s26 =	simm.s32 @!p0 $0x4200;
	[sflag:s25] =	ssyncset.done @!p0 $0x0  }
0x53: {  	s29 =	simm.s32 @!p0 $0x180;
	[sflag:s25] =	ssyncadd.s32 @!p0 $0xFFFFC000;
	s25 =	simm.s32 @!p0 $0x80  }
0x54: {  	[spmem:s2] =	stream.indirect.scatter.add.f32 @!p0 [tilespmem:s26], [sflag:$0x5], $0x80, s29, s25, $0xb8;
	[tilespmem:$0x1C200] =	vst v63  }
0x55: {  	_ =	swait.ge @!p0 [sflag:s28], $0x4000  }
0x56: {  	[sflag:s28] =	ssyncset.done @!p0 $0x0  }
0x57: {  	s26 =	simm.s32 @!p0 $0x3;
	[sflag:s28] =	ssyncadd.s32 @!p0 $0xFFFFC000  }
.Ltmp1:
0x58: {  	_ =	swait.ge @!p0 [sflag:s26], $0x100;
	(pc) =	sbr.rel @p1 .LBB2_2-.Ltmp1, $4  }
0x59: {  	[sflag:s26] =	ssyncset.done @!p0 $0x0  }
0x5a: {  	[sflag:s26] =	ssyncadd.s32 @!p0 $0xFFFFFF00;
	s26 =	simm.s32 @!p0 $0x200  }
0x5b: {  	[tilespmem:s26], [sflag:$0x1] =	stream.indirect.gather @!p0 [hbm4b:s4+s25], $0x80, s24, s25, $0xb8;
	[tilespmem:$0x1C200] =	vst v63  }
0x5c: {  	s25 =	sadd.s32 @!p0 $0x20, s23;
	s26 =	simm.s32 @!p0 $0x100;
	s23 =	sadd.s32 $0x40, s23  }
.LBB2_3:
0x5d: {  	[tilespmem:s26], [sflag:$0x4] =	stream.linear.gather @!p0 [hbm4b:s25+s24], $0x100, $0x38;
	[tilespmem:$0x1C200] =	vst v63  }
0x5e: {  	s21 =	sadd.s32 $0x1, s21  }
0x5f: {  	p0 =	sne.s32 s21, s11  }
.Ltmp2:
0x60: {  	[bflag:$0x0] =	sbarrier.arrive $0xFFFF;
	(pc) =	sbr.rel @p0 .LBB2_1-.Ltmp2, $4  }
0x61: {  	[hbm:s10], [sflag:s7] =	dma.local [spmem:s13], $0x2800  }
0x62: {  	_ =	swait.ge [sflag:s14], $0x2800  }
0x63: {  	[sflag:s14] =	ssyncset.done $0x0  }
0x64: {  	[sflag:s14] =	ssyncadd.s32 $0xFFFFD800  }
0x65: {  	_ =	sfence.sel $0x180000  }
0x66: {  	[bflag:$0x0] =	sbarrier.arrive $0xFFFF  }
0x67: {  	p0 =	sne.s32 s1, $0x0;
	_ =	strace $0x9000004D  }
0x68: {  	s0 =	sadd.s32 @!p0 $0x100000, s0;
	[bflag:$0x2] =	sbarrier.arrive $0xFFFF  }
0x69: {  	[sflag:s0] =	ssyncadd.tile.s32 @!p0 $0x1;
	_ =	shalt  }
.Lfunc_end2:
_tile_overlayer_lowered:
.L_overlay_start_2:
0x6a: {  	(tag) =	ssettag $0x2  }
0x6b: {  	s0 =	rddreg [dreg:$0x0];
	s2 =	stileid.u32  }
0x6c: {  	s1 =	rddreg [dreg:$0x1];
	p0 =	sne.s32 s2, $0x0  }
0x6d: {  	s3 =	rddreg [dreg:$0x2];
	[bflag:$0x3] =	sbarrier.arrive $0xFFFF;
	s2 =	simm.s32 @!p0 $0x1C05  }
0x6e: {  	[timem:s3], [sflag:s2] =	dma.local @!p0 [hbm:s0], s1  }
0x6f: {  	s0 =	simm.s32 @!p0 $0x5  }
0x70: {  	_ =	swait.ge @!p0 [sflag:s0], s1  }
0x71: {  	s1 =	ssub.s32 @!p0 $0x0, s1;
	[sflag:s0] =	ssyncset.done @!p0 $0x0  }
0x72: {  	[sflag:s0] =	ssyncadd.s32 @!p0 s1  }
0x73: {  	[bflag:$0x3] =	sbarrier.arrive $0xFFFF  }
0x74: {  	_ =	shalt  }

// kernel: kernel.20.cloned.1.call-start
scs
__scs_entry_jumppad:
0x0: {  	(pc) =	sbr.rel $0x88, $3  }
0x1: {  	(tag) =	ssettag $0x0;
	lr =	simm.s32 $0x1  }
0x2: {  	[smem:$0x3F98] =	sst lr;
	_ =	strace $0xD0000000  }
0x3: {  	_ = 	snop  }
0x4: {  	_ = 	snop  }
0x5: {  	_ = 	snop  }
0x6: {  	_ = 	snop  }
0x7: {  	_ = 	snop  }
__scs_overlays_trampoline_lowered:
0x8: {  	[smem:$0x3FA7] =	sst s0  }
0x9: {  	[smem:$0x3FA8] =	sst s1  }
0xa: {  	[smem:$0x3FA9] =	sst s2  }
0xb: {  	[smem:$0x3FAA] =	sst s3  }
0xc: {  	[smem:$0x3FAB] =	sst s4  }
0xd: {  	[smem:$0x3FAC] =	sst s5  }
0xe: {  	[smem:$0x3FAD] =	sst s6  }
0xf: {  	[smem:$0x3FAE] =	sst s7  }
0x10: {  	[smem:$0x3FAF] =	sst s8  }
0x11: {  	[smem:$0x3FB0] =	sst s9;
	s0 =	simm.s32 @!p0 $0x0  }
0x12: {  	s1 =	sld [smem:$0x3F96];
	s0 =	simm.s32 @p0 $0x1  }
0x13: {  	[smem:$0x3FB1] =	sst s0;
	s0 =	simm.s32 @!p1 $0x0  }
0x14: {  	s2 =	sld [smem:$0x3F95];
	s0 =	simm.s32 @p1 $0x1  }
0x15: {  	[smem:$0x3FB2] =	sst s0;
	s0 =	simm.s32 @!p2 $0x0  }
0x16: {  	s3 =	sld [smem:$0x3FDB];
	s0 =	simm.s32 @p2 $0x1  }
0x17: {  	s4 =	simm.s32 $0x1BF5;
	[smem:$0x3FB4] =	sst s0  }
0x18: {  	s0 =	sld [smem:$0x3F97];
	_ =	swait.ge [sflag:s4], $0x0  }
0x19: {  	s7 =	sld [smem:$0x3F98]  }
0x1a: {  	s8 =	sadd.s32 $0xFFFFE003, lr  }
0x1b: {  	s9 =	sadd.s32 $0xFFFFFEF7, lr;
	s5 =	simm.s32 $0xFFFFFFFF;
	p2 =	slt.u32 s8, $0xFFFFF086  }
0x1c: {  	p1 =	slt.u32 s9, $0xF7A;
	s5 =	simm.s32 @!p2 $0x0  }
0x1d: {  	s5 =	simm.s32 @p1 $0x1;
	p0 =	seq.s32 s7, s2  }
0x1e: {  	s7 =	smul.u32 @!p0 $0xF7A, s2;
	p2 =	seq.s32 @!p0 s5, $0x0  }
0x1f: {  	s9 =	smul.u32 $0xF7A, s1;
	s8 =	simm.s32 @!p0 $0x1BF5;
	p2 =	por !p2, p0  }
0x20: {  	[sflag:s8] =	ssyncset.s32 @!p0 $0xFFFFF086;
	s6 =	sadd.s32 @!p0 s3, s7;
	s7 =	simm.s32 @!p0 $0x108  }
0x21: {  	s3 =	sadd.s32 s3, s9;
	s6 =	sadd.s32 @!p0 $0x88, s6;
	s7 =	simm.s32 @p2 $0x1082  }
0x22: {  	[simem:s7], [sflag:s8] =	dma.local @!p0 [hbm:s6], $0xF7A  }
0x23: {  	s9 =	sor.u32 $0xD0000000, s2;
	s6 =	simm.s32 $0x108;
	_ =	swait.ge @!p0 [sflag:s8], $0x0  }
0x24: {  	s3 =	sadd.s32 $0x88, s3;
	s6 =	simm.s32 @!p1 $0x1082;
	[sflag:s4] =	ssyncset.s32 $0xFFFFF086  }
0x25: {  	[simem:s6], [sflag:s4] =	dma.local [hbm:s3], $0xF7A  }
0x26: {  	[smem:$0x3F98] =	sst s1;
	(tag) =	ssettag s2;
	_ =	strace s9  }
0x27: {  	s1 =	sld [smem:$0x3FA8]  }
0x28: {  	s2 =	sld [smem:$0x3FA9]  }
0x29: {  	s4 =	sld [smem:$0x3FAB]  }
0x2a: {  	p0 =	seq.s32 s5, $0x0;
	s5 =	sld [smem:$0x3FAC]  }
0x2b: {  	s6 =	sld [smem:$0x3FAD]  }
0x2c: {  	s7 =	sld [smem:$0x3FAE]  }
0x2d: {  	s3 =	simm.s32 $0x108;
	s8 =	sld [smem:$0x3FAF]  }
0x2e: {  	s3 =	simm.s32 @!p0 $0x1082;
	s9 =	sld [smem:$0x3FB0]  }
0x2f: {  	lr =	sadd.s32 s0, s3;
	s0 =	sld [smem:$0x3FA7]  }
0x30: {  	s3 =	sld [smem:$0x3FAA]  }
0x31: {  	[smem:$0x3FB3] =	sst s10  }
0x32: {  	s10 =	sld [smem:$0x3FB1];
	_ =	sdelay $0x3  }
0x33: {  	p0 =	seq.s32 s10, $0x1;
	s10 =	sld [smem:$0x3FB3];
	_ =	sdelay $0x3  }
0x34: {  	[smem:$0x3FB3] =	sst s10  }
0x35: {  	s10 =	sld [smem:$0x3FB2];
	_ =	sdelay $0x3  }
0x36: {  	p1 =	seq.s32 s10, $0x1;
	s10 =	sld [smem:$0x3FB3];
	_ =	sdelay $0x3  }
0x37: {  	[smem:$0x3FB3] =	sst s10  }
0x38: {  	s10 =	sld [smem:$0x3FB4]  }
0x39: {  	_ = 	snop;
	(pc) =	sbr.ind lr, $3  }
0x3a: {  	_ = 	snop  }
0x3b: {  	_ = 	snop  }
0x3c: {  	p2 =	seq.s32 s10, $0x1;
	s10 =	sld [smem:$0x3FB3]  }
0x3d: {  	_ =	shalt  }
0x3e: {  	_ =	shalt  }
0x3f: {  	_ =	shalt  }
0x40: {  	_ =	shalt  }
0x41: {  	_ =	shalt  }
0x42: {  	_ =	shalt  }
0x43: {  	_ =	shalt  }
0x44: {  	_ =	shalt  }
0x45: {  	_ =	shalt  }
0x46: {  	_ =	shalt  }
0x47: {  	_ =	shalt  }
0x48: {  	_ =	shalt  }
0x49: {  	_ =	shalt  }
0x4a: {  	_ =	shalt  }
0x4b: {  	_ =	shalt  }
0x4c: {  	_ =	shalt  }
0x4d: {  	_ =	shalt  }
0x4e: {  	_ =	shalt  }
0x4f: {  	_ =	shalt  }
0x50: {  	_ =	shalt  }
0x51: {  	_ =	shalt  }
0x52: {  	_ =	shalt  }
0x53: {  	_ =	shalt  }
0x54: {  	_ =	shalt  }
0x55: {  	_ =	shalt  }
0x56: {  	_ =	shalt  }
0x57: {  	_ =	shalt  }
0x58: {  	_ =	shalt  }
0x59: {  	_ =	shalt  }
0x5a: {  	_ =	shalt  }
0x5b: {  	_ =	shalt  }
0x5c: {  	_ =	shalt  }
0x5d: {  	_ =	shalt  }
0x5e: {  	_ =	shalt  }
0x5f: {  	_ =	shalt  }
0x60: {  	_ =	shalt  }
0x61: {  	_ =	shalt  }
0x62: {  	_ =	shalt  }
0x63: {  	_ =	shalt  }
0x64: {  	_ =	shalt  }
0x65: {  	_ =	shalt  }
0x66: {  	_ =	shalt  }
0x67: {  	_ =	shalt  }
0x68: {  	_ =	shalt  }
0x69: {  	_ =	shalt  }
0x6a: {  	_ =	shalt  }
0x6b: {  	_ =	shalt  }
0x6c: {  	_ =	shalt  }
0x6d: {  	_ =	shalt  }
0x6e: {  	_ =	shalt  }
0x6f: {  	_ =	shalt  }
0x70: {  	_ =	shalt  }
0x71: {  	_ =	shalt  }
0x72: {  	_ =	shalt  }
0x73: {  	_ =	shalt  }
0x74: {  	_ =	shalt  }
0x75: {  	_ =	shalt  }
0x76: {  	_ =	shalt  }
0x77: {  	_ =	shalt  }
0x78: {  	_ =	shalt  }
0x79: {  	_ =	shalt  }
0x7a: {  	_ =	shalt  }
0x7b: {  	_ =	shalt  }
0x7c: {  	_ =	shalt  }
0x7d: {  	_ =	shalt  }
0x7e: {  	_ =	shalt  }
0x7f: {  	_ =	shalt  }
0x80: {  	_ =	shalt  }
0x81: {  	_ =	shalt  }
0x82: {  	_ =	shalt  }
0x83: {  	_ =	shalt  }
0x84: {  	_ =	shalt  }
0x85: {  	_ =	shalt  }
0x86: {  	_ =	shalt  }
0x87: {  	_ =	shalt  }
.Lfunc_end0:
.L_simem_size_0:
called_computation.3_lowered:
.L_overlay_start_0:
0x88: {  	s2 =	sld [smem:$0x3FD9]  }
0x89: {  	s3 =	sld [smem:$0x3FFE];
	_ =	sdelay $0x1  }
0x8a: {  	s1 =	srdreg.scid  }
0x8b: {  	s0 =	sand.u32 $0x1, s1  }
0x8c: {  	s16 =	sshll.u32 s0, $0xA;
	s2 =	sadd.s32 s3, s2  }
0x8d: {  	s2 =	sadd.s32 s2, s16  }
0x8e: {  	[smem:$0x3FBF] =	sst s2  }
0x8f: {  	_ = 	snop  }
0x90: {  	(tm) =	ssettm $0x1  }
0x91: {  	s17 =	sld [smem:$0x3FFB];
	_ =	sdelay $0x3  }
0x92: {  	_ =	strace s17  }
0x93: {  	s2 =	sld [smem:$0x3FFC];
	_ =	sdelay $0x3  }
0x94: {  	_ =	strace s2  }
0x95: {  	s2 =	sld [smem:$0x3FFD];
	_ =	sdelay $0x3  }
0x96: {  	_ =	strace s2  }
0x97: {  	_ =	strace $0x8FFFFFFF  }
0x98: {  	s18 =	sld [smem:$0x3FDB];
	_ =	sdelay $0x1  }
0x99: {  	s19 =	simm.s32 $_scs_section_size  }
0x9a: {  	s4 =	simm.s32 $_size__tile_overlayer_lowered;
	s5 =	simm.s32 $_tile_overlayer_lowered  }
0x9b: {  	s22 =	simm.s32 $0x1BFF;
	s21 =	sshll.u32 s5, $0x1;
	s2 =	sadd.s32 s19, s18  }
0x9c: {  	s6 =	simm.s32 $0x0;
	s20 =	sshll.u32 s4, $0x1;
	s4 =	sadd.s32 s21, s2  }
0x9d: {  	[timem:s6], [sflag:s22] =	dma.local [hbm:s4], s20  }
0x9e: {  	_ =	swait.ge [sflag:s22], s20  }
0x9f: {  	s3 =	ssub.s32 $0x0, s20;
	[sflag:s22] =	ssyncset.done $0x0  }
0xa0: {  	[sflag:s22] =	ssyncadd.s32 s3;
	_ =	sdelay $0x1  }
0xa1: {  	s23 =	simm.s32 $0x1B8B  }
0xa2: {  	_ =	swait.ge [sflag:s23], $0x1  }
0xa3: {  	[sflag:s23] =	ssyncset.done $0x0  }
0xa4: {  	s25 =	simm.s32 $0x1B8E;
	s24 =	sld [smem:$0x3FFE];
	[sflag:s23] =	ssyncadd.s32 $0xFFFFFFFF  }
0xa5: {  	s26 =	simm.s32 $execute0_lowered;
	[smem:$0x3FD2] =	sst s25  }
0xa6: {  	s4 =	sshll.u32 s26, $0x1;
	_ =	strace $0x8000004F;
	[dreg:$0x1] =	wrdreg $0xFFFFFFFF  }
0xa7: {  	s28 =	simm.s32 $_size_execute0_lowered;
	s2 =	sadd.s32 s2, s4;
	[dreg:$0x0] =	wrdreg $0x0  }
0xa8: {  	s4 =	sshll.u32 s28, $0x1;
	[dreg:$0x2] =	wrdreg s2  }
0xa9: {  	[dreg:$0x3] =	wrdreg s4  }
0xaa: {  	[dreg:$0x4] =	wrdreg $0xC0  }
0xab: {  	_ =	task [dreg:s6], $0x5FFFF  }
0xac: {  	[dreg:$0x1] =	wrdreg $0xFFFFFFFF  }
0xad: {  	[dreg:$0x0] =	wrdreg $0x60  }
0xae: {  	[dreg:$0x2] =	wrdreg s24  }
0xaf: {  	[dreg:$0x3] =	wrdreg $0x82000  }
0xb0: {  	[dreg:$0x4] =	wrdreg $0x9  }
0xb1: {  	_ =	task.clear_ibuf [dreg:s6], $0x5FFFF;
	_ =	strace $0x9000004F  }
0xb2: {  	s29 =	simm.s32 $0x9;
	_ =	strace $0x80000051  }
0xb3: {  	_ =	swait.ge [sflag:s29], $0x1  }
0xb4: {  	[sflag:s29] =	ssyncadd.s32 $0xFFFFFFFF  }
0xb5: {  	_ =	strace $0x90000051  }
0xb6: {  	_ =	sfence  }
0xb7: {  	s30 =	sld [smem:$0x0];
	_ =	sdelay $0x2  }
0xb8: {  	s31 =	sshll.u32 s1, $0xD;
	s1 =	sshrl.u32 s1, $0x2  }
0xb9: {  	s3 =	sand.u32 $0x4000, s31;
	s1 =	sadd.s32 s1, s30  }
0xba: {  	s0 =	sor.u32 s3, s0;
	s1 =	sshll.u32 s1, $0x11  }
0xbb: {  	s0 =	sor.u32 s1, s0  }
0xbc: {  	s0 =	sadd.s32 $0x8F2B, s0  }
0xbd: {  	[sflag:s0] =	ssyncadd.remote.s32 $0x1  }
0xbe: {  	_ =	sfence.sel $0xFFFF  }
0xbf: {  	[dreg:$0x0] =	wrdreg $0xFFFFFFFF;
	(pc) =	sbr.abs _section_cstart, $3  }
0xc0: {  	[dreg:$0x1] =	wrdreg $0xFFFFFFFF  }
0xc1: {  	_ =	task.clear_ibuf [dreg:s6], $0x2FFFF;
	_ =	strace $0x9FFFFFFF  }
0xc2: {  	(tm) =	ssettm $0x7FFFFFFF  }
0xc3: {  	_ =	shalt  }
tec
execute0_lowered:
.L_overlay_start_1:
0x0: {  	(tag) =	ssettag $0x1  }
0x1: {  	s6 =	rddreg [dreg:$0x0]  }
0x2: {  	s2 =	rddreg [dreg:$0x1]  }
0x3: {  	s0 =	rddreg [dreg:$0x2];
	s1 =	stileid.u32;
	s3 =	simm.s32 $0x0  }
0x4: {  	s4 =	srdreg.scid;
	s14 =	simm.s32 $0x5;
	s15 =	simm.s32 $0x80  }
0x5: {  	s16 =	simm.s32 $0x200;
	s17 =	simm.s32 $0x100;
	s5 =	smul.u32 $0x6, s1  }
0x6: {  	s18 =	simm.s32 $0x4;
	s7 =	sand.u32 $0x1, s4;
	s4 =	smul.u32 $0x9A, s1  }
0x7: {  	s19 =	simm.s32 $0x4200;
	s20 =	simm.s32 $0x1;
	s9 =	smul.u32 $0x14000, s1  }
0x8: {  	s21 =	simm.s32 $0x0;
	[smem:$0x7FF] =	sst s3;
	s28 =	smul.u32 $0x50000, s1  }
0x9: {  	s31 =	sshll.u32 s1, $0x6;
	p0 =	seq.s32 s7, $0x0;
	s8 =	smul.u32 $0x140000, s7  }
0xa: {  	_ =	strace $0x80000050;
	s7 =	ssub.s32 $0x2, s7;
	s5 =	sadd.s32 $0x9A0, s5  }
0xb: {  	s29 =	sshrl.u32 s7, $0x1;
	s30 =	sshrl.u32 s28, $0x2;
	s5 =	smov.u32 @p0 s4  }
0xc: {  	s4 =	sadd.s32 $0x74200, s6;
	s26 =	sadd.s32 s9, s8;
	s11 =	ssub.s32 s7, s29  }
0xd: {  	s13 =	sadd.s32 s30, s2;
	s7 =	sor.u32 $0x1C05, s31;
	s5 =	sshll.u32 s5, $0x5  }
0xe: {  	s8 =	sshrl.u32 s26, $0x3;
	s11 =	smax.u32 s11, $0x1;
	s12 =	sadd.s32 s5, s6  }
0xf: {  	s5 =	sadd.s32 $0xD200, s6;
	s10 =	sadd.s32 s8, s6;
	s6 =	simm.s32 $0x4D  }
0x10: {  	s13 =	sshrl.u32 s13, $0x3;
	s6 =	simm.s32 @!p0 $0x3;
	s8 =	sadd.s32 $0x60200, s12  }
0x11: {  	s9 =	sadd.s32 $0x60220, s12;
	s10 =	sadd.s32 $0x9C200, s10;
	s12 =	sadd.s32 $0x60240, s12  }
.LBB2_1:
0x12: {  	[spmem:s13], [sflag:s7] =	dma.local [hbm:s5], $0x2800  }
0x13: {  	_ =	swait.ge [sflag:s14], $0x2800  }
0x14: {  	[sflag:s14] =	ssyncset.done $0x0  }
0x15: {  	[sflag:s14] =	ssyncadd.s32 $0xFFFFD800  }
0x16: {  	[bflag:$0x0] =	sbarrier.arrive $0xFFFF  }
0x17: {  	[tilespmem:s3], [sflag:$0x5] =	stream.linear.gather [hbm4b:s8+s3], $0x100, $0x38;
	[tilespmem:$0x1C200] =	vst v63  }
0x18: {  	_ =	swait.ge [sflag:s14], $0x100  }
0x19: {  	[sflag:s14] =	ssyncset.done $0x0  }
0x1a: {  	[sflag:s14] =	ssyncadd.s32 $0xFFFFFF00  }
0x1b: {  	[tilespmem:s16], [sflag:$0x1] =	stream.indirect.gather [hbm4b:s4+s15], $0x80, s3, s15, $0xb8;
	[tilespmem:$0x1C200] =	vst v63  }
0x1c: {  	_ = 	snop  }
0x1d: {  	[tilespmem:s17], [sflag:$0x4] =	stream.linear.gather [hbm4b:s9+s3], $0x100, $0x38;
	[tilespmem:$0x1C200] =	vst v63  }
0x1e: {  	_ =	swait.ge [sflag:s18], $0x100  }
0x1f: {  	[sflag:s18] =	ssyncset.done $0x0  }
0x20: {  	[sflag:s18] =	ssyncadd.s32 $0xFFFFFF00  }
0x21: {  	[tilespmem:s19], [sflag:$0x2] =	stream.indirect.gather [hbm4b:s4+s15], $0x80, s17, s15, $0xb8;
	[tilespmem:$0x1C200] =	vst v63  }
0x22: {  	_ =	swait.ge [sflag:s20], $0x4000  }
0x23: {  	[sflag:s20] =	ssyncset.done $0x0  }
0x24: {  	[sflag:s20] =	ssyncadd.s32 $0xFFFFC000  }
0x25: {  	[spmem:s2] =	stream.indirect.scatter.add.f32 [tilespmem:s16], [sflag:$0x5], $0x80, s15, s15, $0xb8;
	[tilespmem:$0x1C200] =	vst v63  }
0x26: {  	_ =	swait.ge [sflag:s14], $0x4000  }
0x27: {  	p0 =	sle.u32 s6, $0x1;
	[sflag:s14] =	ssyncset.done $0x0  }
0x28: {  	s22 =	simm.s32 @p0 $0x2;
	[sflag:s14] =	ssyncadd.s32 $0xFFFFC000  }
0x29: {  	_ =	swait.ge @p0 [sflag:s22], $0x4000  }
0x2a: {  	s23 =	simm.s32 @p0 $0x4200;
	s24 =	simm.s32 @p0 $0x5;
	[sflag:s22] =	ssyncset.done @p0 $0x0  }
0x2b: {  	s25 =	simm.s32 @p0 $0x180;
	[sflag:s22] =	ssyncadd.s32 @p0 $0xFFFFC000;
	s22 =	simm.s32 @p0 $0x80  }
0x2c: {  	[spmem:s2] =	stream.indirect.scatter.add.f32 @p0 [tilespmem:s23], [sflag:$0x5], $0x80, s25, s22, $0xb8;
	[tilespmem:$0x1C200] =	vst v63  }
0x2d: {  	_ =	swait.ge @p0 [sflag:s24], $0x4000  }
0x2e: {  	[sflag:s24] =	ssyncset.done @p0 $0x0  }
0x2f: {  	s22 =	simm.s32 @!p0 $0x2;
	[sflag:s24] =	ssyncadd.s32 @p0 $0xFFFFC000;
	s24 =	simm.s32 @!p0 $0x0  }
0x30: {  	[tilespmem:s24], [sflag:$0x3] =	stream.linear.gather @!p0 [hbm4b:s12+s24], $0x100, $0x38;
	[tilespmem:$0x1C200] =	vst v63  }
0x31: {  	_ =	swait.ge @!p0 [sflag:s22], $0x4000  }
0x32: {  	s26 =	simm.s32 @!p0 $0x180;
	s23 =	simm.s32 @!p0 $0x4200;
	[sflag:s22] =	ssyncset.done @!p0 $0x0  }
0x33: {  	s25 =	simm.s32 @!p0 $0x5;
	[sflag:s22] =	ssyncadd.s32 @!p0 $0xFFFFC000;
	s22 =	simm.s32 @!p0 $0x80  }
0x34: {  	[spmem:s2] =	stream.indirect.scatter.add.f32 @!p0 [tilespmem:s23], [sflag:$0x5], $0x80, s26, s22, $0xb8;
	[tilespmem:$0x1C200] =	vst v63  }
0x35: {  	_ =	swait.ge @!p0 [sflag:s25], $0x4000  }
0x36: {  	[sflag:s25] =	ssyncset.done @!p0 $0x0  }
0x37: {  	p1 =	sne.s32 s6, $0x1;
	s23 =	simm.s32 @!p0 $0x3;
	[sflag:s25] =	ssyncadd.s32 @!p0 $0xFFFFC000  }
.Ltmp0:
0x38: {  	_ =	swait.ge @!p0 [sflag:s23], $0x100;
	(pc) =	sbr.rel @!p1 .LBB2_3-.Ltmp0, $4  }
0x39: {  	[sflag:s23] =	ssyncset.done @!p0 $0x0  }
0x3a: {  	s26 =	simm.s32 @!p0 $0x100;
	[sflag:s23] =	ssyncadd.s32 @!p0 $0xFFFFFF00;
	s23 =	simm.s32 @!p0 $0x200  }
0x3b: {  	[tilespmem:s23], [sflag:$0x1] =	stream.indirect.gather @!p0 [hbm4b:s4+s22], $0x80, s24, s22, $0xb8;
	[tilespmem:$0x1C200] =	vst v63  }
0x3c: {  	s25 =	sadd.s32 @!p0 $0x20, s12;
	s22 =	simm.s32 $0x1;
	s23 =	sadd.s32 $0x40, s12  }
.LBB2_2:
0x3d: {  	[tilespmem:s26], [sflag:$0x4] =	stream.linear.gather @!p0 [hbm4b:s25+s24], $0x100, $0x38;
	[tilespmem:$0x1C200] =	vst v63  }
0x3e: {  	s22 =	sadd.s32 $0x1, s22;
	_ =	swait.ge [sflag:s18], $0x100  }
0x3f: {  	p1 =	sne.s32 s6, s22;
	[sflag:s18] =	ssyncset.done $0x0  }
0x40: {  	[sflag:s18] =	ssyncadd.s32 $0xFFFFFF00  }
0x41: {  	[tilespmem:s19], [sflag:$0x2] =	stream.indirect.gather [hbm4b:s4+s15], $0x80, s17, s15, $0xb8;
	[tilespmem:$0x1C200] =	vst v63  }
0x42: {  	_ =	swait.ge [sflag:s20], $0x4000  }
0x43: {  	[sflag:s20] =	ssyncset.done $0x0  }
0x44: {  	[sflag:s20] =	ssyncadd.s32 $0xFFFFC000  }
0x45: {  	[spmem:s2] =	stream.indirect.scatter.add.f32 [tilespmem:s16], [sflag:$0x5], $0x80, s15, s15, $0xb8;
	[tilespmem:$0x1C200] =	vst v63  }
0x46: {  	_ =	swait.ge [sflag:s14], $0x4000  }
0x47: {  	p0 =	sge.u32 s22, s6;
	[sflag:s14] =	ssyncset.done $0x0  }
0x48: {  	s24 =	simm.s32 @p0 $0x2;
	[sflag:s14] =	ssyncadd.s32 $0xFFFFC000  }
0x49: {  	_ =	swait.ge @p0 [sflag:s24], $0x4000  }
0x4a: {  	s25 =	simm.s32 @p0 $0x4200;
	s26 =	simm.s32 @p0 $0x5;
	[sflag:s24] =	ssyncset.done @p0 $0x0  }
0x4b: {  	s28 =	simm.s32 @p0 $0x180;
	[sflag:s24] =	ssyncadd.s32 @p0 $0xFFFFC000;
	s24 =	simm.s32 @p0 $0x80  }
0x4c: {  	[spmem:s2] =	stream.indirect.scatter.add.f32 @p0 [tilespmem:s25], [sflag:$0x5], $0x80, s28, s24, $0xb8;
	[tilespmem:$0x1C200] =	vst v63  }
0x4d: {  	_ =	swait.ge @p0 [sflag:s26], $0x4000  }
0x4e: {  	[sflag:s26] =	ssyncset.done @p0 $0x0  }
0x4f: {  	s24 =	simm.s32 @!p0 $0x0;
	s25 =	simm.s32 @!p0 $0x2;
	[sflag:s26] =	ssyncadd.s32 @p0 $0xFFFFC000  }
0x50: {  	[tilespmem:s24], [sflag:$0x3] =	stream.linear.gather @!p0 [hbm4b:s23+s24], $0x100, $0x38;
	[tilespmem:$0x1C200] =	vst v63  }
0x51: {  	_ =	swait.ge @!p0 [sflag:s25], $0x4000  }
0x52: {  	s28 =	simm.s32 @!p0 $0x5;
	s26 =	simm.s32 @!p0 $0x4200;
	[sflag:s25] =	ssyncset.done @!p0 $0x0  }
0x53: {  	s29 =	simm.s32 @!p0 $0x180;
	[sflag:s25] =	ssyncadd.s32 @!p0 $0xFFFFC000;
	s25 =	simm.s32 @!p0 $0x80  }
0x54: {  	[spmem:s2] =	stream.indirect.scatter.add.f32 @!p0 [tilespmem:s26], [sflag:$0x5], $0x80, s29, s25, $0xb8;
	[tilespmem:$0x1C200] =	vst v63  }
0x55: {  	_ =	swait.ge @!p0 [sflag:s28], $0x4000  }
0x56: {  	[sflag:s28] =	ssyncset.done @!p0 $0x0  }
0x57: {  	s26 =	simm.s32 @!p0 $0x3;
	[sflag:s28] =	ssyncadd.s32 @!p0 $0xFFFFC000  }
.Ltmp1:
0x58: {  	_ =	swait.ge @!p0 [sflag:s26], $0x100;
	(pc) =	sbr.rel @p1 .LBB2_2-.Ltmp1, $4  }
0x59: {  	[sflag:s26] =	ssyncset.done @!p0 $0x0  }
0x5a: {  	[sflag:s26] =	ssyncadd.s32 @!p0 $0xFFFFFF00;
	s26 =	simm.s32 @!p0 $0x200  }
0x5b: {  	[tilespmem:s26], [sflag:$0x1] =	stream.indirect.gather @!p0 [hbm4b:s4+s25], $0x80, s24, s25, $0xb8;
	[tilespmem:$0x1C200] =	vst v63  }
0x5c: {  	s25 =	sadd.s32 @!p0 $0x20, s23;
	s26 =	simm.s32 @!p0 $0x100;
	s23 =	sadd.s32 $0x40, s23  }
.LBB2_3:
0x5d: {  	[tilespmem:s26], [sflag:$0x4] =	stream.linear.gather @!p0 [hbm4b:s25+s24], $0x100, $0x38;
	[tilespmem:$0x1C200] =	vst v63  }
0x5e: {  	s21 =	sadd.s32 $0x1, s21  }
0x5f: {  	p0 =	sne.s32 s21, s11  }
.Ltmp2:
0x60: {  	[bflag:$0x0] =	sbarrier.arrive $0xFFFF;
	(pc) =	sbr.rel @p0 .LBB2_1-.Ltmp2, $4  }
0x61: {  	[hbm:s10], [sflag:s7] =	dma.local [spmem:s13], $0x2800  }
0x62: {  	_ =	swait.ge [sflag:s14], $0x2800  }
0x63: {  	[sflag:s14] =	ssyncset.done $0x0  }
0x64: {  	[sflag:s14] =	ssyncadd.s32 $0xFFFFD800  }
0x65: {  	_ =	sfence.sel $0x180000  }
0x66: {  	[bflag:$0x0] =	sbarrier.arrive $0xFFFF  }
0x67: {  	p0 =	sne.s32 s1, $0x0;
	_ =	strace $0x90000050  }
0x68: {  	s0 =	sadd.s32 @!p0 $0x100000, s0;
	[bflag:$0x2] =	sbarrier.arrive $0xFFFF  }
0x69: {  	[sflag:s0] =	ssyncadd.tile.s32 @!p0 $0x1;
	_ =	shalt  }
.Lfunc_end2:
_tile_overlayer_lowered:
.L_overlay_start_2:
0x6a: {  	(tag) =	ssettag $0x2  }
0x6b: {  	s0 =	rddreg [dreg:$0x0];
	s2 =	stileid.u32  }
0x6c: {  	s1 =	rddreg [dreg:$0x1];
	p0 =	sne.s32 s2, $0x0  }
0x6d: {  	s3 =	rddreg [dreg:$0x2];
	[bflag:$0x3] =	sbarrier.arrive $0xFFFF;
	s2 =	simm.s32 @!p0 $0x1C05  }
0x6e: {  	[timem:s3], [sflag:s2] =	dma.local @!p0 [hbm:s0], s1  }
0x6f: {  	s0 =	simm.s32 @!p0 $0x5  }
0x70: {  	_ =	swait.ge @!p0 [sflag:s0], s1  }
0x71: {  	s1 =	ssub.s32 @!p0 $0x0, s1;
	[sflag:s0] =	ssyncset.done @!p0 $0x0  }
0x72: {  	[sflag:s0] =	ssyncadd.s32 @!p0 s1  }
0x73: {  	[bflag:$0x3] =	sbarrier.arrive $0xFFFF  }
0x74: {  	_ =	shalt  }

</sc_bundles>
